<compile_context>
chip_gen: v7x
topology: tpu7x:2x2x1
jax: 0.10.2.dev20260603
libtpu: 0.0.44.dev20260713+nightly
codegen_flags: <defaults>
</compile_context>

<pallas_src>
import dataclasses

import jax
import jax.numpy as jnp
from jax import lax
from jax.experimental import pallas as pl
from jax.experimental.pallas import tpu as pltpu
from jax.experimental.pallas import tpu_sc as plsc

N_NODES = 10000
D_FEAT = 128
N_EDGES = 320000

NUM_CORES = 2
NUM_SUBCORES = 16
LANES = 16
NW = NUM_CORES * NUM_SUBCORES

E_PER_W = N_EDGES // NW
W_CHUNK = 400
N_CHUNKS = E_PER_W // W_CHUNK
ROWS_PAD = 400
N_GROUPS = ROWS_PAD // LANES
BLANES = 32


def _edge_dot_kernel(x_hbm, src_hbm, dst_hbm, out_hbm, *s):
    idx_s, idx_d = s[0], s[1]
    rows_a = s[2:4]
    rows_b = s[4:6]
    out_v = s[6:8]
    acc = s[8]
    sem_a = s[9:11]
    sem_b = s[11:13]
    sem_o = s[13:15]

    wid = lax.axis_index("s") * NUM_CORES + lax.axis_index("c")
    base = wid * E_PER_W
    row_ids = lax.iota(jnp.int32, LANES)

    pltpu.sync_copy(src_hbm.at[pl.ds(base, E_PER_W)], idx_s)
    pltpu.sync_copy(dst_hbm.at[pl.ds(base, E_PER_W)], idx_d)

    def start(slot, cix):
        off = cix * W_CHUNK
        pltpu.async_copy(x_hbm.at[idx_s.at[pl.ds(off, W_CHUNK)]],
                         rows_a[slot].at[pl.ds(0, W_CHUNK)], sem_a[slot])
        pltpu.async_copy(x_hbm.at[idx_d.at[pl.ds(off, W_CHUNK)]],
                         rows_b[slot].at[pl.ds(0, W_CHUNK)], sem_b[slot])

    def wait(slot, cix):
        off = cix * W_CHUNK
        pltpu.make_async_copy(x_hbm.at[idx_s.at[pl.ds(off, W_CHUNK)]],
                              rows_a[slot].at[pl.ds(0, W_CHUNK)], sem_a[slot]).wait()
        pltpu.make_async_copy(x_hbm.at[idx_d.at[pl.ds(off, W_CHUNK)]],
                              rows_b[slot].at[pl.ds(0, W_CHUNK)], sem_b[slot]).wait()

    def wait_store(slot, cix):
        pltpu.make_async_copy(out_v[slot].at[pl.ds(0, W_CHUNK)],
                              out_hbm.at[pl.ds(base + cix * W_CHUNK, W_CHUNK)],
                              sem_o[slot]).wait()

    def compute_store(slot, cix):
        ra, rb, ov = rows_a[slot], rows_b[slot], out_v[slot]

        @pl.loop(0, N_GROUPS)
        def _group(g):
            gbase = g * LANES
            vs = []
            for w2 in range(LANES):
                ww = gbase + w2
                p = [plsc.bitcast(ra[ww, pl.ds(k * LANES, LANES)], jnp.bfloat16)
                     * plsc.bitcast(rb[ww, pl.ds(k * LANES, LANES)], jnp.bfloat16)
                     for k in range(D_FEAT // BLANES)]
                r = (p[0] + p[1]) + (p[2] + p[3])
                u0, u1 = plsc.unpack(r, format=plsc.PackFormat.INTERLEAVED)
                vs.append(u0 + u1)
            for w2 in range(LANES):
                acc[w2, pl.ds(0, LANES)] = vs[w2]
            tot = jnp.zeros((LANES,), jnp.float32)
            for l in range(LANES):
                lane_ids = jnp.full((LANES,), l, jnp.int32)
                tot = tot + plsc.load_gather(acc, [row_ids, lane_ids])
            ov[pl.ds(gbase, LANES)] = tot

        pltpu.async_copy(ov.at[pl.ds(0, W_CHUNK)],
                         out_hbm.at[pl.ds(base + cix * W_CHUNK, W_CHUNK)],
                         sem_o[slot])

    start(0, 0)

    @pl.loop(0, N_CHUNKS)
    def _chunk(cur):
        for b in range(2):

            @pl.when(cur % 2 == b)
            def _():
                @pl.when(cur + 1 < N_CHUNKS)
                def _():
                    start(1 - b, cur + 1)

                wait(b, cur)

                @pl.when(cur >= 2)
                def _():
                    wait_store(b, cur - 2)

                compute_store(b, cur)

    wait_store((N_CHUNKS - 2) % 2, N_CHUNKS - 2)
    wait_store((N_CHUNKS - 1) % 2, N_CHUNKS - 1)


def kernel(x, edge_index):
    src = edge_index[0].astype(jnp.int32)
    dst = edge_index[1].astype(jnp.int32)
    x_bf = x.astype(jnp.bfloat16)
    x_pk = jax.lax.bitcast_convert_type(
        x_bf.reshape(N_NODES, D_FEAT // 2, 2), jnp.int32)

    mesh = plsc.VectorSubcoreMesh(core_axis_name="c", subcore_axis_name="s")
    cp = pltpu.CompilerParams()
    if "needs_layout_passes" in pltpu.CompilerParams.__dataclass_fields__:
        cp = dataclasses.replace(cp, needs_layout_passes=False)
    if "use_tc_tiling_on_sc" in pltpu.CompilerParams.__dataclass_fields__:
        cp = dataclasses.replace(cp, use_tc_tiling_on_sc=False)
    f = pl.kernel(
        _edge_dot_kernel,
        out_type=jax.ShapeDtypeStruct((N_EDGES,), jnp.float32),
        mesh=mesh,
        scratch_types=(
            [pltpu.VMEM((E_PER_W,), jnp.int32) for _ in range(2)]
            + [pltpu.VMEM((ROWS_PAD, D_FEAT // 2), jnp.int32) for _ in range(4)]
            + [pltpu.VMEM((ROWS_PAD,), jnp.float32) for _ in range(2)]
            + [pltpu.VMEM((LANES, LANES + 1), jnp.float32)]
            + [pltpu.SemaphoreType.DMA for _ in range(6)]
        ),
        compiler_params=cp,
    )
    return f(x_pk, src, dst)

# --- scband reference (transcript-rebuilt; emitter-appended) ---
"""Pipeline reference for scband-edge-dot-product-mpn-50414326121237 (READ-ONLY COPY).

The authoritative reference and input builder live on the scoring server;
editing this copy changes nothing except your own understanding.
"""

import jax, jax.numpy as jnp
import numpy as np


def setup_inputs(seed: int = 0) -> dict:
    key = jax.random.key(seed)
    k_x, k_e = jax.random.split(key, 2)
    n_nodes = 10000
    d_feat = 128
    n_edges = 320000
    x = jax.random.normal(k_x, (n_nodes, d_feat), dtype=jnp.float32)
    edge_index = jax.random.randint(k_e, (2, n_edges), 0, n_nodes, dtype=jnp.int64)
    return {"x": x, "edge_index": edge_index}


def reference(x, edge_index):
    src = edge_index[0]
    dst = edge_index[1]
    x_src = jnp.take(x, src, axis=0)
    x_dst = jnp.take(x, dst, axis=0)
    return (x_src * x_dst).sum(-1)

if __name__ == "__main__":
    import jax
    _d = setup_inputs()
    print(jax.jit(kernel)(*tuple(_d.values())))

</pallas_src>

<mosaic_0001>
#map = affine_map<(d0, d1) -> (0, 0)>
#map1 = affine_map<(d0, d1) -> (0)>
module attributes {stable_mosaic.version = 14 : i64} {
  func.func @_edge_dot_kernel(%arg0: i32, %arg1: i32, %arg2: memref<10000x64xi32, #tpu.memory_space<hbm>>, %arg3: memref<320000xi32, #tpu.memory_space<hbm>>, %arg4: memref<320000xi32, #tpu.memory_space<hbm>>, %arg5: memref<320000xf32, #tpu.memory_space<hbm>>, %arg6: memref<10000xi32, #tpu.memory_space<vmem>>, %arg7: memref<10000xi32, #tpu.memory_space<vmem>>, %arg8: memref<400x64xi32, #tpu.memory_space<vmem>>, %arg9: memref<400x64xi32, #tpu.memory_space<vmem>>, %arg10: memref<400x64xi32, #tpu.memory_space<vmem>>, %arg11: memref<400x64xi32, #tpu.memory_space<vmem>>, %arg12: memref<400xf32, #tpu.memory_space<vmem>>, %arg13: memref<400xf32, #tpu.memory_space<vmem>>, %arg14: memref<16x17xf32, #tpu.memory_space<vmem>>, %arg15: memref<!tpu.dma_semaphore, #tpu.memory_space<semaphore_mem>>, %arg16: memref<!tpu.dma_semaphore, #tpu.memory_space<semaphore_mem>>, %arg17: memref<!tpu.dma_semaphore, #tpu.memory_space<semaphore_mem>>, %arg18: memref<!tpu.dma_semaphore, #tpu.memory_space<semaphore_mem>>, %arg19: memref<!tpu.dma_semaphore, #tpu.memory_space<semaphore_mem>>, %arg20: memref<!tpu.dma_semaphore, #tpu.memory_space<semaphore_mem>>) attributes {dimension_semantics = [#tpu.dimension_semantics<core_parallel>, #tpu.dimension_semantics<subcore_parallel>], iteration_bounds = array<i64: 2, 16>, scalar_prefetch = 0 : i64, scratch_operands = 15 : i64, tpu.core_type = #tpu.core_type<sc_vector_subcore>, window_params = [{transform_indices = #map}, {transform_indices = #map1}, {transform_indices = #map1}, {transform_indices = #map1}]} {
    %mul3A = arith.constant 2 : i32
    %mul3A_0 = arith.muli %arg1, %mul3A : i32
    %add3A = arith.addi %mul3A_0, %arg0 : i32
    %mul3A_1 = arith.constant 10000 : i32
    %mul3A_2 = arith.muli %add3A, %mul3A_1 : i32
    %iota3A = tpu.iota {dimensions = array<i32: 0>} : vector<16xi32>
    "tpu.region"() ({
      %run_scoped3A = tpu.sem_alloc : memref<!tpu.dma_semaphore, #tpu.memory_space<semaphore_mem>>
      %dma_start3A_37 = tpu.memref_slice %arg3[%mul3A_2] : memref<320000xi32, #tpu.memory_space<hbm>> -> memref<10000xi32, #tpu.memory_space<hbm>>
      %dma_start3A_38 = tpu.memref_slice %arg3[%mul3A_2] : memref<320000xi32, #tpu.memory_space<hbm>> -> memref<10000xi32, #tpu.memory_space<hbm>>
      tpu.enqueue_dma source(%dma_start3A_38 : memref<10000xi32, #tpu.memory_space<hbm>>) target(%arg6 : memref<10000xi32, #tpu.memory_space<vmem>>) target_semaphore(%run_scoped3A : memref<!tpu.dma_semaphore, #tpu.memory_space<semaphore_mem>>)
      %dma_wait3A_39 = tpu.memref_slice %arg3[%mul3A_2] : memref<320000xi32, #tpu.memory_space<hbm>> -> memref<10000xi32, #tpu.memory_space<hbm>>
      %dma_wait3A_40 = tpu.memref_slice %arg3[%mul3A_2] : memref<320000xi32, #tpu.memory_space<hbm>> -> memref<10000xi32, #tpu.memory_space<hbm>>
      tpu.wait_dma2 semaphore(%run_scoped3A : memref<!tpu.dma_semaphore, #tpu.memory_space<semaphore_mem>>) src(%dma_wait3A_40 : memref<10000xi32, #tpu.memory_space<hbm>>) dst(%arg6 : memref<10000xi32, #tpu.memory_space<vmem>>)
      tpu.yield
    }) : () -> ()
    "tpu.region"() ({
      %run_scoped3A = tpu.sem_alloc : memref<!tpu.dma_semaphore, #tpu.memory_space<semaphore_mem>>
      %dma_start3A_37 = tpu.memref_slice %arg4[%mul3A_2] : memref<320000xi32, #tpu.memory_space<hbm>> -> memref<10000xi32, #tpu.memory_space<hbm>>
      %dma_start3A_38 = tpu.memref_slice %arg4[%mul3A_2] : memref<320000xi32, #tpu.memory_space<hbm>> -> memref<10000xi32, #tpu.memory_space<hbm>>
      tpu.enqueue_dma source(%dma_start3A_38 : memref<10000xi32, #tpu.memory_space<hbm>>) target(%arg7 : memref<10000xi32, #tpu.memory_space<vmem>>) target_semaphore(%run_scoped3A : memref<!tpu.dma_semaphore, #tpu.memory_space<semaphore_mem>>)
      %dma_wait3A_39 = tpu.memref_slice %arg4[%mul3A_2] : memref<320000xi32, #tpu.memory_space<hbm>> -> memref<10000xi32, #tpu.memory_space<hbm>>
      %dma_wait3A_40 = tpu.memref_slice %arg4[%mul3A_2] : memref<320000xi32, #tpu.memory_space<hbm>> -> memref<10000xi32, #tpu.memory_space<hbm>>
      tpu.wait_dma2 semaphore(%run_scoped3A : memref<!tpu.dma_semaphore, #tpu.memory_space<semaphore_mem>>) src(%dma_wait3A_40 : memref<10000xi32, #tpu.memory_space<hbm>>) dst(%arg7 : memref<10000xi32, #tpu.memory_space<vmem>>)
      tpu.yield
    }) : () -> ()
    %dma_start3A = arith.constant 0 : i32
    %dma_start3A_3 = arith.constant 0 : i32
    %dma_start3A_4 = tpu.memref_slice %arg8[%dma_start3A, %dma_start3A_3] : memref<400x64xi32, #tpu.memory_space<vmem>> -> memref<400x64xi32, #tpu.memory_space<vmem>>
    %dma_start3A_5 = arith.constant 0 : i32
    %dma_start3A_6 = tpu.memref_slice %arg6[%dma_start3A_5] : memref<10000xi32, #tpu.memory_space<vmem>> -> memref<400xi32, #tpu.memory_space<vmem>>
    %dma_start3A_7 = arith.constant 0 : i32
    %dma_start3A_8 = arith.constant 0 : i32
    %dma_start3A_9 = tpu.memref_slice %arg2[%dma_start3A_7, %dma_start3A_8] : memref<10000x64xi32, #tpu.memory_space<hbm>> -> memref<10000x64xi32, #tpu.memory_space<hbm>>
    tpu.enqueue_indirect_dma source(%dma_start3A_9 : memref<10000x64xi32, #tpu.memory_space<hbm>>) target(%dma_start3A_4 : memref<400x64xi32, #tpu.memory_space<vmem>>) offsets(%dma_start3A_6 : memref<400xi32, #tpu.memory_space<vmem>>) semaphore(%arg15 : memref<!tpu.dma_semaphore, #tpu.memory_space<semaphore_mem>>)
    %dma_start3A_10 = arith.constant 0 : i32
    %dma_start3A_11 = arith.constant 0 : i32
    %dma_start3A_12 = tpu.memref_slice %arg10[%dma_start3A_10, %dma_start3A_11] : memref<400x64xi32, #tpu.memory_space<vmem>> -> memref<400x64xi32, #tpu.memory_space<vmem>>
    %dma_start3A_13 = arith.constant 0 : i32
    %dma_start3A_14 = tpu.memref_slice %arg7[%dma_start3A_13] : memref<10000xi32, #tpu.memory_space<vmem>> -> memref<400xi32, #tpu.memory_space<vmem>>
    %dma_start3A_15 = arith.constant 0 : i32
    %dma_start3A_16 = arith.constant 0 : i32
    %dma_start3A_17 = tpu.memref_slice %arg2[%dma_start3A_15, %dma_start3A_16] : memref<10000x64xi32, #tpu.memory_space<hbm>> -> memref<10000x64xi32, #tpu.memory_space<hbm>>
    tpu.enqueue_indirect_dma source(%dma_start3A_17 : memref<10000x64xi32, #tpu.memory_space<hbm>>) target(%dma_start3A_12 : memref<400x64xi32, #tpu.memory_space<vmem>>) offsets(%dma_start3A_14 : memref<400xi32, #tpu.memory_space<vmem>>) semaphore(%arg17 : memref<!tpu.dma_semaphore, #tpu.memory_space<semaphore_mem>>)
    %scan3A = arith.constant 0 : i32
    %scan3A_18 = arith.constant 25 : i32
    %scan3A_19 = arith.addi %scan3A, %scan3A_18 : i32
    %scan3A_20 = arith.constant 1 : i32
    scf.for %scan3A_37 = %scan3A to %scan3A_19 step %scan3A_20  : i32 {
      %mul3A_38 = arith.constant 1 : i32
      %mul3A_39 = arith.muli %scan3A_37, %mul3A_38 : i32
      %add3A_40 = arith.constant 0 : i32
      %add3A_41 = arith.addi %add3A_40, %mul3A_39 : i32
      %jit3A = arith.constant 2 : i32
      %eq3A = arith.constant 0 : i32
      %eq3A_42 = arith.cmpi eq, %jit3A, %eq3A : i32
      %jit3A_43 = arith.constant 1 : i32
      %select_n3A = arith.select %eq3A_42, %jit3A_43, %jit3A : i32
      %rem3A = arith.remsi %add3A_41, %select_n3A : i32
      %ne3A = arith.constant 0 : i32
      %ne3A_44 = arith.cmpi ne, %rem3A, %ne3A : i32
      %lt3A = arith.constant 0 : i32
      %lt3A_45 = arith.cmpi slt, %rem3A, %lt3A : i32
      %lt3A_46 = arith.constant 0 : i32
      %lt3A_47 = arith.cmpi slt, %select_n3A, %lt3A_46 : i32
      %ne3A_48 = arith.xori %lt3A_45, %lt3A_47 : i1
      %and3A = arith.andi %ne3A_48, %ne3A_44 : i1
      %add3A_49 = arith.addi %rem3A, %select_n3A : i32
      %select_n3A_50 = arith.select %and3A, %add3A_49, %rem3A : i32
      %eq3A_51 = arith.constant 0 : i32
      %eq3A_52 = arith.cmpi eq, %select_n3A_50, %eq3A_51 : i32
      %convert_element_type3A = arith.extui %eq3A_52 : i1 to i32
      %cond3A = arith.constant 0 : i32
      %cond3A_53 = arith.cmpi ne, %convert_element_type3A, %cond3A : i32
      scf.if %cond3A_53 {
        %add3A_75 = arith.constant 1 : i32
        %add3A_76 = arith.addi %add3A_41, %add3A_75 : i32
        %lt3A_77 = arith.constant 25 : i32
        %lt3A_78 = arith.cmpi slt, %add3A_76, %lt3A_77 : i32
        %convert_element_type3A_79 = arith.extui %lt3A_78 : i1 to i32
        %cond3A_80 = arith.constant 0 : i32
        %cond3A_81 = arith.cmpi ne, %convert_element_type3A_79, %cond3A_80 : i32
        scf.if %cond3A_81 {
          %add3A_116 = arith.constant 1 : i32
          %add3A_117 = arith.addi %add3A_41, %add3A_116 : i32
          %mul3A_118 = arith.constant 400 : i32
          %mul3A_119 = arith.muli %add3A_117, %mul3A_118 : i32
          %dma_start3A_120 = arith.constant 0 : i32
          %dma_start3A_121 = arith.constant 0 : i32
          %dma_start3A_122 = tpu.memref_slice %arg9[%dma_start3A_120, %dma_start3A_121] : memref<400x64xi32, #tpu.memory_space<vmem>> -> memref<400x64xi32, #tpu.memory_space<vmem>>
          %dma_start3A_123 = tpu.memref_slice %arg6[%mul3A_119] : memref<10000xi32, #tpu.memory_space<vmem>> -> memref<400xi32, #tpu.memory_space<vmem>>
          %dma_start3A_124 = arith.constant 0 : i32
          %dma_start3A_125 = arith.constant 0 : i32
          %dma_start3A_126 = tpu.memref_slice %arg2[%dma_start3A_124, %dma_start3A_125] : memref<10000x64xi32, #tpu.memory_space<hbm>> -> memref<10000x64xi32, #tpu.memory_space<hbm>>
          tpu.enqueue_indirect_dma source(%dma_start3A_126 : memref<10000x64xi32, #tpu.memory_space<hbm>>) target(%dma_start3A_122 : memref<400x64xi32, #tpu.memory_space<vmem>>) offsets(%dma_start3A_123 : memref<400xi32, #tpu.memory_space<vmem>>) semaphore(%arg16 : memref<!tpu.dma_semaphore, #tpu.memory_space<semaphore_mem>>)
          %dma_start3A_127 = arith.constant 0 : i32
          %dma_start3A_128 = arith.constant 0 : i32
          %dma_start3A_129 = tpu.memref_slice %arg11[%dma_start3A_127, %dma_start3A_128] : memref<400x64xi32, #tpu.memory_space<vmem>> -> memref<400x64xi32, #tpu.memory_space<vmem>>
          %dma_start3A_130 = tpu.memref_slice %arg7[%mul3A_119] : memref<10000xi32, #tpu.memory_space<vmem>> -> memref<400xi32, #tpu.memory_space<vmem>>
          %dma_start3A_131 = arith.constant 0 : i32
          %dma_start3A_132 = arith.constant 0 : i32
          %dma_start3A_133 = tpu.memref_slice %arg2[%dma_start3A_131, %dma_start3A_132] : memref<10000x64xi32, #tpu.memory_space<hbm>> -> memref<10000x64xi32, #tpu.memory_space<hbm>>
          tpu.enqueue_indirect_dma source(%dma_start3A_133 : memref<10000x64xi32, #tpu.memory_space<hbm>>) target(%dma_start3A_129 : memref<400x64xi32, #tpu.memory_space<vmem>>) offsets(%dma_start3A_130 : memref<400xi32, #tpu.memory_space<vmem>>) semaphore(%arg18 : memref<!tpu.dma_semaphore, #tpu.memory_space<semaphore_mem>>)
        } else {
        }
        %mul3A_82 = arith.constant 400 : i32
        %mul3A_83 = arith.muli %add3A_41, %mul3A_82 : i32
        %dma_wait3A_84 = arith.constant 0 : i32
        %dma_wait3A_85 = arith.constant 0 : i32
        %dma_wait3A_86 = tpu.memref_slice %arg8[%dma_wait3A_84, %dma_wait3A_85] : memref<400x64xi32, #tpu.memory_space<vmem>> -> memref<400x64xi32, #tpu.memory_space<vmem>>
        %dma_wait3A_87 = tpu.memref_slice %arg6[%mul3A_83] : memref<10000xi32, #tpu.memory_space<vmem>> -> memref<400xi32, #tpu.memory_space<vmem>>
        %dma_wait3A_88 = arith.constant 0 : i32
        %dma_wait3A_89 = arith.constant 0 : i32
        %dma_wait3A_90 = tpu.memref_slice %arg2[%dma_wait3A_88, %dma_wait3A_89] : memref<10000x64xi32, #tpu.memory_space<hbm>> -> memref<10000x64xi32, #tpu.memory_space<hbm>>
        tpu.wait_indirect_dma semaphore(%arg15 : memref<!tpu.dma_semaphore, #tpu.memory_space<semaphore_mem>>) src(%dma_wait3A_90 : memref<10000x64xi32, #tpu.memory_space<hbm>>) dst(%dma_wait3A_86 : memref<400x64xi32, #tpu.memory_space<vmem>>)
        %dma_wait3A_91 = arith.constant 0 : i32
        %dma_wait3A_92 = arith.constant 0 : i32
        %dma_wait3A_93 = tpu.memref_slice %arg10[%dma_wait3A_91, %dma_wait3A_92] : memref<400x64xi32, #tpu.memory_space<vmem>> -> memref<400x64xi32, #tpu.memory_space<vmem>>
        %dma_wait3A_94 = tpu.memref_slice %arg7[%mul3A_83] : memref<10000xi32, #tpu.memory_space<vmem>> -> memref<400xi32, #tpu.memory_space<vmem>>
        %dma_wait3A_95 = arith.constant 0 : i32
        %dma_wait3A_96 = arith.constant 0 : i32
        %dma_wait3A_97 = tpu.memref_slice %arg2[%dma_wait3A_95, %dma_wait3A_96] : memref<10000x64xi32, #tpu.memory_space<hbm>> -> memref<10000x64xi32, #tpu.memory_space<hbm>>
        tpu.wait_indirect_dma semaphore(%arg17 : memref<!tpu.dma_semaphore, #tpu.memory_space<semaphore_mem>>) src(%dma_wait3A_97 : memref<10000x64xi32, #tpu.memory_space<hbm>>) dst(%dma_wait3A_93 : memref<400x64xi32, #tpu.memory_space<vmem>>)
        %ge3A = arith.constant 2 : i32
        %ge3A_98 = arith.cmpi sge, %add3A_41, %ge3A : i32
        %convert_element_type3A_99 = arith.extui %ge3A_98 : i1 to i32
        %cond3A_100 = arith.constant 0 : i32
        %cond3A_101 = arith.cmpi ne, %convert_element_type3A_99, %cond3A_100 : i32
        scf.if %cond3A_101 {
          %sub3A = arith.constant 2 : i32
          %sub3A_116 = arith.subi %add3A_41, %sub3A : i32
          %mul3A_117 = arith.constant 400 : i32
          %mul3A_118 = arith.muli %sub3A_116, %mul3A_117 : i32
          %add3A_119 = arith.addi %mul3A_2, %mul3A_118 : i32
          %dma_wait3A_120 = arith.constant 0 : i32
          %dma_wait3A_121 = tpu.memref_slice %arg12[%dma_wait3A_120] : memref<400xf32, #tpu.memory_space<vmem>> -> memref<400xf32, #tpu.memory_space<vmem>>
          %dma_wait3A_122 = tpu.memref_slice %arg5[%add3A_119] : memref<320000xf32, #tpu.memory_space<hbm>> -> memref<400xf32, #tpu.memory_space<hbm>>
          %dma_wait3A_123 = tpu.memref_slice %arg5[%add3A_119] : memref<320000xf32, #tpu.memory_space<hbm>> -> memref<400xf32, #tpu.memory_space<hbm>>
          %dma_wait3A_124 = arith.constant 0 : i32
          %dma_wait3A_125 = tpu.memref_slice %arg12[%dma_wait3A_124] : memref<400xf32, #tpu.memory_space<vmem>> -> memref<400xf32, #tpu.memory_space<vmem>>
          tpu.wait_dma2 semaphore(%arg19 : memref<!tpu.dma_semaphore, #tpu.memory_space<semaphore_mem>>) src(%dma_wait3A_125 : memref<400xf32, #tpu.memory_space<vmem>>) dst(%dma_wait3A_123 : memref<400xf32, #tpu.memory_space<hbm>>)
        } else {
        }
        %scan3A_102 = arith.constant 0 : i32
        %scan3A_103 = arith.constant 25 : i32
        %scan3A_104 = arith.addi %scan3A_102, %scan3A_103 : i32
        %scan3A_105 = arith.constant 1 : i32
        scf.for %scan3A_116 = %scan3A_102 to %scan3A_104 step %scan3A_105  : i32 {
          %mul3A_117 = arith.constant 1 : i32
          %mul3A_118 = arith.muli %scan3A_116, %mul3A_117 : i32
          %add3A_119 = arith.constant 0 : i32
          %add3A_120 = arith.addi %add3A_119, %mul3A_118 : i32
          %mul3A_121 = arith.constant 16 : i32
          %mul3A_122 = arith.muli %add3A_120, %mul3A_121 : i32
          %add3A_123 = arith.constant 0 : i32
          %add3A_124 = arith.addi %mul3A_122, %add3A_123 : i32
          %get3A = arith.index_cast %add3A_124 : i32 to index
          %get3A_125 = arith.constant 0 : index
          %get3A_126 = tpu.vector_load %arg8[%get3A, %get3A_125] {strides = array<i32>} : memref<400x64xi32, #tpu.memory_space<vmem>>, vector<16xi32>,
          %bitcast3A = vector.bitcast %get3A_126 : vector<16xi32> to vector<32xbf16>
          %get3A_127 = arith.index_cast %add3A_124 : i32 to index
          %get3A_128 = arith.constant 0 : index
          %get3A_129 = tpu.vector_load %arg10[%get3A_127, %get3A_128] {strides = array<i32>} : memref<400x64xi32, #tpu.memory_space<vmem>>, vector<16xi32>,
          %bitcast3A_130 = vector.bitcast %get3A_129 : vector<16xi32> to vector<32xbf16>
          %mul3A_131 = arith.mulf %bitcast3A, %bitcast3A_130 : vector<32xbf16>
          %get3A_132 = arith.index_cast %add3A_124 : i32 to index
          %get3A_133 = arith.constant 16 : index
          %get3A_134 = tpu.vector_load %arg8[%get3A_132, %get3A_133] {strides = array<i32>} : memref<400x64xi32, #tpu.memory_space<vmem>>, vector<16xi32>,
          %bitcast3A_135 = vector.bitcast %get3A_134 : vector<16xi32> to vector<32xbf16>
          %get3A_136 = arith.index_cast %add3A_124 : i32 to index
          %get3A_137 = arith.constant 16 : index
          %get3A_138 = tpu.vector_load %arg10[%get3A_136, %get3A_137] {strides = array<i32>} : memref<400x64xi32, #tpu.memory_space<vmem>>, vector<16xi32>,
          %bitcast3A_139 = vector.bitcast %get3A_138 : vector<16xi32> to vector<32xbf16>
          %mul3A_140 = arith.mulf %bitcast3A_135, %bitcast3A_139 : vector<32xbf16>
          %get3A_141 = arith.index_cast %add3A_124 : i32 to index
          %get3A_142 = arith.constant 32 : index
          %get3A_143 = tpu.vector_load %arg8[%get3A_141, %get3A_142] {strides = array<i32>} : memref<400x64xi32, #tpu.memory_space<vmem>>, vector<16xi32>,
          %bitcast3A_144 = vector.bitcast %get3A_143 : vector<16xi32> to vector<32xbf16>
          %get3A_145 = arith.index_cast %add3A_124 : i32 to index
          %get3A_146 = arith.constant 32 : index
          %get3A_147 = tpu.vector_load %arg10[%get3A_145, %get3A_146] {strides = array<i32>} : memref<400x64xi32, #tpu.memory_space<vmem>>, vector<16xi32>,
          %bitcast3A_148 = vector.bitcast %get3A_147 : vector<16xi32> to vector<32xbf16>
          %mul3A_149 = arith.mulf %bitcast3A_144, %bitcast3A_148 : vector<32xbf16>
          %get3A_150 = arith.index_cast %add3A_124 : i32 to index
          %get3A_151 = arith.constant 48 : index
          %get3A_152 = tpu.vector_load %arg8[%get3A_150, %get3A_151] {strides = array<i32>} : memref<400x64xi32, #tpu.memory_space<vmem>>, vector<16xi32>,
          %bitcast3A_153 = vector.bitcast %get3A_152 : vector<16xi32> to vector<32xbf16>
          %get3A_154 = arith.index_cast %add3A_124 : i32 to index
          %get3A_155 = arith.constant 48 : index
          %get3A_156 = tpu.vector_load %arg10[%get3A_154, %get3A_155] {strides = array<i32>} : memref<400x64xi32, #tpu.memory_space<vmem>>, vector<16xi32>,
          %bitcast3A_157 = vector.bitcast %get3A_156 : vector<16xi32> to vector<32xbf16>
          %mul3A_158 = arith.mulf %bitcast3A_153, %bitcast3A_157 : vector<32xbf16>
          %add3A_159 = arith.addf %mul3A_131, %mul3A_140 : vector<32xbf16>
          %add3A_160 = arith.addf %mul3A_149, %mul3A_158 : vector<32xbf16>
          %add3A_161 = arith.addf %add3A_159, %add3A_160 : vector<32xbf16>
          %unpack3A = tpu.unpack_subelements %add3A_161, 0 {pack_format = #tpu.pack_format<interleaved>} : vector<32xbf16> -> vector<16xf32>
          %unpack3A_162 = tpu.unpack_subelements %add3A_161, 1 {pack_format = #tpu.pack_format<interleaved>} : vector<32xbf16> -> vector<16xf32>
          %add3A_163 = arith.addf %unpack3A, %unpack3A_162 : vector<16xf32>
          %add3A_164 = arith.constant 1 : i32
          %add3A_165 = arith.addi %mul3A_122, %add3A_164 : i32
          %get3A_166 = arith.index_cast %add3A_165 : i32 to index
          %get3A_167 = arith.constant 0 : index
          %get3A_168 = tpu.vector_load %arg8[%get3A_166, %get3A_167] {strides = array<i32>} : memref<400x64xi32, #tpu.memory_space<vmem>>, vector<16xi32>,
          %bitcast3A_169 = vector.bitcast %get3A_168 : vector<16xi32> to vector<32xbf16>
          %get3A_170 = arith.index_cast %add3A_165 : i32 to index
          %get3A_171 = arith.constant 0 : index
          %get3A_172 = tpu.vector_load %arg10[%get3A_170, %get3A_171] {strides = array<i32>} : memref<400x64xi32, #tpu.memory_space<vmem>>, vector<16xi32>,
          %bitcast3A_173 = vector.bitcast %get3A_172 : vector<16xi32> to vector<32xbf16>
          %mul3A_174 = arith.mulf %bitcast3A_169, %bitcast3A_173 : vector<32xbf16>
          %get3A_175 = arith.index_cast %add3A_165 : i32 to index
          %get3A_176 = arith.constant 16 : index
          %get3A_177 = tpu.vector_load %arg8[%get3A_175, %get3A_176] {strides = array<i32>} : memref<400x64xi32, #tpu.memory_space<vmem>>, vector<16xi32>,
          %bitcast3A_178 = vector.bitcast %get3A_177 : vector<16xi32> to vector<32xbf16>
          %get3A_179 = arith.index_cast %add3A_165 : i32 to index
          %get3A_180 = arith.constant 16 : index
          %get3A_181 = tpu.vector_load %arg10[%get3A_179, %get3A_180] {strides = array<i32>} : memref<400x64xi32, #tpu.memory_space<vmem>>, vector<16xi32>,
          %bitcast3A_182 = vector.bitcast %get3A_181 : vector<16xi32> to vector<32xbf16>
          %mul3A_183 = arith.mulf %bitcast3A_178, %bitcast3A_182 : vector<32xbf16>
          %get3A_184 = arith.index_cast %add3A_165 : i32 to index
          %get3A_185 = arith.constant 32 : index
          %get3A_186 = tpu.vector_load %arg8[%get3A_184, %get3A_185] {strides = array<i32>} : memref<400x64xi32, #tpu.memory_space<vmem>>, vector<16xi32>,
          %bitcast3A_187 = vector.bitcast %get3A_186 : vector<16xi32> to vector<32xbf16>
          %get3A_188 = arith.index_cast %add3A_165 : i32 to index
          %get3A_189 = arith.constant 32 : index
          %get3A_190 = tpu.vector_load %arg10[%get3A_188, %get3A_189] {strides = array<i32>} : memref<400x64xi32, #tpu.memory_space<vmem>>, vector<16xi32>,
          %bitcast3A_191 = vector.bitcast %get3A_190 : vector<16xi32> to vector<32xbf16>
          %mul3A_192 = arith.mulf %bitcast3A_187, %bitcast3A_191 : vector<32xbf16>
          %get3A_193 = arith.index_cast %add3A_165 : i32 to index
          %get3A_194 = arith.constant 48 : index
          %get3A_195 = tpu.vector_load %arg8[%get3A_193, %get3A_194] {strides = array<i32>} : memref<400x64xi32, #tpu.memory_space<vmem>>, vector<16xi32>,
          %bitcast3A_196 = vector.bitcast %get3A_195 : vector<16xi32> to vector<32xbf16>
          %get3A_197 = arith.index_cast %add3A_165 : i32 to index
          %get3A_198 = arith.constant 48 : index
          %get3A_199 = tpu.vector_load %arg10[%get3A_197, %get3A_198] {strides = array<i32>} : memref<400x64xi32, #tpu.memory_space<vmem>>, vector<16xi32>,
          %bitcast3A_200 = vector.bitcast %get3A_199 : vector<16xi32> to vector<32xbf16>
          %mul3A_201 = arith.mulf %bitcast3A_196, %bitcast3A_200 : vector<32xbf16>
          %add3A_202 = arith.addf %mul3A_174, %mul3A_183 : vector<32xbf16>
          %add3A_203 = arith.addf %mul3A_192, %mul3A_201 : vector<32xbf16>
          %add3A_204 = arith.addf %add3A_202, %add3A_203 : vector<32xbf16>
          %unpack3A_205 = tpu.unpack_subelements %add3A_204, 0 {pack_format = #tpu.pack_format<interleaved>} : vector<32xbf16> -> vector<16xf32>
          %unpack3A_206 = tpu.unpack_subelements %add3A_204, 1 {pack_format = #tpu.pack_format<interleaved>} : vector<32xbf16> -> vector<16xf32>
          %add3A_207 = arith.addf %unpack3A_205, %unpack3A_206 : vector<16xf32>
          %add3A_208 = arith.constant 2 : i32
          %add3A_209 = arith.addi %mul3A_122, %add3A_208 : i32
          %get3A_210 = arith.index_cast %add3A_209 : i32 to index
          %get3A_211 = arith.constant 0 : index
          %get3A_212 = tpu.vector_load %arg8[%get3A_210, %get3A_211] {strides = array<i32>} : memref<400x64xi32, #tpu.memory_space<vmem>>, vector<16xi32>,
          %bitcast3A_213 = vector.bitcast %get3A_212 : vector<16xi32> to vector<32xbf16>
          %get3A_214 = arith.index_cast %add3A_209 : i32 to index
          %get3A_215 = arith.constant 0 : index
          %get3A_216 = tpu.vector_load %arg10[%get3A_214, %get3A_215] {strides = array<i32>} : memref<400x64xi32, #tpu.memory_space<vmem>>, vector<16xi32>,
          %bitcast3A_217 = vector.bitcast %get3A_216 : vector<16xi32> to vector<32xbf16>
          %mul3A_218 = arith.mulf %bitcast3A_213, %bitcast3A_217 : vector<32xbf16>
          %get3A_219 = arith.index_cast %add3A_209 : i32 to index
          %get3A_220 = arith.constant 16 : index
          %get3A_221 = tpu.vector_load %arg8[%get3A_219, %get3A_220] {strides = array<i32>} : memref<400x64xi32, #tpu.memory_space<vmem>>, vector<16xi32>,
          %bitcast3A_222 = vector.bitcast %get3A_221 : vector<16xi32> to vector<32xbf16>
          %get3A_223 = arith.index_cast %add3A_209 : i32 to index
          %get3A_224 = arith.constant 16 : index
          %get3A_225 = tpu.vector_load %arg10[%get3A_223, %get3A_224] {strides = array<i32>} : memref<400x64xi32, #tpu.memory_space<vmem>>, vector<16xi32>,
          %bitcast3A_226 = vector.bitcast %get3A_225 : vector<16xi32> to vector<32xbf16>
          %mul3A_227 = arith.mulf %bitcast3A_222, %bitcast3A_226 : vector<32xbf16>
          %get3A_228 = arith.index_cast %add3A_209 : i32 to index
          %get3A_229 = arith.constant 32 : index
          %get3A_230 = tpu.vector_load %arg8[%get3A_228, %get3A_229] {strides = array<i32>} : memref<400x64xi32, #tpu.memory_space<vmem>>, vector<16xi32>,
          %bitcast3A_231 = vector.bitcast %get3A_230 : vector<16xi32> to vector<32xbf16>
          %get3A_232 = arith.index_cast %add3A_209 : i32 to index
          %get3A_233 = arith.constant 32 : index
          %get3A_234 = tpu.vector_load %arg10[%get3A_232, %get3A_233] {strides = array<i32>} : memref<400x64xi32, #tpu.memory_space<vmem>>, vector<16xi32>,
          %bitcast3A_235 = vector.bitcast %get3A_234 : vector<16xi32> to vector<32xbf16>
          %mul3A_236 = arith.mulf %bitcast3A_231, %bitcast3A_235 : vector<32xbf16>
          %get3A_237 = arith.index_cast %add3A_209 : i32 to index
          %get3A_238 = arith.constant 48 : index
          %get3A_239 = tpu.vector_load %arg8[%get3A_237, %get3A_238] {strides = array<i32>} : memref<400x64xi32, #tpu.memory_space<vmem>>, vector<16xi32>,
          %bitcast3A_240 = vector.bitcast %get3A_239 : vector<16xi32> to vector<32xbf16>
          %get3A_241 = arith.index_cast %add3A_209 : i32 to index
          %get3A_242 = arith.constant 48 : index
          %get3A_243 = tpu.vector_load %arg10[%get3A_241, %get3A_242] {strides = array<i32>} : memref<400x64xi32, #tpu.memory_space<vmem>>, vector<16xi32>,
          %bitcast3A_244 = vector.bitcast %get3A_243 : vector<16xi32> to vector<32xbf16>
          %mul3A_245 = arith.mulf %bitcast3A_240, %bitcast3A_244 : vector<32xbf16>
          %add3A_246 = arith.addf %mul3A_218, %mul3A_227 : vector<32xbf16>
          %add3A_247 = arith.addf %mul3A_236, %mul3A_245 : vector<32xbf16>
          %add3A_248 = arith.addf %add3A_246, %add3A_247 : vector<32xbf16>
          %unpack3A_249 = tpu.unpack_subelements %add3A_248, 0 {pack_format = #tpu.pack_format<interleaved>} : vector<32xbf16> -> vector<16xf32>
          %unpack3A_250 = tpu.unpack_subelements %add3A_248, 1 {pack_format = #tpu.pack_format<interleaved>} : vector<32xbf16> -> vector<16xf32>
          %add3A_251 = arith.addf %unpack3A_249, %unpack3A_250 : vector<16xf32>
          %add3A_252 = arith.constant 3 : i32
          %add3A_253 = arith.addi %mul3A_122, %add3A_252 : i32
          %get3A_254 = arith.index_cast %add3A_253 : i32 to index
          %get3A_255 = arith.constant 0 : index
          %get3A_256 = tpu.vector_load %arg8[%get3A_254, %get3A_255] {strides = array<i32>} : memref<400x64xi32, #tpu.memory_space<vmem>>, vector<16xi32>,
          %bitcast3A_257 = vector.bitcast %get3A_256 : vector<16xi32> to vector<32xbf16>
          %get3A_258 = arith.index_cast %add3A_253 : i32 to index
          %get3A_259 = arith.constant 0 : index
          %get3A_260 = tpu.vector_load %arg10[%get3A_258, %get3A_259] {strides = array<i32>} : memref<400x64xi32, #tpu.memory_space<vmem>>, vector<16xi32>,
          %bitcast3A_261 = vector.bitcast %get3A_260 : vector<16xi32> to vector<32xbf16>
          %mul3A_262 = arith.mulf %bitcast3A_257, %bitcast3A_261 : vector<32xbf16>
          %get3A_263 = arith.index_cast %add3A_253 : i32 to index
          %get3A_264 = arith.constant 16 : index
          %get3A_265 = tpu.vector_load %arg8[%get3A_263, %get3A_264] {strides = array<i32>} : memref<400x64xi32, #tpu.memory_space<vmem>>, vector<16xi32>,
          %bitcast3A_266 = vector.bitcast %get3A_265 : vector<16xi32> to vector<32xbf16>
          %get3A_267 = arith.index_cast %add3A_253 : i32 to index
          %get3A_268 = arith.constant 16 : index
          %get3A_269 = tpu.vector_load %arg10[%get3A_267, %get3A_268] {strides = array<i32>} : memref<400x64xi32, #tpu.memory_space<vmem>>, vector<16xi32>,
          %bitcast3A_270 = vector.bitcast %get3A_269 : vector<16xi32> to vector<32xbf16>
          %mul3A_271 = arith.mulf %bitcast3A_266, %bitcast3A_270 : vector<32xbf16>
          %get3A_272 = arith.index_cast %add3A_253 : i32 to index
          %get3A_273 = arith.constant 32 : index
          %get3A_274 = tpu.vector_load %arg8[%get3A_272, %get3A_273] {strides = array<i32>} : memref<400x64xi32, #tpu.memory_space<vmem>>, vector<16xi32>,
          %bitcast3A_275 = vector.bitcast %get3A_274 : vector<16xi32> to vector<32xbf16>
          %get3A_276 = arith.index_cast %add3A_253 : i32 to index
          %get3A_277 = arith.constant 32 : index
          %get3A_278 = tpu.vector_load %arg10[%get3A_276, %get3A_277] {strides = array<i32>} : memref<400x64xi32, #tpu.memory_space<vmem>>, vector<16xi32>,
          %bitcast3A_279 = vector.bitcast %get3A_278 : vector<16xi32> to vector<32xbf16>
          %mul3A_280 = arith.mulf %bitcast3A_275, %bitcast3A_279 : vector<32xbf16>
          %get3A_281 = arith.index_cast %add3A_253 : i32 to index
          %get3A_282 = arith.constant 48 : index
          %get3A_283 = tpu.vector_load %arg8[%get3A_281, %get3A_282] {strides = array<i32>} : memref<400x64xi32, #tpu.memory_space<vmem>>, vector<16xi32>,
          %bitcast3A_284 = vector.bitcast %get3A_283 : vector<16xi32> to vector<32xbf16>
          %get3A_285 = arith.index_cast %add3A_253 : i32 to index
          %get3A_286 = arith.constant 48 : index
          %get3A_287 = tpu.vector_load %arg10[%get3A_285, %get3A_286] {strides = array<i32>} : memref<400x64xi32, #tpu.memory_space<vmem>>, vector<16xi32>,
          %bitcast3A_288 = vector.bitcast %get3A_287 : vector<16xi32> to vector<32xbf16>
          %mul3A_289 = arith.mulf %bitcast3A_284, %bitcast3A_288 : vector<32xbf16>
          %add3A_290 = arith.addf %mul3A_262, %mul3A_271 : vector<32xbf16>
          %add3A_291 = arith.addf %mul3A_280, %mul3A_289 : vector<32xbf16>
          %add3A_292 = arith.addf %add3A_290, %add3A_291 : vector<32xbf16>
          %unpack3A_293 = tpu.unpack_subelements %add3A_292, 0 {pack_format = #tpu.pack_format<interleaved>} : vector<32xbf16> -> vector<16xf32>
          %unpack3A_294 = tpu.unpack_subelements %add3A_292, 1 {pack_format = #tpu.pack_format<interleaved>} : vector<32xbf16> -> vector<16xf32>
          %add3A_295 = arith.addf %unpack3A_293, %unpack3A_294 : vector<16xf32>
          %add3A_296 = arith.constant 4 : i32
          %add3A_297 = arith.addi %mul3A_122, %add3A_296 : i32
          %get3A_298 = arith.index_cast %add3A_297 : i32 to index
          %get3A_299 = arith.constant 0 : index
          %get3A_300 = tpu.vector_load %arg8[%get3A_298, %get3A_299] {strides = array<i32>} : memref<400x64xi32, #tpu.memory_space<vmem>>, vector<16xi32>,
          %bitcast3A_301 = vector.bitcast %get3A_300 : vector<16xi32> to vector<32xbf16>
          %get3A_302 = arith.index_cast %add3A_297 : i32 to index
          %get3A_303 = arith.constant 0 : index
          %get3A_304 = tpu.vector_load %arg10[%get3A_302, %get3A_303] {strides = array<i32>} : memref<400x64xi32, #tpu.memory_space<vmem>>, vector<16xi32>,
          %bitcast3A_305 = vector.bitcast %get3A_304 : vector<16xi32> to vector<32xbf16>
          %mul3A_306 = arith.mulf %bitcast3A_301, %bitcast3A_305 : vector<32xbf16>
          %get3A_307 = arith.index_cast %add3A_297 : i32 to index
          %get3A_308 = arith.constant 16 : index
          %get3A_309 = tpu.vector_load %arg8[%get3A_307, %get3A_308] {strides = array<i32>} : memref<400x64xi32, #tpu.memory_space<vmem>>, vector<16xi32>,
          %bitcast3A_310 = vector.bitcast %get3A_309 : vector<16xi32> to vector<32xbf16>
          %get3A_311 = arith.index_cast %add3A_297 : i32 to index
          %get3A_312 = arith.constant 16 : index
          %get3A_313 = tpu.vector_load %arg10[%get3A_311, %get3A_312] {strides = array<i32>} : memref<400x64xi32, #tpu.memory_space<vmem>>, vector<16xi32>,
          %bitcast3A_314 = vector.bitcast %get3A_313 : vector<16xi32> to vector<32xbf16>
          %mul3A_315 = arith.mulf %bitcast3A_310, %bitcast3A_314 : vector<32xbf16>
          %get3A_316 = arith.index_cast %add3A_297 : i32 to index
          %get3A_317 = arith.constant 32 : index
          %get3A_318 = tpu.vector_load %arg8[%get3A_316, %get3A_317] {strides = array<i32>} : memref<400x64xi32, #tpu.memory_space<vmem>>, vector<16xi32>,
          %bitcast3A_319 = vector.bitcast %get3A_318 : vector<16xi32> to vector<32xbf16>
          %get3A_320 = arith.index_cast %add3A_297 : i32 to index
          %get3A_321 = arith.constant 32 : index
          %get3A_322 = tpu.vector_load %arg10[%get3A_320, %get3A_321] {strides = array<i32>} : memref<400x64xi32, #tpu.memory_space<vmem>>, vector<16xi32>,
          %bitcast3A_323 = vector.bitcast %get3A_322 : vector<16xi32> to vector<32xbf16>
          %mul3A_324 = arith.mulf %bitcast3A_319, %bitcast3A_323 : vector<32xbf16>
          %get3A_325 = arith.index_cast %add3A_297 : i32 to index
          %get3A_326 = arith.constant 48 : index
          %get3A_327 = tpu.vector_load %arg8[%get3A_325, %get3A_326] {strides = array<i32>} : memref<400x64xi32, #tpu.memory_space<vmem>>, vector<16xi32>,
          %bitcast3A_328 = vector.bitcast %get3A_327 : vector<16xi32> to vector<32xbf16>
          %get3A_329 = arith.index_cast %add3A_297 : i32 to index
          %get3A_330 = arith.constant 48 : index
          %get3A_331 = tpu.vector_load %arg10[%get3A_329, %get3A_330] {strides = array<i32>} : memref<400x64xi32, #tpu.memory_space<vmem>>, vector<16xi32>,
          %bitcast3A_332 = vector.bitcast %get3A_331 : vector<16xi32> to vector<32xbf16>
          %mul3A_333 = arith.mulf %bitcast3A_328, %bitcast3A_332 : vector<32xbf16>
          %add3A_334 = arith.addf %mul3A_306, %mul3A_315 : vector<32xbf16>
          %add3A_335 = arith.addf %mul3A_324, %mul3A_333 : vector<32xbf16>
          %add3A_336 = arith.addf %add3A_334, %add3A_335 : vector<32xbf16>
          %unpack3A_337 = tpu.unpack_subelements %add3A_336, 0 {pack_format = #tpu.pack_format<interleaved>} : vector<32xbf16> -> vector<16xf32>
          %unpack3A_338 = tpu.unpack_subelements %add3A_336, 1 {pack_format = #tpu.pack_format<interleaved>} : vector<32xbf16> -> vector<16xf32>
          %add3A_339 = arith.addf %unpack3A_337, %unpack3A_338 : vector<16xf32>
          %add3A_340 = arith.constant 5 : i32
          %add3A_341 = arith.addi %mul3A_122, %add3A_340 : i32
          %get3A_342 = arith.index_cast %add3A_341 : i32 to index
          %get3A_343 = arith.constant 0 : index
          %get3A_344 = tpu.vector_load %arg8[%get3A_342, %get3A_343] {strides = array<i32>} : memref<400x64xi32, #tpu.memory_space<vmem>>, vector<16xi32>,
          %bitcast3A_345 = vector.bitcast %get3A_344 : vector<16xi32> to vector<32xbf16>
          %get3A_346 = arith.index_cast %add3A_341 : i32 to index
          %get3A_347 = arith.constant 0 : index
          %get3A_348 = tpu.vector_load %arg10[%get3A_346, %get3A_347] {strides = array<i32>} : memref<400x64xi32, #tpu.memory_space<vmem>>, vector<16xi32>,
          %bitcast3A_349 = vector.bitcast %get3A_348 : vector<16xi32> to vector<32xbf16>
          %mul3A_350 = arith.mulf %bitcast3A_345, %bitcast3A_349 : vector<32xbf16>
          %get3A_351 = arith.index_cast %add3A_341 : i32 to index
          %get3A_352 = arith.constant 16 : index
          %get3A_353 = tpu.vector_load %arg8[%get3A_351, %get3A_352] {strides = array<i32>} : memref<400x64xi32, #tpu.memory_space<vmem>>, vector<16xi32>,
          %bitcast3A_354 = vector.bitcast %get3A_353 : vector<16xi32> to vector<32xbf16>
          %get3A_355 = arith.index_cast %add3A_341 : i32 to index
          %get3A_356 = arith.constant 16 : index
          %get3A_357 = tpu.vector_load %arg10[%get3A_355, %get3A_356] {strides = array<i32>} : memref<400x64xi32, #tpu.memory_space<vmem>>, vector<16xi32>,
          %bitcast3A_358 = vector.bitcast %get3A_357 : vector<16xi32> to vector<32xbf16>
          %mul3A_359 = arith.mulf %bitcast3A_354, %bitcast3A_358 : vector<32xbf16>
          %get3A_360 = arith.index_cast %add3A_341 : i32 to index
          %get3A_361 = arith.constant 32 : index
          %get3A_362 = tpu.vector_load %arg8[%get3A_360, %get3A_361] {strides = array<i32>} : memref<400x64xi32, #tpu.memory_space<vmem>>, vector<16xi32>,
          %bitcast3A_363 = vector.bitcast %get3A_362 : vector<16xi32> to vector<32xbf16>
          %get3A_364 = arith.index_cast %add3A_341 : i32 to index
          %get3A_365 = arith.constant 32 : index
          %get3A_366 = tpu.vector_load %arg10[%get3A_364, %get3A_365] {strides = array<i32>} : memref<400x64xi32, #tpu.memory_space<vmem>>, vector<16xi32>,
          %bitcast3A_367 = vector.bitcast %get3A_366 : vector<16xi32> to vector<32xbf16>
          %mul3A_368 = arith.mulf %bitcast3A_363, %bitcast3A_367 : vector<32xbf16>
          %get3A_369 = arith.index_cast %add3A_341 : i32 to index
          %get3A_370 = arith.constant 48 : index
          %get3A_371 = tpu.vector_load %arg8[%get3A_369, %get3A_370] {strides = array<i32>} : memref<400x64xi32, #tpu.memory_space<vmem>>, vector<16xi32>,
          %bitcast3A_372 = vector.bitcast %get3A_371 : vector<16xi32> to vector<32xbf16>
          %get3A_373 = arith.index_cast %add3A_341 : i32 to index
          %get3A_374 = arith.constant 48 : index
          %get3A_375 = tpu.vector_load %arg10[%get3A_373, %get3A_374] {strides = array<i32>} : memref<400x64xi32, #tpu.memory_space<vmem>>, vector<16xi32>,
          %bitcast3A_376 = vector.bitcast %get3A_375 : vector<16xi32> to vector<32xbf16>
          %mul3A_377 = arith.mulf %bitcast3A_372, %bitcast3A_376 : vector<32xbf16>
          %add3A_378 = arith.addf %mul3A_350, %mul3A_359 : vector<32xbf16>
          %add3A_379 = arith.addf %mul3A_368, %mul3A_377 : vector<32xbf16>
          %add3A_380 = arith.addf %add3A_378, %add3A_379 : vector<32xbf16>
          %unpack3A_381 = tpu.unpack_subelements %add3A_380, 0 {pack_format = #tpu.pack_format<interleaved>} : vector<32xbf16> -> vector<16xf32>
          %unpack3A_382 = tpu.unpack_subelements %add3A_380, 1 {pack_format = #tpu.pack_format<interleaved>} : vector<32xbf16> -> vector<16xf32>
          %add3A_383 = arith.addf %unpack3A_381, %unpack3A_382 : vector<16xf32>
          %add3A_384 = arith.constant 6 : i32
          %add3A_385 = arith.addi %mul3A_122, %add3A_384 : i32
          %get3A_386 = arith.index_cast %add3A_385 : i32 to index
          %get3A_387 = arith.constant 0 : index
          %get3A_388 = tpu.vector_load %arg8[%get3A_386, %get3A_387] {strides = array<i32>} : memref<400x64xi32, #tpu.memory_space<vmem>>, vector<16xi32>,
          %bitcast3A_389 = vector.bitcast %get3A_388 : vector<16xi32> to vector<32xbf16>
          %get3A_390 = arith.index_cast %add3A_385 : i32 to index
          %get3A_391 = arith.constant 0 : index
          %get3A_392 = tpu.vector_load %arg10[%get3A_390, %get3A_391] {strides = array<i32>} : memref<400x64xi32, #tpu.memory_space<vmem>>, vector<16xi32>,
          %bitcast3A_393 = vector.bitcast %get3A_392 : vector<16xi32> to vector<32xbf16>
          %mul3A_394 = arith.mulf %bitcast3A_389, %bitcast3A_393 : vector<32xbf16>
          %get3A_395 = arith.index_cast %add3A_385 : i32 to index
          %get3A_396 = arith.constant 16 : index
          %get3A_397 = tpu.vector_load %arg8[%get3A_395, %get3A_396] {strides = array<i32>} : memref<400x64xi32, #tpu.memory_space<vmem>>, vector<16xi32>,
          %bitcast3A_398 = vector.bitcast %get3A_397 : vector<16xi32> to vector<32xbf16>
          %get3A_399 = arith.index_cast %add3A_385 : i32 to index
          %get3A_400 = arith.constant 16 : index
          %get3A_401 = tpu.vector_load %arg10[%get3A_399, %get3A_400] {strides = array<i32>} : memref<400x64xi32, #tpu.memory_space<vmem>>, vector<16xi32>,
          %bitcast3A_402 = vector.bitcast %get3A_401 : vector<16xi32> to vector<32xbf16>
          %mul3A_403 = arith.mulf %bitcast3A_398, %bitcast3A_402 : vector<32xbf16>
          %get3A_404 = arith.index_cast %add3A_385 : i32 to index
          %get3A_405 = arith.constant 32 : index
          %get3A_406 = tpu.vector_load %arg8[%get3A_404, %get3A_405] {strides = array<i32>} : memref<400x64xi32, #tpu.memory_space<vmem>>, vector<16xi32>,
          %bitcast3A_407 = vector.bitcast %get3A_406 : vector<16xi32> to vector<32xbf16>
          %get3A_408 = arith.index_cast %add3A_385 : i32 to index
          %get3A_409 = arith.constant 32 : index
          %get3A_410 = tpu.vector_load %arg10[%get3A_408, %get3A_409] {strides = array<i32>} : memref<400x64xi32, #tpu.memory_space<vmem>>, vector<16xi32>,
          %bitcast3A_411 = vector.bitcast %get3A_410 : vector<16xi32> to vector<32xbf16>
          %mul3A_412 = arith.mulf %bitcast3A_407, %bitcast3A_411 : vector<32xbf16>
          %get3A_413 = arith.index_cast %add3A_385 : i32 to index
          %get3A_414 = arith.constant 48 : index
          %get3A_415 = tpu.vector_load %arg8[%get3A_413, %get3A_414] {strides = array<i32>} : memref<400x64xi32, #tpu.memory_space<vmem>>, vector<16xi32>,
          %bitcast3A_416 = vector.bitcast %get3A_415 : vector<16xi32> to vector<32xbf16>
          %get3A_417 = arith.index_cast %add3A_385 : i32 to index
          %get3A_418 = arith.constant 48 : index
          %get3A_419 = tpu.vector_load %arg10[%get3A_417, %get3A_418] {strides = array<i32>} : memref<400x64xi32, #tpu.memory_space<vmem>>, vector<16xi32>,
          %bitcast3A_420 = vector.bitcast %get3A_419 : vector<16xi32> to vector<32xbf16>
          %mul3A_421 = arith.mulf %bitcast3A_416, %bitcast3A_420 : vector<32xbf16>
          %add3A_422 = arith.addf %mul3A_394, %mul3A_403 : vector<32xbf16>
          %add3A_423 = arith.addf %mul3A_412, %mul3A_421 : vector<32xbf16>
          %add3A_424 = arith.addf %add3A_422, %add3A_423 : vector<32xbf16>
          %unpack3A_425 = tpu.unpack_subelements %add3A_424, 0 {pack_format = #tpu.pack_format<interleaved>} : vector<32xbf16> -> vector<16xf32>
          %unpack3A_426 = tpu.unpack_subelements %add3A_424, 1 {pack_format = #tpu.pack_format<interleaved>} : vector<32xbf16> -> vector<16xf32>
          %add3A_427 = arith.addf %unpack3A_425, %unpack3A_426 : vector<16xf32>
          %add3A_428 = arith.constant 7 : i32
          %add3A_429 = arith.addi %mul3A_122, %add3A_428 : i32
          %get3A_430 = arith.index_cast %add3A_429 : i32 to index
          %get3A_431 = arith.constant 0 : index
          %get3A_432 = tpu.vector_load %arg8[%get3A_430, %get3A_431] {strides = array<i32>} : memref<400x64xi32, #tpu.memory_space<vmem>>, vector<16xi32>,
          %bitcast3A_433 = vector.bitcast %get3A_432 : vector<16xi32> to vector<32xbf16>
          %get3A_434 = arith.index_cast %add3A_429 : i32 to index
          %get3A_435 = arith.constant 0 : index
          %get3A_436 = tpu.vector_load %arg10[%get3A_434, %get3A_435] {strides = array<i32>} : memref<400x64xi32, #tpu.memory_space<vmem>>, vector<16xi32>,
          %bitcast3A_437 = vector.bitcast %get3A_436 : vector<16xi32> to vector<32xbf16>
          %mul3A_438 = arith.mulf %bitcast3A_433, %bitcast3A_437 : vector<32xbf16>
          %get3A_439 = arith.index_cast %add3A_429 : i32 to index
          %get3A_440 = arith.constant 16 : index
          %get3A_441 = tpu.vector_load %arg8[%get3A_439, %get3A_440] {strides = array<i32>} : memref<400x64xi32, #tpu.memory_space<vmem>>, vector<16xi32>,
          %bitcast3A_442 = vector.bitcast %get3A_441 : vector<16xi32> to vector<32xbf16>
          %get3A_443 = arith.index_cast %add3A_429 : i32 to index
          %get3A_444 = arith.constant 16 : index
          %get3A_445 = tpu.vector_load %arg10[%get3A_443, %get3A_444] {strides = array<i32>} : memref<400x64xi32, #tpu.memory_space<vmem>>, vector<16xi32>,
          %bitcast3A_446 = vector.bitcast %get3A_445 : vector<16xi32> to vector<32xbf16>
          %mul3A_447 = arith.mulf %bitcast3A_442, %bitcast3A_446 : vector<32xbf16>
          %get3A_448 = arith.index_cast %add3A_429 : i32 to index
          %get3A_449 = arith.constant 32 : index
          %get3A_450 = tpu.vector_load %arg8[%get3A_448, %get3A_449] {strides = array<i32>} : memref<400x64xi32, #tpu.memory_space<vmem>>, vector<16xi32>,
          %bitcast3A_451 = vector.bitcast %get3A_450 : vector<16xi32> to vector<32xbf16>
          %get3A_452 = arith.index_cast %add3A_429 : i32 to index
          %get3A_453 = arith.constant 32 : index
          %get3A_454 = tpu.vector_load %arg10[%get3A_452, %get3A_453] {strides = array<i32>} : memref<400x64xi32, #tpu.memory_space<vmem>>, vector<16xi32>,
          %bitcast3A_455 = vector.bitcast %get3A_454 : vector<16xi32> to vector<32xbf16>
          %mul3A_456 = arith.mulf %bitcast3A_451, %bitcast3A_455 : vector<32xbf16>
          %get3A_457 = arith.index_cast %add3A_429 : i32 to index
          %get3A_458 = arith.constant 48 : index
          %get3A_459 = tpu.vector_load %arg8[%get3A_457, %get3A_458] {strides = array<i32>} : memref<400x64xi32, #tpu.memory_space<vmem>>, vector<16xi32>,
          %bitcast3A_460 = vector.bitcast %get3A_459 : vector<16xi32> to vector<32xbf16>
          %get3A_461 = arith.index_cast %add3A_429 : i32 to index
          %get3A_462 = arith.constant 48 : index
          %get3A_463 = tpu.vector_load %arg10[%get3A_461, %get3A_462] {strides = array<i32>} : memref<400x64xi32, #tpu.memory_space<vmem>>, vector<16xi32>,
          %bitcast3A_464 = vector.bitcast %get3A_463 : vector<16xi32> to vector<32xbf16>
          %mul3A_465 = arith.mulf %bitcast3A_460, %bitcast3A_464 : vector<32xbf16>
          %add3A_466 = arith.addf %mul3A_438, %mul3A_447 : vector<32xbf16>
          %add3A_467 = arith.addf %mul3A_456, %mul3A_465 : vector<32xbf16>
          %add3A_468 = arith.addf %add3A_466, %add3A_467 : vector<32xbf16>
          %unpack3A_469 = tpu.unpack_subelements %add3A_468, 0 {pack_format = #tpu.pack_format<interleaved>} : vector<32xbf16> -> vector<16xf32>
          %unpack3A_470 = tpu.unpack_subelements %add3A_468, 1 {pack_format = #tpu.pack_format<interleaved>} : vector<32xbf16> -> vector<16xf32>
          %add3A_471 = arith.addf %unpack3A_469, %unpack3A_470 : vector<16xf32>
          %add3A_472 = arith.constant 8 : i32
          %add3A_473 = arith.addi %mul3A_122, %add3A_472 : i32
          %get3A_474 = arith.index_cast %add3A_473 : i32 to index
          %get3A_475 = arith.constant 0 : index
          %get3A_476 = tpu.vector_load %arg8[%get3A_474, %get3A_475] {strides = array<i32>} : memref<400x64xi32, #tpu.memory_space<vmem>>, vector<16xi32>,
          %bitcast3A_477 = vector.bitcast %get3A_476 : vector<16xi32> to vector<32xbf16>
          %get3A_478 = arith.index_cast %add3A_473 : i32 to index
          %get3A_479 = arith.constant 0 : index
          %get3A_480 = tpu.vector_load %arg10[%get3A_478, %get3A_479] {strides = array<i32>} : memref<400x64xi32, #tpu.memory_space<vmem>>, vector<16xi32>,
          %bitcast3A_481 = vector.bitcast %get3A_480 : vector<16xi32> to vector<32xbf16>
          %mul3A_482 = arith.mulf %bitcast3A_477, %bitcast3A_481 : vector<32xbf16>
          %get3A_483 = arith.index_cast %add3A_473 : i32 to index
          %get3A_484 = arith.constant 16 : index
          %get3A_485 = tpu.vector_load %arg8[%get3A_483, %get3A_484] {strides = array<i32>} : memref<400x64xi32, #tpu.memory_space<vmem>>, vector<16xi32>,
          %bitcast3A_486 = vector.bitcast %get3A_485 : vector<16xi32> to vector<32xbf16>
          %get3A_487 = arith.index_cast %add3A_473 : i32 to index
          %get3A_488 = arith.constant 16 : index
          %get3A_489 = tpu.vector_load %arg10[%get3A_487, %get3A_488] {strides = array<i32>} : memref<400x64xi32, #tpu.memory_space<vmem>>, vector<16xi32>,
          %bitcast3A_490 = vector.bitcast %get3A_489 : vector<16xi32> to vector<32xbf16>
          %mul3A_491 = arith.mulf %bitcast3A_486, %bitcast3A_490 : vector<32xbf16>
          %get3A_492 = arith.index_cast %add3A_473 : i32 to index
          %get3A_493 = arith.constant 32 : index
          %get3A_494 = tpu.vector_load %arg8[%get3A_492, %get3A_493] {strides = array<i32>} : memref<400x64xi32, #tpu.memory_space<vmem>>, vector<16xi32>,
          %bitcast3A_495 = vector.bitcast %get3A_494 : vector<16xi32> to vector<32xbf16>
          %get3A_496 = arith.index_cast %add3A_473 : i32 to index
          %get3A_497 = arith.constant 32 : index
          %get3A_498 = tpu.vector_load %arg10[%get3A_496, %get3A_497] {strides = array<i32>} : memref<400x64xi32, #tpu.memory_space<vmem>>, vector<16xi32>,
          %bitcast3A_499 = vector.bitcast %get3A_498 : vector<16xi32> to vector<32xbf16>
          %mul3A_500 = arith.mulf %bitcast3A_495, %bitcast3A_499 : vector<32xbf16>
          %get3A_501 = arith.index_cast %add3A_473 : i32 to index
          %get3A_502 = arith.constant 48 : index
          %get3A_503 = tpu.vector_load %arg8[%get3A_501, %get3A_502] {strides = array<i32>} : memref<400x64xi32, #tpu.memory_space<vmem>>, vector<16xi32>,
          %bitcast3A_504 = vector.bitcast %get3A_503 : vector<16xi32> to vector<32xbf16>
          %get3A_505 = arith.index_cast %add3A_473 : i32 to index
          %get3A_506 = arith.constant 48 : index
          %get3A_507 = tpu.vector_load %arg10[%get3A_505, %get3A_506] {strides = array<i32>} : memref<400x64xi32, #tpu.memory_space<vmem>>, vector<16xi32>,
          %bitcast3A_508 = vector.bitcast %get3A_507 : vector<16xi32> to vector<32xbf16>
          %mul3A_509 = arith.mulf %bitcast3A_504, %bitcast3A_508 : vector<32xbf16>
          %add3A_510 = arith.addf %mul3A_482, %mul3A_491 : vector<32xbf16>
          %add3A_511 = arith.addf %mul3A_500, %mul3A_509 : vector<32xbf16>
          %add3A_512 = arith.addf %add3A_510, %add3A_511 : vector<32xbf16>
          %unpack3A_513 = tpu.unpack_subelements %add3A_512, 0 {pack_format = #tpu.pack_format<interleaved>} : vector<32xbf16> -> vector<16xf32>
          %unpack3A_514 = tpu.unpack_subelements %add3A_512, 1 {pack_format = #tpu.pack_format<interleaved>} : vector<32xbf16> -> vector<16xf32>
          %add3A_515 = arith.addf %unpack3A_513, %unpack3A_514 : vector<16xf32>
          %add3A_516 = arith.constant 9 : i32
          %add3A_517 = arith.addi %mul3A_122, %add3A_516 : i32
          %get3A_518 = arith.index_cast %add3A_517 : i32 to index
          %get3A_519 = arith.constant 0 : index
          %get3A_520 = tpu.vector_load %arg8[%get3A_518, %get3A_519] {strides = array<i32>} : memref<400x64xi32, #tpu.memory_space<vmem>>, vector<16xi32>,
          %bitcast3A_521 = vector.bitcast %get3A_520 : vector<16xi32> to vector<32xbf16>
          %get3A_522 = arith.index_cast %add3A_517 : i32 to index
          %get3A_523 = arith.constant 0 : index
          %get3A_524 = tpu.vector_load %arg10[%get3A_522, %get3A_523] {strides = array<i32>} : memref<400x64xi32, #tpu.memory_space<vmem>>, vector<16xi32>,
          %bitcast3A_525 = vector.bitcast %get3A_524 : vector<16xi32> to vector<32xbf16>
          %mul3A_526 = arith.mulf %bitcast3A_521, %bitcast3A_525 : vector<32xbf16>
          %get3A_527 = arith.index_cast %add3A_517 : i32 to index
          %get3A_528 = arith.constant 16 : index
          %get3A_529 = tpu.vector_load %arg8[%get3A_527, %get3A_528] {strides = array<i32>} : memref<400x64xi32, #tpu.memory_space<vmem>>, vector<16xi32>,
          %bitcast3A_530 = vector.bitcast %get3A_529 : vector<16xi32> to vector<32xbf16>
          %get3A_531 = arith.index_cast %add3A_517 : i32 to index
          %get3A_532 = arith.constant 16 : index
          %get3A_533 = tpu.vector_load %arg10[%get3A_531, %get3A_532] {strides = array<i32>} : memref<400x64xi32, #tpu.memory_space<vmem>>, vector<16xi32>,
          %bitcast3A_534 = vector.bitcast %get3A_533 : vector<16xi32> to vector<32xbf16>
          %mul3A_535 = arith.mulf %bitcast3A_530, %bitcast3A_534 : vector<32xbf16>
          %get3A_536 = arith.index_cast %add3A_517 : i32 to index
          %get3A_537 = arith.constant 32 : index
          %get3A_538 = tpu.vector_load %arg8[%get3A_536, %get3A_537] {strides = array<i32>} : memref<400x64xi32, #tpu.memory_space<vmem>>, vector<16xi32>,
          %bitcast3A_539 = vector.bitcast %get3A_538 : vector<16xi32> to vector<32xbf16>
          %get3A_540 = arith.index_cast %add3A_517 : i32 to index
          %get3A_541 = arith.constant 32 : index
          %get3A_542 = tpu.vector_load %arg10[%get3A_540, %get3A_541] {strides = array<i32>} : memref<400x64xi32, #tpu.memory_space<vmem>>, vector<16xi32>,
          %bitcast3A_543 = vector.bitcast %get3A_542 : vector<16xi32> to vector<32xbf16>
          %mul3A_544 = arith.mulf %bitcast3A_539, %bitcast3A_543 : vector<32xbf16>
          %get3A_545 = arith.index_cast %add3A_517 : i32 to index
          %get3A_546 = arith.constant 48 : index
          %get3A_547 = tpu.vector_load %arg8[%get3A_545, %get3A_546] {strides = array<i32>} : memref<400x64xi32, #tpu.memory_space<vmem>>, vector<16xi32>,
          %bitcast3A_548 = vector.bitcast %get3A_547 : vector<16xi32> to vector<32xbf16>
          %get3A_549 = arith.index_cast %add3A_517 : i32 to index
          %get3A_550 = arith.constant 48 : index
          %get3A_551 = tpu.vector_load %arg10[%get3A_549, %get3A_550] {strides = array<i32>} : memref<400x64xi32, #tpu.memory_space<vmem>>, vector<16xi32>,
          %bitcast3A_552 = vector.bitcast %get3A_551 : vector<16xi32> to vector<32xbf16>
          %mul3A_553 = arith.mulf %bitcast3A_548, %bitcast3A_552 : vector<32xbf16>
          %add3A_554 = arith.addf %mul3A_526, %mul3A_535 : vector<32xbf16>
          %add3A_555 = arith.addf %mul3A_544, %mul3A_553 : vector<32xbf16>
          %add3A_556 = arith.addf %add3A_554, %add3A_555 : vector<32xbf16>
          %unpack3A_557 = tpu.unpack_subelements %add3A_556, 0 {pack_format = #tpu.pack_format<interleaved>} : vector<32xbf16> -> vector<16xf32>
          %unpack3A_558 = tpu.unpack_subelements %add3A_556, 1 {pack_format = #tpu.pack_format<interleaved>} : vector<32xbf16> -> vector<16xf32>
          %add3A_559 = arith.addf %unpack3A_557, %unpack3A_558 : vector<16xf32>
          %add3A_560 = arith.constant 10 : i32
          %add3A_561 = arith.addi %mul3A_122, %add3A_560 : i32
          %get3A_562 = arith.index_cast %add3A_561 : i32 to index
          %get3A_563 = arith.constant 0 : index
          %get3A_564 = tpu.vector_load %arg8[%get3A_562, %get3A_563] {strides = array<i32>} : memref<400x64xi32, #tpu.memory_space<vmem>>, vector<16xi32>,
          %bitcast3A_565 = vector.bitcast %get3A_564 : vector<16xi32> to vector<32xbf16>
          %get3A_566 = arith.index_cast %add3A_561 : i32 to index
          %get3A_567 = arith.constant 0 : index
          %get3A_568 = tpu.vector_load %arg10[%get3A_566, %get3A_567] {strides = array<i32>} : memref<400x64xi32, #tpu.memory_space<vmem>>, vector<16xi32>,
          %bitcast3A_569 = vector.bitcast %get3A_568 : vector<16xi32> to vector<32xbf16>
          %mul3A_570 = arith.mulf %bitcast3A_565, %bitcast3A_569 : vector<32xbf16>
          %get3A_571 = arith.index_cast %add3A_561 : i32 to index
          %get3A_572 = arith.constant 16 : index
          %get3A_573 = tpu.vector_load %arg8[%get3A_571, %get3A_572] {strides = array<i32>} : memref<400x64xi32, #tpu.memory_space<vmem>>, vector<16xi32>,
          %bitcast3A_574 = vector.bitcast %get3A_573 : vector<16xi32> to vector<32xbf16>
          %get3A_575 = arith.index_cast %add3A_561 : i32 to index
          %get3A_576 = arith.constant 16 : index
          %get3A_577 = tpu.vector_load %arg10[%get3A_575, %get3A_576] {strides = array<i32>} : memref<400x64xi32, #tpu.memory_space<vmem>>, vector<16xi32>,
          %bitcast3A_578 = vector.bitcast %get3A_577 : vector<16xi32> to vector<32xbf16>
          %mul3A_579 = arith.mulf %bitcast3A_574, %bitcast3A_578 : vector<32xbf16>
          %get3A_580 = arith.index_cast %add3A_561 : i32 to index
          %get3A_581 = arith.constant 32 : index
          %get3A_582 = tpu.vector_load %arg8[%get3A_580, %get3A_581] {strides = array<i32>} : memref<400x64xi32, #tpu.memory_space<vmem>>, vector<16xi32>,
          %bitcast3A_583 = vector.bitcast %get3A_582 : vector<16xi32> to vector<32xbf16>
          %get3A_584 = arith.index_cast %add3A_561 : i32 to index
          %get3A_585 = arith.constant 32 : index
          %get3A_586 = tpu.vector_load %arg10[%get3A_584, %get3A_585] {strides = array<i32>} : memref<400x64xi32, #tpu.memory_space<vmem>>, vector<16xi32>,
          %bitcast3A_587 = vector.bitcast %get3A_586 : vector<16xi32> to vector<32xbf16>
          %mul3A_588 = arith.mulf %bitcast3A_583, %bitcast3A_587 : vector<32xbf16>
          %get3A_589 = arith.index_cast %add3A_561 : i32 to index
          %get3A_590 = arith.constant 48 : index
          %get3A_591 = tpu.vector_load %arg8[%get3A_589, %get3A_590] {strides = array<i32>} : memref<400x64xi32, #tpu.memory_space<vmem>>, vector<16xi32>,
          %bitcast3A_592 = vector.bitcast %get3A_591 : vector<16xi32> to vector<32xbf16>
          %get3A_593 = arith.index_cast %add3A_561 : i32 to index
          %get3A_594 = arith.constant 48 : index
          %get3A_595 = tpu.vector_load %arg10[%get3A_593, %get3A_594] {strides = array<i32>} : memref<400x64xi32, #tpu.memory_space<vmem>>, vector<16xi32>,
          %bitcast3A_596 = vector.bitcast %get3A_595 : vector<16xi32> to vector<32xbf16>
          %mul3A_597 = arith.mulf %bitcast3A_592, %bitcast3A_596 : vector<32xbf16>
          %add3A_598 = arith.addf %mul3A_570, %mul3A_579 : vector<32xbf16>
          %add3A_599 = arith.addf %mul3A_588, %mul3A_597 : vector<32xbf16>
          %add3A_600 = arith.addf %add3A_598, %add3A_599 : vector<32xbf16>
          %unpack3A_601 = tpu.unpack_subelements %add3A_600, 0 {pack_format = #tpu.pack_format<interleaved>} : vector<32xbf16> -> vector<16xf32>
          %unpack3A_602 = tpu.unpack_subelements %add3A_600, 1 {pack_format = #tpu.pack_format<interleaved>} : vector<32xbf16> -> vector<16xf32>
          %add3A_603 = arith.addf %unpack3A_601, %unpack3A_602 : vector<16xf32>
          %add3A_604 = arith.constant 11 : i32
          %add3A_605 = arith.addi %mul3A_122, %add3A_604 : i32
          %get3A_606 = arith.index_cast %add3A_605 : i32 to index
          %get3A_607 = arith.constant 0 : index
          %get3A_608 = tpu.vector_load %arg8[%get3A_606, %get3A_607] {strides = array<i32>} : memref<400x64xi32, #tpu.memory_space<vmem>>, vector<16xi32>,
          %bitcast3A_609 = vector.bitcast %get3A_608 : vector<16xi32> to vector<32xbf16>
          %get3A_610 = arith.index_cast %add3A_605 : i32 to index
          %get3A_611 = arith.constant 0 : index
          %get3A_612 = tpu.vector_load %arg10[%get3A_610, %get3A_611] {strides = array<i32>} : memref<400x64xi32, #tpu.memory_space<vmem>>, vector<16xi32>,
          %bitcast3A_613 = vector.bitcast %get3A_612 : vector<16xi32> to vector<32xbf16>
          %mul3A_614 = arith.mulf %bitcast3A_609, %bitcast3A_613 : vector<32xbf16>
          %get3A_615 = arith.index_cast %add3A_605 : i32 to index
          %get3A_616 = arith.constant 16 : index
          %get3A_617 = tpu.vector_load %arg8[%get3A_615, %get3A_616] {strides = array<i32>} : memref<400x64xi32, #tpu.memory_space<vmem>>, vector<16xi32>,
          %bitcast3A_618 = vector.bitcast %get3A_617 : vector<16xi32> to vector<32xbf16>
          %get3A_619 = arith.index_cast %add3A_605 : i32 to index
          %get3A_620 = arith.constant 16 : index
          %get3A_621 = tpu.vector_load %arg10[%get3A_619, %get3A_620] {strides = array<i32>} : memref<400x64xi32, #tpu.memory_space<vmem>>, vector<16xi32>,
          %bitcast3A_622 = vector.bitcast %get3A_621 : vector<16xi32> to vector<32xbf16>
          %mul3A_623 = arith.mulf %bitcast3A_618, %bitcast3A_622 : vector<32xbf16>
          %get3A_624 = arith.index_cast %add3A_605 : i32 to index
          %get3A_625 = arith.constant 32 : index
          %get3A_626 = tpu.vector_load %arg8[%get3A_624, %get3A_625] {strides = array<i32>} : memref<400x64xi32, #tpu.memory_space<vmem>>, vector<16xi32>,
          %bitcast3A_627 = vector.bitcast %get3A_626 : vector<16xi32> to vector<32xbf16>
          %get3A_628 = arith.index_cast %add3A_605 : i32 to index
          %get3A_629 = arith.constant 32 : index
          %get3A_630 = tpu.vector_load %arg10[%get3A_628, %get3A_629] {strides = array<i32>} : memref<400x64xi32, #tpu.memory_space<vmem>>, vector<16xi32>,
          %bitcast3A_631 = vector.bitcast %get3A_630 : vector<16xi32> to vector<32xbf16>
          %mul3A_632 = arith.mulf %bitcast3A_627, %bitcast3A_631 : vector<32xbf16>
          %get3A_633 = arith.index_cast %add3A_605 : i32 to index
          %get3A_634 = arith.constant 48 : index
          %get3A_635 = tpu.vector_load %arg8[%get3A_633, %get3A_634] {strides = array<i32>} : memref<400x64xi32, #tpu.memory_space<vmem>>, vector<16xi32>,
          %bitcast3A_636 = vector.bitcast %get3A_635 : vector<16xi32> to vector<32xbf16>
          %get3A_637 = arith.index_cast %add3A_605 : i32 to index
          %get3A_638 = arith.constant 48 : index
          %get3A_639 = tpu.vector_load %arg10[%get3A_637, %get3A_638] {strides = array<i32>} : memref<400x64xi32, #tpu.memory_space<vmem>>, vector<16xi32>,
          %bitcast3A_640 = vector.bitcast %get3A_639 : vector<16xi32> to vector<32xbf16>
          %mul3A_641 = arith.mulf %bitcast3A_636, %bitcast3A_640 : vector<32xbf16>
          %add3A_642 = arith.addf %mul3A_614, %mul3A_623 : vector<32xbf16>
          %add3A_643 = arith.addf %mul3A_632, %mul3A_641 : vector<32xbf16>
          %add3A_644 = arith.addf %add3A_642, %add3A_643 : vector<32xbf16>
          %unpack3A_645 = tpu.unpack_subelements %add3A_644, 0 {pack_format = #tpu.pack_format<interleaved>} : vector<32xbf16> -> vector<16xf32>
          %unpack3A_646 = tpu.unpack_subelements %add3A_644, 1 {pack_format = #tpu.pack_format<interleaved>} : vector<32xbf16> -> vector<16xf32>
          %add3A_647 = arith.addf %unpack3A_645, %unpack3A_646 : vector<16xf32>
          %add3A_648 = arith.constant 12 : i32
          %add3A_649 = arith.addi %mul3A_122, %add3A_648 : i32
          %get3A_650 = arith.index_cast %add3A_649 : i32 to index
          %get3A_651 = arith.constant 0 : index
          %get3A_652 = tpu.vector_load %arg8[%get3A_650, %get3A_651] {strides = array<i32>} : memref<400x64xi32, #tpu.memory_space<vmem>>, vector<16xi32>,
          %bitcast3A_653 = vector.bitcast %get3A_652 : vector<16xi32> to vector<32xbf16>
          %get3A_654 = arith.index_cast %add3A_649 : i32 to index
          %get3A_655 = arith.constant 0 : index
          %get3A_656 = tpu.vector_load %arg10[%get3A_654, %get3A_655] {strides = array<i32>} : memref<400x64xi32, #tpu.memory_space<vmem>>, vector<16xi32>,
          %bitcast3A_657 = vector.bitcast %get3A_656 : vector<16xi32> to vector<32xbf16>
          %mul3A_658 = arith.mulf %bitcast3A_653, %bitcast3A_657 : vector<32xbf16>
          %get3A_659 = arith.index_cast %add3A_649 : i32 to index
          %get3A_660 = arith.constant 16 : index
          %get3A_661 = tpu.vector_load %arg8[%get3A_659, %get3A_660] {strides = array<i32>} : memref<400x64xi32, #tpu.memory_space<vmem>>, vector<16xi32>,
          %bitcast3A_662 = vector.bitcast %get3A_661 : vector<16xi32> to vector<32xbf16>
          %get3A_663 = arith.index_cast %add3A_649 : i32 to index
          %get3A_664 = arith.constant 16 : index
          %get3A_665 = tpu.vector_load %arg10[%get3A_663, %get3A_664] {strides = array<i32>} : memref<400x64xi32, #tpu.memory_space<vmem>>, vector<16xi32>,
          %bitcast3A_666 = vector.bitcast %get3A_665 : vector<16xi32> to vector<32xbf16>
          %mul3A_667 = arith.mulf %bitcast3A_662, %bitcast3A_666 : vector<32xbf16>
          %get3A_668 = arith.index_cast %add3A_649 : i32 to index
          %get3A_669 = arith.constant 32 : index
          %get3A_670 = tpu.vector_load %arg8[%get3A_668, %get3A_669] {strides = array<i32>} : memref<400x64xi32, #tpu.memory_space<vmem>>, vector<16xi32>,
          %bitcast3A_671 = vector.bitcast %get3A_670 : vector<16xi32> to vector<32xbf16>
          %get3A_672 = arith.index_cast %add3A_649 : i32 to index
          %get3A_673 = arith.constant 32 : index
          %get3A_674 = tpu.vector_load %arg10[%get3A_672, %get3A_673] {strides = array<i32>} : memref<400x64xi32, #tpu.memory_space<vmem>>, vector<16xi32>,
          %bitcast3A_675 = vector.bitcast %get3A_674 : vector<16xi32> to vector<32xbf16>
          %mul3A_676 = arith.mulf %bitcast3A_671, %bitcast3A_675 : vector<32xbf16>
          %get3A_677 = arith.index_cast %add3A_649 : i32 to index
          %get3A_678 = arith.constant 48 : index
          %get3A_679 = tpu.vector_load %arg8[%get3A_677, %get3A_678] {strides = array<i32>} : memref<400x64xi32, #tpu.memory_space<vmem>>, vector<16xi32>,
          %bitcast3A_680 = vector.bitcast %get3A_679 : vector<16xi32> to vector<32xbf16>
          %get3A_681 = arith.index_cast %add3A_649 : i32 to index
          %get3A_682 = arith.constant 48 : index
          %get3A_683 = tpu.vector_load %arg10[%get3A_681, %get3A_682] {strides = array<i32>} : memref<400x64xi32, #tpu.memory_space<vmem>>, vector<16xi32>,
          %bitcast3A_684 = vector.bitcast %get3A_683 : vector<16xi32> to vector<32xbf16>
          %mul3A_685 = arith.mulf %bitcast3A_680, %bitcast3A_684 : vector<32xbf16>
          %add3A_686 = arith.addf %mul3A_658, %mul3A_667 : vector<32xbf16>
          %add3A_687 = arith.addf %mul3A_676, %mul3A_685 : vector<32xbf16>
          %add3A_688 = arith.addf %add3A_686, %add3A_687 : vector<32xbf16>
          %unpack3A_689 = tpu.unpack_subelements %add3A_688, 0 {pack_format = #tpu.pack_format<interleaved>} : vector<32xbf16> -> vector<16xf32>
          %unpack3A_690 = tpu.unpack_subelements %add3A_688, 1 {pack_format = #tpu.pack_format<interleaved>} : vector<32xbf16> -> vector<16xf32>
          %add3A_691 = arith.addf %unpack3A_689, %unpack3A_690 : vector<16xf32>
          %add3A_692 = arith.constant 13 : i32
          %add3A_693 = arith.addi %mul3A_122, %add3A_692 : i32
          %get3A_694 = arith.index_cast %add3A_693 : i32 to index
          %get3A_695 = arith.constant 0 : index
          %get3A_696 = tpu.vector_load %arg8[%get3A_694, %get3A_695] {strides = array<i32>} : memref<400x64xi32, #tpu.memory_space<vmem>>, vector<16xi32>,
          %bitcast3A_697 = vector.bitcast %get3A_696 : vector<16xi32> to vector<32xbf16>
          %get3A_698 = arith.index_cast %add3A_693 : i32 to index
          %get3A_699 = arith.constant 0 : index
          %get3A_700 = tpu.vector_load %arg10[%get3A_698, %get3A_699] {strides = array<i32>} : memref<400x64xi32, #tpu.memory_space<vmem>>, vector<16xi32>,
          %bitcast3A_701 = vector.bitcast %get3A_700 : vector<16xi32> to vector<32xbf16>
          %mul3A_702 = arith.mulf %bitcast3A_697, %bitcast3A_701 : vector<32xbf16>
          %get3A_703 = arith.index_cast %add3A_693 : i32 to index
          %get3A_704 = arith.constant 16 : index
          %get3A_705 = tpu.vector_load %arg8[%get3A_703, %get3A_704] {strides = array<i32>} : memref<400x64xi32, #tpu.memory_space<vmem>>, vector<16xi32>,
          %bitcast3A_706 = vector.bitcast %get3A_705 : vector<16xi32> to vector<32xbf16>
          %get3A_707 = arith.index_cast %add3A_693 : i32 to index
          %get3A_708 = arith.constant 16 : index
          %get3A_709 = tpu.vector_load %arg10[%get3A_707, %get3A_708] {strides = array<i32>} : memref<400x64xi32, #tpu.memory_space<vmem>>, vector<16xi32>,
          %bitcast3A_710 = vector.bitcast %get3A_709 : vector<16xi32> to vector<32xbf16>
          %mul3A_711 = arith.mulf %bitcast3A_706, %bitcast3A_710 : vector<32xbf16>
          %get3A_712 = arith.index_cast %add3A_693 : i32 to index
          %get3A_713 = arith.constant 32 : index
          %get3A_714 = tpu.vector_load %arg8[%get3A_712, %get3A_713] {strides = array<i32>} : memref<400x64xi32, #tpu.memory_space<vmem>>, vector<16xi32>,
          %bitcast3A_715 = vector.bitcast %get3A_714 : vector<16xi32> to vector<32xbf16>
          %get3A_716 = arith.index_cast %add3A_693 : i32 to index
          %get3A_717 = arith.constant 32 : index
          %get3A_718 = tpu.vector_load %arg10[%get3A_716, %get3A_717] {strides = array<i32>} : memref<400x64xi32, #tpu.memory_space<vmem>>, vector<16xi32>,
          %bitcast3A_719 = vector.bitcast %get3A_718 : vector<16xi32> to vector<32xbf16>
          %mul3A_720 = arith.mulf %bitcast3A_715, %bitcast3A_719 : vector<32xbf16>
          %get3A_721 = arith.index_cast %add3A_693 : i32 to index
          %get3A_722 = arith.constant 48 : index
          %get3A_723 = tpu.vector_load %arg8[%get3A_721, %get3A_722] {strides = array<i32>} : memref<400x64xi32, #tpu.memory_space<vmem>>, vector<16xi32>,
          %bitcast3A_724 = vector.bitcast %get3A_723 : vector<16xi32> to vector<32xbf16>
          %get3A_725 = arith.index_cast %add3A_693 : i32 to index
          %get3A_726 = arith.constant 48 : index
          %get3A_727 = tpu.vector_load %arg10[%get3A_725, %get3A_726] {strides = array<i32>} : memref<400x64xi32, #tpu.memory_space<vmem>>, vector<16xi32>,
          %bitcast3A_728 = vector.bitcast %get3A_727 : vector<16xi32> to vector<32xbf16>
          %mul3A_729 = arith.mulf %bitcast3A_724, %bitcast3A_728 : vector<32xbf16>
          %add3A_730 = arith.addf %mul3A_702, %mul3A_711 : vector<32xbf16>
          %add3A_731 = arith.addf %mul3A_720, %mul3A_729 : vector<32xbf16>
          %add3A_732 = arith.addf %add3A_730, %add3A_731 : vector<32xbf16>
          %unpack3A_733 = tpu.unpack_subelements %add3A_732, 0 {pack_format = #tpu.pack_format<interleaved>} : vector<32xbf16> -> vector<16xf32>
          %unpack3A_734 = tpu.unpack_subelements %add3A_732, 1 {pack_format = #tpu.pack_format<interleaved>} : vector<32xbf16> -> vector<16xf32>
          %add3A_735 = arith.addf %unpack3A_733, %unpack3A_734 : vector<16xf32>
          %add3A_736 = arith.constant 14 : i32
          %add3A_737 = arith.addi %mul3A_122, %add3A_736 : i32
          %get3A_738 = arith.index_cast %add3A_737 : i32 to index
          %get3A_739 = arith.constant 0 : index
          %get3A_740 = tpu.vector_load %arg8[%get3A_738, %get3A_739] {strides = array<i32>} : memref<400x64xi32, #tpu.memory_space<vmem>>, vector<16xi32>,
          %bitcast3A_741 = vector.bitcast %get3A_740 : vector<16xi32> to vector<32xbf16>
          %get3A_742 = arith.index_cast %add3A_737 : i32 to index
          %get3A_743 = arith.constant 0 : index
          %get3A_744 = tpu.vector_load %arg10[%get3A_742, %get3A_743] {strides = array<i32>} : memref<400x64xi32, #tpu.memory_space<vmem>>, vector<16xi32>,
          %bitcast3A_745 = vector.bitcast %get3A_744 : vector<16xi32> to vector<32xbf16>
          %mul3A_746 = arith.mulf %bitcast3A_741, %bitcast3A_745 : vector<32xbf16>
          %get3A_747 = arith.index_cast %add3A_737 : i32 to index
          %get3A_748 = arith.constant 16 : index
          %get3A_749 = tpu.vector_load %arg8[%get3A_747, %get3A_748] {strides = array<i32>} : memref<400x64xi32, #tpu.memory_space<vmem>>, vector<16xi32>,
          %bitcast3A_750 = vector.bitcast %get3A_749 : vector<16xi32> to vector<32xbf16>
          %get3A_751 = arith.index_cast %add3A_737 : i32 to index
          %get3A_752 = arith.constant 16 : index
          %get3A_753 = tpu.vector_load %arg10[%get3A_751, %get3A_752] {strides = array<i32>} : memref<400x64xi32, #tpu.memory_space<vmem>>, vector<16xi32>,
          %bitcast3A_754 = vector.bitcast %get3A_753 : vector<16xi32> to vector<32xbf16>
          %mul3A_755 = arith.mulf %bitcast3A_750, %bitcast3A_754 : vector<32xbf16>
          %get3A_756 = arith.index_cast %add3A_737 : i32 to index
          %get3A_757 = arith.constant 32 : index
          %get3A_758 = tpu.vector_load %arg8[%get3A_756, %get3A_757] {strides = array<i32>} : memref<400x64xi32, #tpu.memory_space<vmem>>, vector<16xi32>,
          %bitcast3A_759 = vector.bitcast %get3A_758 : vector<16xi32> to vector<32xbf16>
          %get3A_760 = arith.index_cast %add3A_737 : i32 to index
          %get3A_761 = arith.constant 32 : index
          %get3A_762 = tpu.vector_load %arg10[%get3A_760, %get3A_761] {strides = array<i32>} : memref<400x64xi32, #tpu.memory_space<vmem>>, vector<16xi32>,
          %bitcast3A_763 = vector.bitcast %get3A_762 : vector<16xi32> to vector<32xbf16>
          %mul3A_764 = arith.mulf %bitcast3A_759, %bitcast3A_763 : vector<32xbf16>
          %get3A_765 = arith.index_cast %add3A_737 : i32 to index
          %get3A_766 = arith.constant 48 : index
          %get3A_767 = tpu.vector_load %arg8[%get3A_765, %get3A_766] {strides = array<i32>} : memref<400x64xi32, #tpu.memory_space<vmem>>, vector<16xi32>,
          %bitcast3A_768 = vector.bitcast %get3A_767 : vector<16xi32> to vector<32xbf16>
          %get3A_769 = arith.index_cast %add3A_737 : i32 to index
          %get3A_770 = arith.constant 48 : index
          %get3A_771 = tpu.vector_load %arg10[%get3A_769, %get3A_770] {strides = array<i32>} : memref<400x64xi32, #tpu.memory_space<vmem>>, vector<16xi32>,
          %bitcast3A_772 = vector.bitcast %get3A_771 : vector<16xi32> to vector<32xbf16>
          %mul3A_773 = arith.mulf %bitcast3A_768, %bitcast3A_772 : vector<32xbf16>
          %add3A_774 = arith.addf %mul3A_746, %mul3A_755 : vector<32xbf16>
          %add3A_775 = arith.addf %mul3A_764, %mul3A_773 : vector<32xbf16>
          %add3A_776 = arith.addf %add3A_774, %add3A_775 : vector<32xbf16>
          %unpack3A_777 = tpu.unpack_subelements %add3A_776, 0 {pack_format = #tpu.pack_format<interleaved>} : vector<32xbf16> -> vector<16xf32>
          %unpack3A_778 = tpu.unpack_subelements %add3A_776, 1 {pack_format = #tpu.pack_format<interleaved>} : vector<32xbf16> -> vector<16xf32>
          %add3A_779 = arith.addf %unpack3A_777, %unpack3A_778 : vector<16xf32>
          %add3A_780 = arith.constant 15 : i32
          %add3A_781 = arith.addi %mul3A_122, %add3A_780 : i32
          %get3A_782 = arith.index_cast %add3A_781 : i32 to index
          %get3A_783 = arith.constant 0 : index
          %get3A_784 = tpu.vector_load %arg8[%get3A_782, %get3A_783] {strides = array<i32>} : memref<400x64xi32, #tpu.memory_space<vmem>>, vector<16xi32>,
          %bitcast3A_785 = vector.bitcast %get3A_784 : vector<16xi32> to vector<32xbf16>
          %get3A_786 = arith.index_cast %add3A_781 : i32 to index
          %get3A_787 = arith.constant 0 : index
          %get3A_788 = tpu.vector_load %arg10[%get3A_786, %get3A_787] {strides = array<i32>} : memref<400x64xi32, #tpu.memory_space<vmem>>, vector<16xi32>,
          %bitcast3A_789 = vector.bitcast %get3A_788 : vector<16xi32> to vector<32xbf16>
          %mul3A_790 = arith.mulf %bitcast3A_785, %bitcast3A_789 : vector<32xbf16>
          %get3A_791 = arith.index_cast %add3A_781 : i32 to index
          %get3A_792 = arith.constant 16 : index
          %get3A_793 = tpu.vector_load %arg8[%get3A_791, %get3A_792] {strides = array<i32>} : memref<400x64xi32, #tpu.memory_space<vmem>>, vector<16xi32>,
          %bitcast3A_794 = vector.bitcast %get3A_793 : vector<16xi32> to vector<32xbf16>
          %get3A_795 = arith.index_cast %add3A_781 : i32 to index
          %get3A_796 = arith.constant 16 : index
          %get3A_797 = tpu.vector_load %arg10[%get3A_795, %get3A_796] {strides = array<i32>} : memref<400x64xi32, #tpu.memory_space<vmem>>, vector<16xi32>,
          %bitcast3A_798 = vector.bitcast %get3A_797 : vector<16xi32> to vector<32xbf16>
          %mul3A_799 = arith.mulf %bitcast3A_794, %bitcast3A_798 : vector<32xbf16>
          %get3A_800 = arith.index_cast %add3A_781 : i32 to index
          %get3A_801 = arith.constant 32 : index
          %get3A_802 = tpu.vector_load %arg8[%get3A_800, %get3A_801] {strides = array<i32>} : memref<400x64xi32, #tpu.memory_space<vmem>>, vector<16xi32>,
          %bitcast3A_803 = vector.bitcast %get3A_802 : vector<16xi32> to vector<32xbf16>
          %get3A_804 = arith.index_cast %add3A_781 : i32 to index
          %get3A_805 = arith.constant 32 : index
          %get3A_806 = tpu.vector_load %arg10[%get3A_804, %get3A_805] {strides = array<i32>} : memref<400x64xi32, #tpu.memory_space<vmem>>, vector<16xi32>,
          %bitcast3A_807 = vector.bitcast %get3A_806 : vector<16xi32> to vector<32xbf16>
          %mul3A_808 = arith.mulf %bitcast3A_803, %bitcast3A_807 : vector<32xbf16>
          %get3A_809 = arith.index_cast %add3A_781 : i32 to index
          %get3A_810 = arith.constant 48 : index
          %get3A_811 = tpu.vector_load %arg8[%get3A_809, %get3A_810] {strides = array<i32>} : memref<400x64xi32, #tpu.memory_space<vmem>>, vector<16xi32>,
          %bitcast3A_812 = vector.bitcast %get3A_811 : vector<16xi32> to vector<32xbf16>
          %get3A_813 = arith.index_cast %add3A_781 : i32 to index
          %get3A_814 = arith.constant 48 : index
          %get3A_815 = tpu.vector_load %arg10[%get3A_813, %get3A_814] {strides = array<i32>} : memref<400x64xi32, #tpu.memory_space<vmem>>, vector<16xi32>,
          %bitcast3A_816 = vector.bitcast %get3A_815 : vector<16xi32> to vector<32xbf16>
          %mul3A_817 = arith.mulf %bitcast3A_812, %bitcast3A_816 : vector<32xbf16>
          %add3A_818 = arith.addf %mul3A_790, %mul3A_799 : vector<32xbf16>
          %add3A_819 = arith.addf %mul3A_808, %mul3A_817 : vector<32xbf16>
          %add3A_820 = arith.addf %add3A_818, %add3A_819 : vector<32xbf16>
          %unpack3A_821 = tpu.unpack_subelements %add3A_820, 0 {pack_format = #tpu.pack_format<interleaved>} : vector<32xbf16> -> vector<16xf32>
          %unpack3A_822 = tpu.unpack_subelements %add3A_820, 1 {pack_format = #tpu.pack_format<interleaved>} : vector<32xbf16> -> vector<16xf32>
          %add3A_823 = arith.addf %unpack3A_821, %unpack3A_822 : vector<16xf32>
          %swap3A = arith.constant 0 : i32
          %swap3A_824 = arith.index_cast %swap3A : i32 to index
          %swap3A_825 = arith.constant 0 : index
          %swap3A_826 = tpu.vector_load %arg14[%swap3A_824, %swap3A_825] {strides = array<i32>} : memref<16x17xf32, #tpu.memory_space<vmem>>, vector<16xf32>,
          tpu.vector_store %arg14[%swap3A_824, %swap3A_825], %add3A_163 {strides = array<i32>} : memref<16x17xf32, #tpu.memory_space<vmem>>, vector<16xf32>,
          %swap3A_827 = arith.constant 1 : i32
          %swap3A_828 = arith.index_cast %swap3A_827 : i32 to index
          %swap3A_829 = arith.constant 0 : index
          %swap3A_830 = tpu.vector_load %arg14[%swap3A_828, %swap3A_829] {strides = array<i32>} : memref<16x17xf32, #tpu.memory_space<vmem>>, vector<16xf32>,
          tpu.vector_store %arg14[%swap3A_828, %swap3A_829], %add3A_207 {strides = array<i32>} : memref<16x17xf32, #tpu.memory_space<vmem>>, vector<16xf32>,
          %swap3A_831 = arith.constant 2 : i32
          %swap3A_832 = arith.index_cast %swap3A_831 : i32 to index
          %swap3A_833 = arith.constant 0 : index
          %swap3A_834 = tpu.vector_load %arg14[%swap3A_832, %swap3A_833] {strides = array<i32>} : memref<16x17xf32, #tpu.memory_space<vmem>>, vector<16xf32>,
          tpu.vector_store %arg14[%swap3A_832, %swap3A_833], %add3A_251 {strides = array<i32>} : memref<16x17xf32, #tpu.memory_space<vmem>>, vector<16xf32>,
          %swap3A_835 = arith.constant 3 : i32
          %swap3A_836 = arith.index_cast %swap3A_835 : i32 to index
          %swap3A_837 = arith.constant 0 : index
          %swap3A_838 = tpu.vector_load %arg14[%swap3A_836, %swap3A_837] {strides = array<i32>} : memref<16x17xf32, #tpu.memory_space<vmem>>, vector<16xf32>,
          tpu.vector_store %arg14[%swap3A_836, %swap3A_837], %add3A_295 {strides = array<i32>} : memref<16x17xf32, #tpu.memory_space<vmem>>, vector<16xf32>,
          %swap3A_839 = arith.constant 4 : i32
          %swap3A_840 = arith.index_cast %swap3A_839 : i32 to index
          %swap3A_841 = arith.constant 0 : index
          %swap3A_842 = tpu.vector_load %arg14[%swap3A_840, %swap3A_841] {strides = array<i32>} : memref<16x17xf32, #tpu.memory_space<vmem>>, vector<16xf32>,
          tpu.vector_store %arg14[%swap3A_840, %swap3A_841], %add3A_339 {strides = array<i32>} : memref<16x17xf32, #tpu.memory_space<vmem>>, vector<16xf32>,
          %swap3A_843 = arith.constant 5 : i32
          %swap3A_844 = arith.index_cast %swap3A_843 : i32 to index
          %swap3A_845 = arith.constant 0 : index
          %swap3A_846 = tpu.vector_load %arg14[%swap3A_844, %swap3A_845] {strides = array<i32>} : memref<16x17xf32, #tpu.memory_space<vmem>>, vector<16xf32>,
          tpu.vector_store %arg14[%swap3A_844, %swap3A_845], %add3A_383 {strides = array<i32>} : memref<16x17xf32, #tpu.memory_space<vmem>>, vector<16xf32>,
          %swap3A_847 = arith.constant 6 : i32
          %swap3A_848 = arith.index_cast %swap3A_847 : i32 to index
          %swap3A_849 = arith.constant 0 : index
          %swap3A_850 = tpu.vector_load %arg14[%swap3A_848, %swap3A_849] {strides = array<i32>} : memref<16x17xf32, #tpu.memory_space<vmem>>, vector<16xf32>,
          tpu.vector_store %arg14[%swap3A_848, %swap3A_849], %add3A_427 {strides = array<i32>} : memref<16x17xf32, #tpu.memory_space<vmem>>, vector<16xf32>,
          %swap3A_851 = arith.constant 7 : i32
          %swap3A_852 = arith.index_cast %swap3A_851 : i32 to index
          %swap3A_853 = arith.constant 0 : index
          %swap3A_854 = tpu.vector_load %arg14[%swap3A_852, %swap3A_853] {strides = array<i32>} : memref<16x17xf32, #tpu.memory_space<vmem>>, vector<16xf32>,
          tpu.vector_store %arg14[%swap3A_852, %swap3A_853], %add3A_471 {strides = array<i32>} : memref<16x17xf32, #tpu.memory_space<vmem>>, vector<16xf32>,
          %swap3A_855 = arith.constant 8 : i32
          %swap3A_856 = arith.index_cast %swap3A_855 : i32 to index
          %swap3A_857 = arith.constant 0 : index
          %swap3A_858 = tpu.vector_load %arg14[%swap3A_856, %swap3A_857] {strides = array<i32>} : memref<16x17xf32, #tpu.memory_space<vmem>>, vector<16xf32>,
          tpu.vector_store %arg14[%swap3A_856, %swap3A_857], %add3A_515 {strides = array<i32>} : memref<16x17xf32, #tpu.memory_space<vmem>>, vector<16xf32>,
          %swap3A_859 = arith.constant 9 : i32
          %swap3A_860 = arith.index_cast %swap3A_859 : i32 to index
          %swap3A_861 = arith.constant 0 : index
          %swap3A_862 = tpu.vector_load %arg14[%swap3A_860, %swap3A_861] {strides = array<i32>} : memref<16x17xf32, #tpu.memory_space<vmem>>, vector<16xf32>,
          tpu.vector_store %arg14[%swap3A_860, %swap3A_861], %add3A_559 {strides = array<i32>} : memref<16x17xf32, #tpu.memory_space<vmem>>, vector<16xf32>,
          %swap3A_863 = arith.constant 10 : i32
          %swap3A_864 = arith.index_cast %swap3A_863 : i32 to index
          %swap3A_865 = arith.constant 0 : index
          %swap3A_866 = tpu.vector_load %arg14[%swap3A_864, %swap3A_865] {strides = array<i32>} : memref<16x17xf32, #tpu.memory_space<vmem>>, vector<16xf32>,
          tpu.vector_store %arg14[%swap3A_864, %swap3A_865], %add3A_603 {strides = array<i32>} : memref<16x17xf32, #tpu.memory_space<vmem>>, vector<16xf32>,
          %swap3A_867 = arith.constant 11 : i32
          %swap3A_868 = arith.index_cast %swap3A_867 : i32 to index
          %swap3A_869 = arith.constant 0 : index
          %swap3A_870 = tpu.vector_load %arg14[%swap3A_868, %swap3A_869] {strides = array<i32>} : memref<16x17xf32, #tpu.memory_space<vmem>>, vector<16xf32>,
          tpu.vector_store %arg14[%swap3A_868, %swap3A_869], %add3A_647 {strides = array<i32>} : memref<16x17xf32, #tpu.memory_space<vmem>>, vector<16xf32>,
          %swap3A_871 = arith.constant 12 : i32
          %swap3A_872 = arith.index_cast %swap3A_871 : i32 to index
          %swap3A_873 = arith.constant 0 : index
          %swap3A_874 = tpu.vector_load %arg14[%swap3A_872, %swap3A_873] {strides = array<i32>} : memref<16x17xf32, #tpu.memory_space<vmem>>, vector<16xf32>,
          tpu.vector_store %arg14[%swap3A_872, %swap3A_873], %add3A_691 {strides = array<i32>} : memref<16x17xf32, #tpu.memory_space<vmem>>, vector<16xf32>,
          %swap3A_875 = arith.constant 13 : i32
          %swap3A_876 = arith.index_cast %swap3A_875 : i32 to index
          %swap3A_877 = arith.constant 0 : index
          %swap3A_878 = tpu.vector_load %arg14[%swap3A_876, %swap3A_877] {strides = array<i32>} : memref<16x17xf32, #tpu.memory_space<vmem>>, vector<16xf32>,
          tpu.vector_store %arg14[%swap3A_876, %swap3A_877], %add3A_735 {strides = array<i32>} : memref<16x17xf32, #tpu.memory_space<vmem>>, vector<16xf32>,
          %swap3A_879 = arith.constant 14 : i32
          %swap3A_880 = arith.index_cast %swap3A_879 : i32 to index
          %swap3A_881 = arith.constant 0 : index
          %swap3A_882 = tpu.vector_load %arg14[%swap3A_880, %swap3A_881] {strides = array<i32>} : memref<16x17xf32, #tpu.memory_space<vmem>>, vector<16xf32>,
          tpu.vector_store %arg14[%swap3A_880, %swap3A_881], %add3A_779 {strides = array<i32>} : memref<16x17xf32, #tpu.memory_space<vmem>>, vector<16xf32>,
          %swap3A_883 = arith.constant 15 : i32
          %swap3A_884 = arith.index_cast %swap3A_883 : i32 to index
          %swap3A_885 = arith.constant 0 : index
          %swap3A_886 = tpu.vector_load %arg14[%swap3A_884, %swap3A_885] {strides = array<i32>} : memref<16x17xf32, #tpu.memory_space<vmem>>, vector<16xf32>,
          tpu.vector_store %arg14[%swap3A_884, %swap3A_885], %add3A_823 {strides = array<i32>} : memref<16x17xf32, #tpu.memory_space<vmem>>, vector<16xf32>,
          %broadcast_in_dim3A = arith.constant 0.000000e+00 : f32
          %broadcast_in_dim3A_887 = vector.broadcast %broadcast_in_dim3A : f32 to vector<16xf32>
          %broadcast_in_dim3A_888 = arith.constant 0 : i32
          %broadcast_in_dim3A_889 = vector.broadcast %broadcast_in_dim3A_888 : i32 to vector<16xi32>
          %gather3A = tpu.vector_load_idx %arg14[%iota3A, %broadcast_in_dim3A_889] : memref<16x17xf32, #tpu.memory_space<vmem>>[vector<16xi32>, vector<16xi32>], vector<16xf32>,
          %add3A_890 = arith.addf %broadcast_in_dim3A_887, %gather3A : vector<16xf32>
          %broadcast_in_dim3A_891 = arith.constant 1 : i32
          %broadcast_in_dim3A_892 = vector.broadcast %broadcast_in_dim3A_891 : i32 to vector<16xi32>
          %gather3A_893 = tpu.vector_load_idx %arg14[%iota3A, %broadcast_in_dim3A_892] : memref<16x17xf32, #tpu.memory_space<vmem>>[vector<16xi32>, vector<16xi32>], vector<16xf32>,
          %add3A_894 = arith.addf %add3A_890, %gather3A_893 : vector<16xf32>
          %broadcast_in_dim3A_895 = arith.constant 2 : i32
          %broadcast_in_dim3A_896 = vector.broadcast %broadcast_in_dim3A_895 : i32 to vector<16xi32>
          %gather3A_897 = tpu.vector_load_idx %arg14[%iota3A, %broadcast_in_dim3A_896] : memref<16x17xf32, #tpu.memory_space<vmem>>[vector<16xi32>, vector<16xi32>], vector<16xf32>,
          %add3A_898 = arith.addf %add3A_894, %gather3A_897 : vector<16xf32>
          %broadcast_in_dim3A_899 = arith.constant 3 : i32
          %broadcast_in_dim3A_900 = vector.broadcast %broadcast_in_dim3A_899 : i32 to vector<16xi32>
          %gather3A_901 = tpu.vector_load_idx %arg14[%iota3A, %broadcast_in_dim3A_900] : memref<16x17xf32, #tpu.memory_space<vmem>>[vector<16xi32>, vector<16xi32>], vector<16xf32>,
          %add3A_902 = arith.addf %add3A_898, %gather3A_901 : vector<16xf32>
          %broadcast_in_dim3A_903 = arith.constant 4 : i32
          %broadcast_in_dim3A_904 = vector.broadcast %broadcast_in_dim3A_903 : i32 to vector<16xi32>
          %gather3A_905 = tpu.vector_load_idx %arg14[%iota3A, %broadcast_in_dim3A_904] : memref<16x17xf32, #tpu.memory_space<vmem>>[vector<16xi32>, vector<16xi32>], vector<16xf32>,
          %add3A_906 = arith.addf %add3A_902, %gather3A_905 : vector<16xf32>
          %broadcast_in_dim3A_907 = arith.constant 5 : i32
          %broadcast_in_dim3A_908 = vector.broadcast %broadcast_in_dim3A_907 : i32 to vector<16xi32>
          %gather3A_909 = tpu.vector_load_idx %arg14[%iota3A, %broadcast_in_dim3A_908] : memref<16x17xf32, #tpu.memory_space<vmem>>[vector<16xi32>, vector<16xi32>], vector<16xf32>,
          %add3A_910 = arith.addf %add3A_906, %gather3A_909 : vector<16xf32>
          %broadcast_in_dim3A_911 = arith.constant 6 : i32
          %broadcast_in_dim3A_912 = vector.broadcast %broadcast_in_dim3A_911 : i32 to vector<16xi32>
          %gather3A_913 = tpu.vector_load_idx %arg14[%iota3A, %broadcast_in_dim3A_912] : memref<16x17xf32, #tpu.memory_space<vmem>>[vector<16xi32>, vector<16xi32>], vector<16xf32>,
          %add3A_914 = arith.addf %add3A_910, %gather3A_913 : vector<16xf32>
          %broadcast_in_dim3A_915 = arith.constant 7 : i32
          %broadcast_in_dim3A_916 = vector.broadcast %broadcast_in_dim3A_915 : i32 to vector<16xi32>
          %gather3A_917 = tpu.vector_load_idx %arg14[%iota3A, %broadcast_in_dim3A_916] : memref<16x17xf32, #tpu.memory_space<vmem>>[vector<16xi32>, vector<16xi32>], vector<16xf32>,
          %add3A_918 = arith.addf %add3A_914, %gather3A_917 : vector<16xf32>
          %broadcast_in_dim3A_919 = arith.constant 8 : i32
          %broadcast_in_dim3A_920 = vector.broadcast %broadcast_in_dim3A_919 : i32 to vector<16xi32>
          %gather3A_921 = tpu.vector_load_idx %arg14[%iota3A, %broadcast_in_dim3A_920] : memref<16x17xf32, #tpu.memory_space<vmem>>[vector<16xi32>, vector<16xi32>], vector<16xf32>,
          %add3A_922 = arith.addf %add3A_918, %gather3A_921 : vector<16xf32>
          %broadcast_in_dim3A_923 = arith.constant 9 : i32
          %broadcast_in_dim3A_924 = vector.broadcast %broadcast_in_dim3A_923 : i32 to vector<16xi32>
          %gather3A_925 = tpu.vector_load_idx %arg14[%iota3A, %broadcast_in_dim3A_924] : memref<16x17xf32, #tpu.memory_space<vmem>>[vector<16xi32>, vector<16xi32>], vector<16xf32>,
          %add3A_926 = arith.addf %add3A_922, %gather3A_925 : vector<16xf32>
          %broadcast_in_dim3A_927 = arith.constant 10 : i32
          %broadcast_in_dim3A_928 = vector.broadcast %broadcast_in_dim3A_927 : i32 to vector<16xi32>
          %gather3A_929 = tpu.vector_load_idx %arg14[%iota3A, %broadcast_in_dim3A_928] : memref<16x17xf32, #tpu.memory_space<vmem>>[vector<16xi32>, vector<16xi32>], vector<16xf32>,
          %add3A_930 = arith.addf %add3A_926, %gather3A_929 : vector<16xf32>
          %broadcast_in_dim3A_931 = arith.constant 11 : i32
          %broadcast_in_dim3A_932 = vector.broadcast %broadcast_in_dim3A_931 : i32 to vector<16xi32>
          %gather3A_933 = tpu.vector_load_idx %arg14[%iota3A, %broadcast_in_dim3A_932] : memref<16x17xf32, #tpu.memory_space<vmem>>[vector<16xi32>, vector<16xi32>], vector<16xf32>,
          %add3A_934 = arith.addf %add3A_930, %gather3A_933 : vector<16xf32>
          %broadcast_in_dim3A_935 = arith.constant 12 : i32
          %broadcast_in_dim3A_936 = vector.broadcast %broadcast_in_dim3A_935 : i32 to vector<16xi32>
          %gather3A_937 = tpu.vector_load_idx %arg14[%iota3A, %broadcast_in_dim3A_936] : memref<16x17xf32, #tpu.memory_space<vmem>>[vector<16xi32>, vector<16xi32>], vector<16xf32>,
          %add3A_938 = arith.addf %add3A_934, %gather3A_937 : vector<16xf32>
          %broadcast_in_dim3A_939 = arith.constant 13 : i32
          %broadcast_in_dim3A_940 = vector.broadcast %broadcast_in_dim3A_939 : i32 to vector<16xi32>
          %gather3A_941 = tpu.vector_load_idx %arg14[%iota3A, %broadcast_in_dim3A_940] : memref<16x17xf32, #tpu.memory_space<vmem>>[vector<16xi32>, vector<16xi32>], vector<16xf32>,
          %add3A_942 = arith.addf %add3A_938, %gather3A_941 : vector<16xf32>
          %broadcast_in_dim3A_943 = arith.constant 14 : i32
          %broadcast_in_dim3A_944 = vector.broadcast %broadcast_in_dim3A_943 : i32 to vector<16xi32>
          %gather3A_945 = tpu.vector_load_idx %arg14[%iota3A, %broadcast_in_dim3A_944] : memref<16x17xf32, #tpu.memory_space<vmem>>[vector<16xi32>, vector<16xi32>], vector<16xf32>,
          %add3A_946 = arith.addf %add3A_942, %gather3A_945 : vector<16xf32>
          %broadcast_in_dim3A_947 = arith.constant 15 : i32
          %broadcast_in_dim3A_948 = vector.broadcast %broadcast_in_dim3A_947 : i32 to vector<16xi32>
          %gather3A_949 = tpu.vector_load_idx %arg14[%iota3A, %broadcast_in_dim3A_948] : memref<16x17xf32, #tpu.memory_space<vmem>>[vector<16xi32>, vector<16xi32>], vector<16xf32>,
          %add3A_950 = arith.addf %add3A_946, %gather3A_949 : vector<16xf32>
          %swap3A_951 = arith.index_cast %mul3A_122 : i32 to index
          %swap3A_952 = tpu.vector_load %arg12[%swap3A_951] {strides = array<i32>} : memref<400xf32, #tpu.memory_space<vmem>>, vector<16xf32>,
          tpu.vector_store %arg12[%swap3A_951], %add3A_950 {strides = array<i32>} : memref<400xf32, #tpu.memory_space<vmem>>, vector<16xf32>,
        }
        %scan3A_106 = arith.constant 25 : i32
        %mul3A_107 = arith.constant 400 : i32
        %mul3A_108 = arith.muli %add3A_41, %mul3A_107 : i32
        %add3A_109 = arith.addi %mul3A_2, %mul3A_108 : i32
        %dma_start3A_110 = arith.constant 0 : i32
        %dma_start3A_111 = tpu.memref_slice %arg12[%dma_start3A_110] : memref<400xf32, #tpu.memory_space<vmem>> -> memref<400xf32, #tpu.memory_space<vmem>>
        %dma_start3A_112 = tpu.memref_slice %arg5[%add3A_109] : memref<320000xf32, #tpu.memory_space<hbm>> -> memref<400xf32, #tpu.memory_space<hbm>>
        %dma_start3A_113 = tpu.memref_slice %arg5[%add3A_109] : memref<320000xf32, #tpu.memory_space<hbm>> -> memref<400xf32, #tpu.memory_space<hbm>>
        %dma_start3A_114 = arith.constant 0 : i32
        %dma_start3A_115 = tpu.memref_slice %arg12[%dma_start3A_114] : memref<400xf32, #tpu.memory_space<vmem>> -> memref<400xf32, #tpu.memory_space<vmem>>
        tpu.enqueue_dma source(%dma_start3A_115 : memref<400xf32, #tpu.memory_space<vmem>>) target(%dma_start3A_113 : memref<400xf32, #tpu.memory_space<hbm>>) target_semaphore(%arg19 : memref<!tpu.dma_semaphore, #tpu.memory_space<semaphore_mem>>)
      } else {
      }
      %jit3A_54 = arith.constant 2 : i32
      %eq3A_55 = arith.constant 0 : i32
      %eq3A_56 = arith.cmpi eq, %jit3A_54, %eq3A_55 : i32
      %jit3A_57 = arith.constant 1 : i32
      %select_n3A_58 = arith.select %eq3A_56, %jit3A_57, %jit3A_54 : i32
      %rem3A_59 = arith.remsi %add3A_41, %select_n3A_58 : i32
      %ne3A_60 = arith.constant 0 : i32
      %ne3A_61 = arith.cmpi ne, %rem3A_59, %ne3A_60 : i32
      %lt3A_62 = arith.constant 0 : i32
      %lt3A_63 = arith.cmpi slt, %rem3A_59, %lt3A_62 : i32
      %lt3A_64 = arith.constant 0 : i32
      %lt3A_65 = arith.cmpi slt, %select_n3A_58, %lt3A_64 : i32
      %ne3A_66 = arith.xori %lt3A_63, %lt3A_65 : i1
      %and3A_67 = arith.andi %ne3A_66, %ne3A_61 : i1
      %add3A_68 = arith.addi %rem3A_59, %select_n3A_58 : i32
      %select_n3A_69 = arith.select %and3A_67, %add3A_68, %rem3A_59 : i32
      %eq3A_70 = arith.constant 1 : i32
      %eq3A_71 = arith.cmpi eq, %select_n3A_69, %eq3A_70 : i32
      %convert_element_type3A_72 = arith.extui %eq3A_71 : i1 to i32
      %cond3A_73 = arith.constant 0 : i32
      %cond3A_74 = arith.cmpi ne, %convert_element_type3A_72, %cond3A_73 : i32
      scf.if %cond3A_74 {
        %add3A_75 = arith.constant 1 : i32
        %add3A_76 = arith.addi %add3A_41, %add3A_75 : i32
        %lt3A_77 = arith.constant 25 : i32
        %lt3A_78 = arith.cmpi slt, %add3A_76, %lt3A_77 : i32
        %convert_element_type3A_79 = arith.extui %lt3A_78 : i1 to i32
        %cond3A_80 = arith.constant 0 : i32
        %cond3A_81 = arith.cmpi ne, %convert_element_type3A_79, %cond3A_80 : i32
        scf.if %cond3A_81 {
          %add3A_116 = arith.constant 1 : i32
          %add3A_117 = arith.addi %add3A_41, %add3A_116 : i32
          %mul3A_118 = arith.constant 400 : i32
          %mul3A_119 = arith.muli %add3A_117, %mul3A_118 : i32
          %dma_start3A_120 = arith.constant 0 : i32
          %dma_start3A_121 = arith.constant 0 : i32
          %dma_start3A_122 = tpu.memref_slice %arg8[%dma_start3A_120, %dma_start3A_121] : memref<400x64xi32, #tpu.memory_space<vmem>> -> memref<400x64xi32, #tpu.memory_space<vmem>>
          %dma_start3A_123 = tpu.memref_slice %arg6[%mul3A_119] : memref<10000xi32, #tpu.memory_space<vmem>> -> memref<400xi32, #tpu.memory_space<vmem>>
          %dma_start3A_124 = arith.constant 0 : i32
          %dma_start3A_125 = arith.constant 0 : i32
          %dma_start3A_126 = tpu.memref_slice %arg2[%dma_start3A_124, %dma_start3A_125] : memref<10000x64xi32, #tpu.memory_space<hbm>> -> memref<10000x64xi32, #tpu.memory_space<hbm>>
          tpu.enqueue_indirect_dma source(%dma_start3A_126 : memref<10000x64xi32, #tpu.memory_space<hbm>>) target(%dma_start3A_122 : memref<400x64xi32, #tpu.memory_space<vmem>>) offsets(%dma_start3A_123 : memref<400xi32, #tpu.memory_space<vmem>>) semaphore(%arg15 : memref<!tpu.dma_semaphore, #tpu.memory_space<semaphore_mem>>)
          %dma_start3A_127 = arith.constant 0 : i32
          %dma_start3A_128 = arith.constant 0 : i32
          %dma_start3A_129 = tpu.memref_slice %arg10[%dma_start3A_127, %dma_start3A_128] : memref<400x64xi32, #tpu.memory_space<vmem>> -> memref<400x64xi32, #tpu.memory_space<vmem>>
          %dma_start3A_130 = tpu.memref_slice %arg7[%mul3A_119] : memref<10000xi32, #tpu.memory_space<vmem>> -> memref<400xi32, #tpu.memory_space<vmem>>
          %dma_start3A_131 = arith.constant 0 : i32
          %dma_start3A_132 = arith.constant 0 : i32
          %dma_start3A_133 = tpu.memref_slice %arg2[%dma_start3A_131, %dma_start3A_132] : memref<10000x64xi32, #tpu.memory_space<hbm>> -> memref<10000x64xi32, #tpu.memory_space<hbm>>
          tpu.enqueue_indirect_dma source(%dma_start3A_133 : memref<10000x64xi32, #tpu.memory_space<hbm>>) target(%dma_start3A_129 : memref<400x64xi32, #tpu.memory_space<vmem>>) offsets(%dma_start3A_130 : memref<400xi32, #tpu.memory_space<vmem>>) semaphore(%arg17 : memref<!tpu.dma_semaphore, #tpu.memory_space<semaphore_mem>>)
        } else {
        }
        %mul3A_82 = arith.constant 400 : i32
        %mul3A_83 = arith.muli %add3A_41, %mul3A_82 : i32
        %dma_wait3A_84 = arith.constant 0 : i32
        %dma_wait3A_85 = arith.constant 0 : i32
        %dma_wait3A_86 = tpu.memref_slice %arg9[%dma_wait3A_84, %dma_wait3A_85] : memref<400x64xi32, #tpu.memory_space<vmem>> -> memref<400x64xi32, #tpu.memory_space<vmem>>
        %dma_wait3A_87 = tpu.memref_slice %arg6[%mul3A_83] : memref<10000xi32, #tpu.memory_space<vmem>> -> memref<400xi32, #tpu.memory_space<vmem>>
        %dma_wait3A_88 = arith.constant 0 : i32
        %dma_wait3A_89 = arith.constant 0 : i32
        %dma_wait3A_90 = tpu.memref_slice %arg2[%dma_wait3A_88, %dma_wait3A_89] : memref<10000x64xi32, #tpu.memory_space<hbm>> -> memref<10000x64xi32, #tpu.memory_space<hbm>>
        tpu.wait_indirect_dma semaphore(%arg16 : memref<!tpu.dma_semaphore, #tpu.memory_space<semaphore_mem>>) src(%dma_wait3A_90 : memref<10000x64xi32, #tpu.memory_space<hbm>>) dst(%dma_wait3A_86 : memref<400x64xi32, #tpu.memory_space<vmem>>)
        %dma_wait3A_91 = arith.constant 0 : i32
        %dma_wait3A_92 = arith.constant 0 : i32
        %dma_wait3A_93 = tpu.memref_slice %arg11[%dma_wait3A_91, %dma_wait3A_92] : memref<400x64xi32, #tpu.memory_space<vmem>> -> memref<400x64xi32, #tpu.memory_space<vmem>>
        %dma_wait3A_94 = tpu.memref_slice %arg7[%mul3A_83] : memref<10000xi32, #tpu.memory_space<vmem>> -> memref<400xi32, #tpu.memory_space<vmem>>
        %dma_wait3A_95 = arith.constant 0 : i32
        %dma_wait3A_96 = arith.constant 0 : i32
        %dma_wait3A_97 = tpu.memref_slice %arg2[%dma_wait3A_95, %dma_wait3A_96] : memref<10000x64xi32, #tpu.memory_space<hbm>> -> memref<10000x64xi32, #tpu.memory_space<hbm>>
        tpu.wait_indirect_dma semaphore(%arg18 : memref<!tpu.dma_semaphore, #tpu.memory_space<semaphore_mem>>) src(%dma_wait3A_97 : memref<10000x64xi32, #tpu.memory_space<hbm>>) dst(%dma_wait3A_93 : memref<400x64xi32, #tpu.memory_space<vmem>>)
        %ge3A = arith.constant 2 : i32
        %ge3A_98 = arith.cmpi sge, %add3A_41, %ge3A : i32
        %convert_element_type3A_99 = arith.extui %ge3A_98 : i1 to i32
        %cond3A_100 = arith.constant 0 : i32
        %cond3A_101 = arith.cmpi ne, %convert_element_type3A_99, %cond3A_100 : i32
        scf.if %cond3A_101 {
          %sub3A = arith.constant 2 : i32
          %sub3A_116 = arith.subi %add3A_41, %sub3A : i32
          %mul3A_117 = arith.constant 400 : i32
          %mul3A_118 = arith.muli %sub3A_116, %mul3A_117 : i32
          %add3A_119 = arith.addi %mul3A_2, %mul3A_118 : i32
          %dma_wait3A_120 = arith.constant 0 : i32
          %dma_wait3A_121 = tpu.memref_slice %arg13[%dma_wait3A_120] : memref<400xf32, #tpu.memory_space<vmem>> -> memref<400xf32, #tpu.memory_space<vmem>>
          %dma_wait3A_122 = tpu.memref_slice %arg5[%add3A_119] : memref<320000xf32, #tpu.memory_space<hbm>> -> memref<400xf32, #tpu.memory_space<hbm>>
          %dma_wait3A_123 = tpu.memref_slice %arg5[%add3A_119] : memref<320000xf32, #tpu.memory_space<hbm>> -> memref<400xf32, #tpu.memory_space<hbm>>
          %dma_wait3A_124 = arith.constant 0 : i32
          %dma_wait3A_125 = tpu.memref_slice %arg13[%dma_wait3A_124] : memref<400xf32, #tpu.memory_space<vmem>> -> memref<400xf32, #tpu.memory_space<vmem>>
          tpu.wait_dma2 semaphore(%arg20 : memref<!tpu.dma_semaphore, #tpu.memory_space<semaphore_mem>>) src(%dma_wait3A_125 : memref<400xf32, #tpu.memory_space<vmem>>) dst(%dma_wait3A_123 : memref<400xf32, #tpu.memory_space<hbm>>)
        } else {
        }
        %scan3A_102 = arith.constant 0 : i32
        %scan3A_103 = arith.constant 25 : i32
        %scan3A_104 = arith.addi %scan3A_102, %scan3A_103 : i32
        %scan3A_105 = arith.constant 1 : i32
        scf.for %scan3A_116 = %scan3A_102 to %scan3A_104 step %scan3A_105  : i32 {
          %mul3A_117 = arith.constant 1 : i32
          %mul3A_118 = arith.muli %scan3A_116, %mul3A_117 : i32
          %add3A_119 = arith.constant 0 : i32
          %add3A_120 = arith.addi %add3A_119, %mul3A_118 : i32
          %mul3A_121 = arith.constant 16 : i32
          %mul3A_122 = arith.muli %add3A_120, %mul3A_121 : i32
          %add3A_123 = arith.constant 0 : i32
          %add3A_124 = arith.addi %mul3A_122, %add3A_123 : i32
          %get3A = arith.index_cast %add3A_124 : i32 to index
          %get3A_125 = arith.constant 0 : index
          %get3A_126 = tpu.vector_load %arg9[%get3A, %get3A_125] {strides = array<i32>} : memref<400x64xi32, #tpu.memory_space<vmem>>, vector<16xi32>,
          %bitcast3A = vector.bitcast %get3A_126 : vector<16xi32> to vector<32xbf16>
          %get3A_127 = arith.index_cast %add3A_124 : i32 to index
          %get3A_128 = arith.constant 0 : index
          %get3A_129 = tpu.vector_load %arg11[%get3A_127, %get3A_128] {strides = array<i32>} : memref<400x64xi32, #tpu.memory_space<vmem>>, vector<16xi32>,
          %bitcast3A_130 = vector.bitcast %get3A_129 : vector<16xi32> to vector<32xbf16>
          %mul3A_131 = arith.mulf %bitcast3A, %bitcast3A_130 : vector<32xbf16>
          %get3A_132 = arith.index_cast %add3A_124 : i32 to index
          %get3A_133 = arith.constant 16 : index
          %get3A_134 = tpu.vector_load %arg9[%get3A_132, %get3A_133] {strides = array<i32>} : memref<400x64xi32, #tpu.memory_space<vmem>>, vector<16xi32>,
          %bitcast3A_135 = vector.bitcast %get3A_134 : vector<16xi32> to vector<32xbf16>
          %get3A_136 = arith.index_cast %add3A_124 : i32 to index
          %get3A_137 = arith.constant 16 : index
          %get3A_138 = tpu.vector_load %arg11[%get3A_136, %get3A_137] {strides = array<i32>} : memref<400x64xi32, #tpu.memory_space<vmem>>, vector<16xi32>,
          %bitcast3A_139 = vector.bitcast %get3A_138 : vector<16xi32> to vector<32xbf16>
          %mul3A_140 = arith.mulf %bitcast3A_135, %bitcast3A_139 : vector<32xbf16>
          %get3A_141 = arith.index_cast %add3A_124 : i32 to index
          %get3A_142 = arith.constant 32 : index
          %get3A_143 = tpu.vector_load %arg9[%get3A_141, %get3A_142] {strides = array<i32>} : memref<400x64xi32, #tpu.memory_space<vmem>>, vector<16xi32>,
          %bitcast3A_144 = vector.bitcast %get3A_143 : vector<16xi32> to vector<32xbf16>
          %get3A_145 = arith.index_cast %add3A_124 : i32 to index
          %get3A_146 = arith.constant 32 : index
          %get3A_147 = tpu.vector_load %arg11[%get3A_145, %get3A_146] {strides = array<i32>} : memref<400x64xi32, #tpu.memory_space<vmem>>, vector<16xi32>,
          %bitcast3A_148 = vector.bitcast %get3A_147 : vector<16xi32> to vector<32xbf16>
          %mul3A_149 = arith.mulf %bitcast3A_144, %bitcast3A_148 : vector<32xbf16>
          %get3A_150 = arith.index_cast %add3A_124 : i32 to index
          %get3A_151 = arith.constant 48 : index
          %get3A_152 = tpu.vector_load %arg9[%get3A_150, %get3A_151] {strides = array<i32>} : memref<400x64xi32, #tpu.memory_space<vmem>>, vector<16xi32>,
          %bitcast3A_153 = vector.bitcast %get3A_152 : vector<16xi32> to vector<32xbf16>
          %get3A_154 = arith.index_cast %add3A_124 : i32 to index
          %get3A_155 = arith.constant 48 : index
          %get3A_156 = tpu.vector_load %arg11[%get3A_154, %get3A_155] {strides = array<i32>} : memref<400x64xi32, #tpu.memory_space<vmem>>, vector<16xi32>,
          %bitcast3A_157 = vector.bitcast %get3A_156 : vector<16xi32> to vector<32xbf16>
          %mul3A_158 = arith.mulf %bitcast3A_153, %bitcast3A_157 : vector<32xbf16>
          %add3A_159 = arith.addf %mul3A_131, %mul3A_140 : vector<32xbf16>
          %add3A_160 = arith.addf %mul3A_149, %mul3A_158 : vector<32xbf16>
          %add3A_161 = arith.addf %add3A_159, %add3A_160 : vector<32xbf16>
          %unpack3A = tpu.unpack_subelements %add3A_161, 0 {pack_format = #tpu.pack_format<interleaved>} : vector<32xbf16> -> vector<16xf32>
          %unpack3A_162 = tpu.unpack_subelements %add3A_161, 1 {pack_format = #tpu.pack_format<interleaved>} : vector<32xbf16> -> vector<16xf32>
          %add3A_163 = arith.addf %unpack3A, %unpack3A_162 : vector<16xf32>
          %add3A_164 = arith.constant 1 : i32
          %add3A_165 = arith.addi %mul3A_122, %add3A_164 : i32
          %get3A_166 = arith.index_cast %add3A_165 : i32 to index
          %get3A_167 = arith.constant 0 : index
          %get3A_168 = tpu.vector_load %arg9[%get3A_166, %get3A_167] {strides = array<i32>} : memref<400x64xi32, #tpu.memory_space<vmem>>, vector<16xi32>,
          %bitcast3A_169 = vector.bitcast %get3A_168 : vector<16xi32> to vector<32xbf16>
          %get3A_170 = arith.index_cast %add3A_165 : i32 to index
          %get3A_171 = arith.constant 0 : index
          %get3A_172 = tpu.vector_load %arg11[%get3A_170, %get3A_171] {strides = array<i32>} : memref<400x64xi32, #tpu.memory_space<vmem>>, vector<16xi32>,
          %bitcast3A_173 = vector.bitcast %get3A_172 : vector<16xi32> to vector<32xbf16>
          %mul3A_174 = arith.mulf %bitcast3A_169, %bitcast3A_173 : vector<32xbf16>
          %get3A_175 = arith.index_cast %add3A_165 : i32 to index
          %get3A_176 = arith.constant 16 : index
          %get3A_177 = tpu.vector_load %arg9[%get3A_175, %get3A_176] {strides = array<i32>} : memref<400x64xi32, #tpu.memory_space<vmem>>, vector<16xi32>,
          %bitcast3A_178 = vector.bitcast %get3A_177 : vector<16xi32> to vector<32xbf16>
          %get3A_179 = arith.index_cast %add3A_165 : i32 to index
          %get3A_180 = arith.constant 16 : index
          %get3A_181 = tpu.vector_load %arg11[%get3A_179, %get3A_180] {strides = array<i32>} : memref<400x64xi32, #tpu.memory_space<vmem>>, vector<16xi32>,
          %bitcast3A_182 = vector.bitcast %get3A_181 : vector<16xi32> to vector<32xbf16>
          %mul3A_183 = arith.mulf %bitcast3A_178, %bitcast3A_182 : vector<32xbf16>
          %get3A_184 = arith.index_cast %add3A_165 : i32 to index
          %get3A_185 = arith.constant 32 : index
          %get3A_186 = tpu.vector_load %arg9[%get3A_184, %get3A_185] {strides = array<i32>} : memref<400x64xi32, #tpu.memory_space<vmem>>, vector<16xi32>,
          %bitcast3A_187 = vector.bitcast %get3A_186 : vector<16xi32> to vector<32xbf16>
          %get3A_188 = arith.index_cast %add3A_165 : i32 to index
          %get3A_189 = arith.constant 32 : index
          %get3A_190 = tpu.vector_load %arg11[%get3A_188, %get3A_189] {strides = array<i32>} : memref<400x64xi32, #tpu.memory_space<vmem>>, vector<16xi32>,
          %bitcast3A_191 = vector.bitcast %get3A_190 : vector<16xi32> to vector<32xbf16>
          %mul3A_192 = arith.mulf %bitcast3A_187, %bitcast3A_191 : vector<32xbf16>
          %get3A_193 = arith.index_cast %add3A_165 : i32 to index
          %get3A_194 = arith.constant 48 : index
          %get3A_195 = tpu.vector_load %arg9[%get3A_193, %get3A_194] {strides = array<i32>} : memref<400x64xi32, #tpu.memory_space<vmem>>, vector<16xi32>,
          %bitcast3A_196 = vector.bitcast %get3A_195 : vector<16xi32> to vector<32xbf16>
          %get3A_197 = arith.index_cast %add3A_165 : i32 to index
          %get3A_198 = arith.constant 48 : index
          %get3A_199 = tpu.vector_load %arg11[%get3A_197, %get3A_198] {strides = array<i32>} : memref<400x64xi32, #tpu.memory_space<vmem>>, vector<16xi32>,
          %bitcast3A_200 = vector.bitcast %get3A_199 : vector<16xi32> to vector<32xbf16>
          %mul3A_201 = arith.mulf %bitcast3A_196, %bitcast3A_200 : vector<32xbf16>
          %add3A_202 = arith.addf %mul3A_174, %mul3A_183 : vector<32xbf16>
          %add3A_203 = arith.addf %mul3A_192, %mul3A_201 : vector<32xbf16>
          %add3A_204 = arith.addf %add3A_202, %add3A_203 : vector<32xbf16>
          %unpack3A_205 = tpu.unpack_subelements %add3A_204, 0 {pack_format = #tpu.pack_format<interleaved>} : vector<32xbf16> -> vector<16xf32>
          %unpack3A_206 = tpu.unpack_subelements %add3A_204, 1 {pack_format = #tpu.pack_format<interleaved>} : vector<32xbf16> -> vector<16xf32>
          %add3A_207 = arith.addf %unpack3A_205, %unpack3A_206 : vector<16xf32>
          %add3A_208 = arith.constant 2 : i32
          %add3A_209 = arith.addi %mul3A_122, %add3A_208 : i32
          %get3A_210 = arith.index_cast %add3A_209 : i32 to index
          %get3A_211 = arith.constant 0 : index
          %get3A_212 = tpu.vector_load %arg9[%get3A_210, %get3A_211] {strides = array<i32>} : memref<400x64xi32, #tpu.memory_space<vmem>>, vector<16xi32>,
          %bitcast3A_213 = vector.bitcast %get3A_212 : vector<16xi32> to vector<32xbf16>
          %get3A_214 = arith.index_cast %add3A_209 : i32 to index
          %get3A_215 = arith.constant 0 : index
          %get3A_216 = tpu.vector_load %arg11[%get3A_214, %get3A_215] {strides = array<i32>} : memref<400x64xi32, #tpu.memory_space<vmem>>, vector<16xi32>,
          %bitcast3A_217 = vector.bitcast %get3A_216 : vector<16xi32> to vector<32xbf16>
          %mul3A_218 = arith.mulf %bitcast3A_213, %bitcast3A_217 : vector<32xbf16>
          %get3A_219 = arith.index_cast %add3A_209 : i32 to index
          %get3A_220 = arith.constant 16 : index
          %get3A_221 = tpu.vector_load %arg9[%get3A_219, %get3A_220] {strides = array<i32>} : memref<400x64xi32, #tpu.memory_space<vmem>>, vector<16xi32>,
          %bitcast3A_222 = vector.bitcast %get3A_221 : vector<16xi32> to vector<32xbf16>
          %get3A_223 = arith.index_cast %add3A_209 : i32 to index
          %get3A_224 = arith.constant 16 : index
          %get3A_225 = tpu.vector_load %arg11[%get3A_223, %get3A_224] {strides = array<i32>} : memref<400x64xi32, #tpu.memory_space<vmem>>, vector<16xi32>,
          %bitcast3A_226 = vector.bitcast %get3A_225 : vector<16xi32> to vector<32xbf16>
          %mul3A_227 = arith.mulf %bitcast3A_222, %bitcast3A_226 : vector<32xbf16>
          %get3A_228 = arith.index_cast %add3A_209 : i32 to index
          %get3A_229 = arith.constant 32 : index
          %get3A_230 = tpu.vector_load %arg9[%get3A_228, %get3A_229] {strides = array<i32>} : memref<400x64xi32, #tpu.memory_space<vmem>>, vector<16xi32>,
          %bitcast3A_231 = vector.bitcast %get3A_230 : vector<16xi32> to vector<32xbf16>
          %get3A_232 = arith.index_cast %add3A_209 : i32 to index
          %get3A_233 = arith.constant 32 : index
          %get3A_234 = tpu.vector_load %arg11[%get3A_232, %get3A_233] {strides = array<i32>} : memref<400x64xi32, #tpu.memory_space<vmem>>, vector<16xi32>,
          %bitcast3A_235 = vector.bitcast %get3A_234 : vector<16xi32> to vector<32xbf16>
          %mul3A_236 = arith.mulf %bitcast3A_231, %bitcast3A_235 : vector<32xbf16>
          %get3A_237 = arith.index_cast %add3A_209 : i32 to index
          %get3A_238 = arith.constant 48 : index
          %get3A_239 = tpu.vector_load %arg9[%get3A_237, %get3A_238] {strides = array<i32>} : memref<400x64xi32, #tpu.memory_space<vmem>>, vector<16xi32>,
          %bitcast3A_240 = vector.bitcast %get3A_239 : vector<16xi32> to vector<32xbf16>
          %get3A_241 = arith.index_cast %add3A_209 : i32 to index
          %get3A_242 = arith.constant 48 : index
          %get3A_243 = tpu.vector_load %arg11[%get3A_241, %get3A_242] {strides = array<i32>} : memref<400x64xi32, #tpu.memory_space<vmem>>, vector<16xi32>,
          %bitcast3A_244 = vector.bitcast %get3A_243 : vector<16xi32> to vector<32xbf16>
          %mul3A_245 = arith.mulf %bitcast3A_240, %bitcast3A_244 : vector<32xbf16>
          %add3A_246 = arith.addf %mul3A_218, %mul3A_227 : vector<32xbf16>
          %add3A_247 = arith.addf %mul3A_236, %mul3A_245 : vector<32xbf16>
          %add3A_248 = arith.addf %add3A_246, %add3A_247 : vector<32xbf16>
          %unpack3A_249 = tpu.unpack_subelements %add3A_248, 0 {pack_format = #tpu.pack_format<interleaved>} : vector<32xbf16> -> vector<16xf32>
          %unpack3A_250 = tpu.unpack_subelements %add3A_248, 1 {pack_format = #tpu.pack_format<interleaved>} : vector<32xbf16> -> vector<16xf32>
          %add3A_251 = arith.addf %unpack3A_249, %unpack3A_250 : vector<16xf32>
          %add3A_252 = arith.constant 3 : i32
          %add3A_253 = arith.addi %mul3A_122, %add3A_252 : i32
          %get3A_254 = arith.index_cast %add3A_253 : i32 to index
          %get3A_255 = arith.constant 0 : index
          %get3A_256 = tpu.vector_load %arg9[%get3A_254, %get3A_255] {strides = array<i32>} : memref<400x64xi32, #tpu.memory_space<vmem>>, vector<16xi32>,
          %bitcast3A_257 = vector.bitcast %get3A_256 : vector<16xi32> to vector<32xbf16>
          %get3A_258 = arith.index_cast %add3A_253 : i32 to index
          %get3A_259 = arith.constant 0 : index
          %get3A_260 = tpu.vector_load %arg11[%get3A_258, %get3A_259] {strides = array<i32>} : memref<400x64xi32, #tpu.memory_space<vmem>>, vector<16xi32>,
          %bitcast3A_261 = vector.bitcast %get3A_260 : vector<16xi32> to vector<32xbf16>
          %mul3A_262 = arith.mulf %bitcast3A_257, %bitcast3A_261 : vector<32xbf16>
          %get3A_263 = arith.index_cast %add3A_253 : i32 to index
          %get3A_264 = arith.constant 16 : index
          %get3A_265 = tpu.vector_load %arg9[%get3A_263, %get3A_264] {strides = array<i32>} : memref<400x64xi32, #tpu.memory_space<vmem>>, vector<16xi32>,
          %bitcast3A_266 = vector.bitcast %get3A_265 : vector<16xi32> to vector<32xbf16>
          %get3A_267 = arith.index_cast %add3A_253 : i32 to index
          %get3A_268 = arith.constant 16 : index
          %get3A_269 = tpu.vector_load %arg11[%get3A_267, %get3A_268] {strides = array<i32>} : memref<400x64xi32, #tpu.memory_space<vmem>>, vector<16xi32>,
          %bitcast3A_270 = vector.bitcast %get3A_269 : vector<16xi32> to vector<32xbf16>
          %mul3A_271 = arith.mulf %bitcast3A_266, %bitcast3A_270 : vector<32xbf16>
          %get3A_272 = arith.index_cast %add3A_253 : i32 to index
          %get3A_273 = arith.constant 32 : index
          %get3A_274 = tpu.vector_load %arg9[%get3A_272, %get3A_273] {strides = array<i32>} : memref<400x64xi32, #tpu.memory_space<vmem>>, vector<16xi32>,
          %bitcast3A_275 = vector.bitcast %get3A_274 : vector<16xi32> to vector<32xbf16>
          %get3A_276 = arith.index_cast %add3A_253 : i32 to index
          %get3A_277 = arith.constant 32 : index
          %get3A_278 = tpu.vector_load %arg11[%get3A_276, %get3A_277] {strides = array<i32>} : memref<400x64xi32, #tpu.memory_space<vmem>>, vector<16xi32>,
          %bitcast3A_279 = vector.bitcast %get3A_278 : vector<16xi32> to vector<32xbf16>
          %mul3A_280 = arith.mulf %bitcast3A_275, %bitcast3A_279 : vector<32xbf16>
          %get3A_281 = arith.index_cast %add3A_253 : i32 to index
          %get3A_282 = arith.constant 48 : index
          %get3A_283 = tpu.vector_load %arg9[%get3A_281, %get3A_282] {strides = array<i32>} : memref<400x64xi32, #tpu.memory_space<vmem>>, vector<16xi32>,
          %bitcast3A_284 = vector.bitcast %get3A_283 : vector<16xi32> to vector<32xbf16>
          %get3A_285 = arith.index_cast %add3A_253 : i32 to index
          %get3A_286 = arith.constant 48 : index
          %get3A_287 = tpu.vector_load %arg11[%get3A_285, %get3A_286] {strides = array<i32>} : memref<400x64xi32, #tpu.memory_space<vmem>>, vector<16xi32>,
          %bitcast3A_288 = vector.bitcast %get3A_287 : vector<16xi32> to vector<32xbf16>
          %mul3A_289 = arith.mulf %bitcast3A_284, %bitcast3A_288 : vector<32xbf16>
          %add3A_290 = arith.addf %mul3A_262, %mul3A_271 : vector<32xbf16>
          %add3A_291 = arith.addf %mul3A_280, %mul3A_289 : vector<32xbf16>
          %add3A_292 = arith.addf %add3A_290, %add3A_291 : vector<32xbf16>
          %unpack3A_293 = tpu.unpack_subelements %add3A_292, 0 {pack_format = #tpu.pack_format<interleaved>} : vector<32xbf16> -> vector<16xf32>
          %unpack3A_294 = tpu.unpack_subelements %add3A_292, 1 {pack_format = #tpu.pack_format<interleaved>} : vector<32xbf16> -> vector<16xf32>
          %add3A_295 = arith.addf %unpack3A_293, %unpack3A_294 : vector<16xf32>
          %add3A_296 = arith.constant 4 : i32
          %add3A_297 = arith.addi %mul3A_122, %add3A_296 : i32
          %get3A_298 = arith.index_cast %add3A_297 : i32 to index
          %get3A_299 = arith.constant 0 : index
          %get3A_300 = tpu.vector_load %arg9[%get3A_298, %get3A_299] {strides = array<i32>} : memref<400x64xi32, #tpu.memory_space<vmem>>, vector<16xi32>,
          %bitcast3A_301 = vector.bitcast %get3A_300 : vector<16xi32> to vector<32xbf16>
          %get3A_302 = arith.index_cast %add3A_297 : i32 to index
          %get3A_303 = arith.constant 0 : index
          %get3A_304 = tpu.vector_load %arg11[%get3A_302, %get3A_303] {strides = array<i32>} : memref<400x64xi32, #tpu.memory_space<vmem>>, vector<16xi32>,
          %bitcast3A_305 = vector.bitcast %get3A_304 : vector<16xi32> to vector<32xbf16>
          %mul3A_306 = arith.mulf %bitcast3A_301, %bitcast3A_305 : vector<32xbf16>
          %get3A_307 = arith.index_cast %add3A_297 : i32 to index
          %get3A_308 = arith.constant 16 : index
          %get3A_309 = tpu.vector_load %arg9[%get3A_307, %get3A_308] {strides = array<i32>} : memref<400x64xi32, #tpu.memory_space<vmem>>, vector<16xi32>,
          %bitcast3A_310 = vector.bitcast %get3A_309 : vector<16xi32> to vector<32xbf16>
          %get3A_311 = arith.index_cast %add3A_297 : i32 to index
          %get3A_312 = arith.constant 16 : index
          %get3A_313 = tpu.vector_load %arg11[%get3A_311, %get3A_312] {strides = array<i32>} : memref<400x64xi32, #tpu.memory_space<vmem>>, vector<16xi32>,
          %bitcast3A_314 = vector.bitcast %get3A_313 : vector<16xi32> to vector<32xbf16>
          %mul3A_315 = arith.mulf %bitcast3A_310, %bitcast3A_314 : vector<32xbf16>
          %get3A_316 = arith.index_cast %add3A_297 : i32 to index
          %get3A_317 = arith.constant 32 : index
          %get3A_318 = tpu.vector_load %arg9[%get3A_316, %get3A_317] {strides = array<i32>} : memref<400x64xi32, #tpu.memory_space<vmem>>, vector<16xi32>,
          %bitcast3A_319 = vector.bitcast %get3A_318 : vector<16xi32> to vector<32xbf16>
          %get3A_320 = arith.index_cast %add3A_297 : i32 to index
          %get3A_321 = arith.constant 32 : index
          %get3A_322 = tpu.vector_load %arg11[%get3A_320, %get3A_321] {strides = array<i32>} : memref<400x64xi32, #tpu.memory_space<vmem>>, vector<16xi32>,
          %bitcast3A_323 = vector.bitcast %get3A_322 : vector<16xi32> to vector<32xbf16>
          %mul3A_324 = arith.mulf %bitcast3A_319, %bitcast3A_323 : vector<32xbf16>
          %get3A_325 = arith.index_cast %add3A_297 : i32 to index
          %get3A_326 = arith.constant 48 : index
          %get3A_327 = tpu.vector_load %arg9[%get3A_325, %get3A_326] {strides = array<i32>} : memref<400x64xi32, #tpu.memory_space<vmem>>, vector<16xi32>,
          %bitcast3A_328 = vector.bitcast %get3A_327 : vector<16xi32> to vector<32xbf16>
          %get3A_329 = arith.index_cast %add3A_297 : i32 to index
          %get3A_330 = arith.constant 48 : index
          %get3A_331 = tpu.vector_load %arg11[%get3A_329, %get3A_330] {strides = array<i32>} : memref<400x64xi32, #tpu.memory_space<vmem>>, vector<16xi32>,
          %bitcast3A_332 = vector.bitcast %get3A_331 : vector<16xi32> to vector<32xbf16>
          %mul3A_333 = arith.mulf %bitcast3A_328, %bitcast3A_332 : vector<32xbf16>
          %add3A_334 = arith.addf %mul3A_306, %mul3A_315 : vector<32xbf16>
          %add3A_335 = arith.addf %mul3A_324, %mul3A_333 : vector<32xbf16>
          %add3A_336 = arith.addf %add3A_334, %add3A_335 : vector<32xbf16>
          %unpack3A_337 = tpu.unpack_subelements %add3A_336, 0 {pack_format = #tpu.pack_format<interleaved>} : vector<32xbf16> -> vector<16xf32>
          %unpack3A_338 = tpu.unpack_subelements %add3A_336, 1 {pack_format = #tpu.pack_format<interleaved>} : vector<32xbf16> -> vector<16xf32>
          %add3A_339 = arith.addf %unpack3A_337, %unpack3A_338 : vector<16xf32>
          %add3A_340 = arith.constant 5 : i32
          %add3A_341 = arith.addi %mul3A_122, %add3A_340 : i32
          %get3A_342 = arith.index_cast %add3A_341 : i32 to index
          %get3A_343 = arith.constant 0 : index
          %get3A_344 = tpu.vector_load %arg9[%get3A_342, %get3A_343] {strides = array<i32>} : memref<400x64xi32, #tpu.memory_space<vmem>>, vector<16xi32>,
          %bitcast3A_345 = vector.bitcast %get3A_344 : vector<16xi32> to vector<32xbf16>
          %get3A_346 = arith.index_cast %add3A_341 : i32 to index
          %get3A_347 = arith.constant 0 : index
          %get3A_348 = tpu.vector_load %arg11[%get3A_346, %get3A_347] {strides = array<i32>} : memref<400x64xi32, #tpu.memory_space<vmem>>, vector<16xi32>,
          %bitcast3A_349 = vector.bitcast %get3A_348 : vector<16xi32> to vector<32xbf16>
          %mul3A_350 = arith.mulf %bitcast3A_345, %bitcast3A_349 : vector<32xbf16>
          %get3A_351 = arith.index_cast %add3A_341 : i32 to index
          %get3A_352 = arith.constant 16 : index
          %get3A_353 = tpu.vector_load %arg9[%get3A_351, %get3A_352] {strides = array<i32>} : memref<400x64xi32, #tpu.memory_space<vmem>>, vector<16xi32>,
          %bitcast3A_354 = vector.bitcast %get3A_353 : vector<16xi32> to vector<32xbf16>
          %get3A_355 = arith.index_cast %add3A_341 : i32 to index
          %get3A_356 = arith.constant 16 : index
          %get3A_357 = tpu.vector_load %arg11[%get3A_355, %get3A_356] {strides = array<i32>} : memref<400x64xi32, #tpu.memory_space<vmem>>, vector<16xi32>,
          %bitcast3A_358 = vector.bitcast %get3A_357 : vector<16xi32> to vector<32xbf16>
          %mul3A_359 = arith.mulf %bitcast3A_354, %bitcast3A_358 : vector<32xbf16>
          %get3A_360 = arith.index_cast %add3A_341 : i32 to index
          %get3A_361 = arith.constant 32 : index
          %get3A_362 = tpu.vector_load %arg9[%get3A_360, %get3A_361] {strides = array<i32>} : memref<400x64xi32, #tpu.memory_space<vmem>>, vector<16xi32>,
          %bitcast3A_363 = vector.bitcast %get3A_362 : vector<16xi32> to vector<32xbf16>
          %get3A_364 = arith.index_cast %add3A_341 : i32 to index
          %get3A_365 = arith.constant 32 : index
          %get3A_366 = tpu.vector_load %arg11[%get3A_364, %get3A_365] {strides = array<i32>} : memref<400x64xi32, #tpu.memory_space<vmem>>, vector<16xi32>,
          %bitcast3A_367 = vector.bitcast %get3A_366 : vector<16xi32> to vector<32xbf16>
          %mul3A_368 = arith.mulf %bitcast3A_363, %bitcast3A_367 : vector<32xbf16>
          %get3A_369 = arith.index_cast %add3A_341 : i32 to index
          %get3A_370 = arith.constant 48 : index
          %get3A_371 = tpu.vector_load %arg9[%get3A_369, %get3A_370] {strides = array<i32>} : memref<400x64xi32, #tpu.memory_space<vmem>>, vector<16xi32>,
          %bitcast3A_372 = vector.bitcast %get3A_371 : vector<16xi32> to vector<32xbf16>
          %get3A_373 = arith.index_cast %add3A_341 : i32 to index
          %get3A_374 = arith.constant 48 : index
          %get3A_375 = tpu.vector_load %arg11[%get3A_373, %get3A_374] {strides = array<i32>} : memref<400x64xi32, #tpu.memory_space<vmem>>, vector<16xi32>,
          %bitcast3A_376 = vector.bitcast %get3A_375 : vector<16xi32> to vector<32xbf16>
          %mul3A_377 = arith.mulf %bitcast3A_372, %bitcast3A_376 : vector<32xbf16>
          %add3A_378 = arith.addf %mul3A_350, %mul3A_359 : vector<32xbf16>
          %add3A_379 = arith.addf %mul3A_368, %mul3A_377 : vector<32xbf16>
          %add3A_380 = arith.addf %add3A_378, %add3A_379 : vector<32xbf16>
          %unpack3A_381 = tpu.unpack_subelements %add3A_380, 0 {pack_format = #tpu.pack_format<interleaved>} : vector<32xbf16> -> vector<16xf32>
          %unpack3A_382 = tpu.unpack_subelements %add3A_380, 1 {pack_format = #tpu.pack_format<interleaved>} : vector<32xbf16> -> vector<16xf32>
          %add3A_383 = arith.addf %unpack3A_381, %unpack3A_382 : vector<16xf32>
          %add3A_384 = arith.constant 6 : i32
          %add3A_385 = arith.addi %mul3A_122, %add3A_384 : i32
          %get3A_386 = arith.index_cast %add3A_385 : i32 to index
          %get3A_387 = arith.constant 0 : index
          %get3A_388 = tpu.vector_load %arg9[%get3A_386, %get3A_387] {strides = array<i32>} : memref<400x64xi32, #tpu.memory_space<vmem>>, vector<16xi32>,
          %bitcast3A_389 = vector.bitcast %get3A_388 : vector<16xi32> to vector<32xbf16>
          %get3A_390 = arith.index_cast %add3A_385 : i32 to index
          %get3A_391 = arith.constant 0 : index
          %get3A_392 = tpu.vector_load %arg11[%get3A_390, %get3A_391] {strides = array<i32>} : memref<400x64xi32, #tpu.memory_space<vmem>>, vector<16xi32>,
          %bitcast3A_393 = vector.bitcast %get3A_392 : vector<16xi32> to vector<32xbf16>
          %mul3A_394 = arith.mulf %bitcast3A_389, %bitcast3A_393 : vector<32xbf16>
          %get3A_395 = arith.index_cast %add3A_385 : i32 to index
          %get3A_396 = arith.constant 16 : index
          %get3A_397 = tpu.vector_load %arg9[%get3A_395, %get3A_396] {strides = array<i32>} : memref<400x64xi32, #tpu.memory_space<vmem>>, vector<16xi32>,
          %bitcast3A_398 = vector.bitcast %get3A_397 : vector<16xi32> to vector<32xbf16>
          %get3A_399 = arith.index_cast %add3A_385 : i32 to index
          %get3A_400 = arith.constant 16 : index
          %get3A_401 = tpu.vector_load %arg11[%get3A_399, %get3A_400] {strides = array<i32>} : memref<400x64xi32, #tpu.memory_space<vmem>>, vector<16xi32>,
          %bitcast3A_402 = vector.bitcast %get3A_401 : vector<16xi32> to vector<32xbf16>
          %mul3A_403 = arith.mulf %bitcast3A_398, %bitcast3A_402 : vector<32xbf16>
          %get3A_404 = arith.index_cast %add3A_385 : i32 to index
          %get3A_405 = arith.constant 32 : index
          %get3A_406 = tpu.vector_load %arg9[%get3A_404, %get3A_405] {strides = array<i32>} : memref<400x64xi32, #tpu.memory_space<vmem>>, vector<16xi32>,
          %bitcast3A_407 = vector.bitcast %get3A_406 : vector<16xi32> to vector<32xbf16>
          %get3A_408 = arith.index_cast %add3A_385 : i32 to index
          %get3A_409 = arith.constant 32 : index
          %get3A_410 = tpu.vector_load %arg11[%get3A_408, %get3A_409] {strides = array<i32>} : memref<400x64xi32, #tpu.memory_space<vmem>>, vector<16xi32>,
          %bitcast3A_411 = vector.bitcast %get3A_410 : vector<16xi32> to vector<32xbf16>
          %mul3A_412 = arith.mulf %bitcast3A_407, %bitcast3A_411 : vector<32xbf16>
          %get3A_413 = arith.index_cast %add3A_385 : i32 to index
          %get3A_414 = arith.constant 48 : index
          %get3A_415 = tpu.vector_load %arg9[%get3A_413, %get3A_414] {strides = array<i32>} : memref<400x64xi32, #tpu.memory_space<vmem>>, vector<16xi32>,
          %bitcast3A_416 = vector.bitcast %get3A_415 : vector<16xi32> to vector<32xbf16>
          %get3A_417 = arith.index_cast %add3A_385 : i32 to index
          %get3A_418 = arith.constant 48 : index
          %get3A_419 = tpu.vector_load %arg11[%get3A_417, %get3A_418] {strides = array<i32>} : memref<400x64xi32, #tpu.memory_space<vmem>>, vector<16xi32>,
          %bitcast3A_420 = vector.bitcast %get3A_419 : vector<16xi32> to vector<32xbf16>
          %mul3A_421 = arith.mulf %bitcast3A_416, %bitcast3A_420 : vector<32xbf16>
          %add3A_422 = arith.addf %mul3A_394, %mul3A_403 : vector<32xbf16>
          %add3A_423 = arith.addf %mul3A_412, %mul3A_421 : vector<32xbf16>
          %add3A_424 = arith.addf %add3A_422, %add3A_423 : vector<32xbf16>
          %unpack3A_425 = tpu.unpack_subelements %add3A_424, 0 {pack_format = #tpu.pack_format<interleaved>} : vector<32xbf16> -> vector<16xf32>
          %unpack3A_426 = tpu.unpack_subelements %add3A_424, 1 {pack_format = #tpu.pack_format<interleaved>} : vector<32xbf16> -> vector<16xf32>
          %add3A_427 = arith.addf %unpack3A_425, %unpack3A_426 : vector<16xf32>
          %add3A_428 = arith.constant 7 : i32
          %add3A_429 = arith.addi %mul3A_122, %add3A_428 : i32
          %get3A_430 = arith.index_cast %add3A_429 : i32 to index
          %get3A_431 = arith.constant 0 : index
          %get3A_432 = tpu.vector_load %arg9[%get3A_430, %get3A_431] {strides = array<i32>} : memref<400x64xi32, #tpu.memory_space<vmem>>, vector<16xi32>,
          %bitcast3A_433 = vector.bitcast %get3A_432 : vector<16xi32> to vector<32xbf16>
          %get3A_434 = arith.index_cast %add3A_429 : i32 to index
          %get3A_435 = arith.constant 0 : index
          %get3A_436 = tpu.vector_load %arg11[%get3A_434, %get3A_435] {strides = array<i32>} : memref<400x64xi32, #tpu.memory_space<vmem>>, vector<16xi32>,
          %bitcast3A_437 = vector.bitcast %get3A_436 : vector<16xi32> to vector<32xbf16>
          %mul3A_438 = arith.mulf %bitcast3A_433, %bitcast3A_437 : vector<32xbf16>
          %get3A_439 = arith.index_cast %add3A_429 : i32 to index
          %get3A_440 = arith.constant 16 : index
          %get3A_441 = tpu.vector_load %arg9[%get3A_439, %get3A_440] {strides = array<i32>} : memref<400x64xi32, #tpu.memory_space<vmem>>, vector<16xi32>,
          %bitcast3A_442 = vector.bitcast %get3A_441 : vector<16xi32> to vector<32xbf16>
          %get3A_443 = arith.index_cast %add3A_429 : i32 to index
          %get3A_444 = arith.constant 16 : index
          %get3A_445 = tpu.vector_load %arg11[%get3A_443, %get3A_444] {strides = array<i32>} : memref<400x64xi32, #tpu.memory_space<vmem>>, vector<16xi32>,
          %bitcast3A_446 = vector.bitcast %get3A_445 : vector<16xi32> to vector<32xbf16>
          %mul3A_447 = arith.mulf %bitcast3A_442, %bitcast3A_446 : vector<32xbf16>
          %get3A_448 = arith.index_cast %add3A_429 : i32 to index
          %get3A_449 = arith.constant 32 : index
          %get3A_450 = tpu.vector_load %arg9[%get3A_448, %get3A_449] {strides = array<i32>} : memref<400x64xi32, #tpu.memory_space<vmem>>, vector<16xi32>,
          %bitcast3A_451 = vector.bitcast %get3A_450 : vector<16xi32> to vector<32xbf16>
          %get3A_452 = arith.index_cast %add3A_429 : i32 to index
          %get3A_453 = arith.constant 32 : index
          %get3A_454 = tpu.vector_load %arg11[%get3A_452, %get3A_453] {strides = array<i32>} : memref<400x64xi32, #tpu.memory_space<vmem>>, vector<16xi32>,
          %bitcast3A_455 = vector.bitcast %get3A_454 : vector<16xi32> to vector<32xbf16>
          %mul3A_456 = arith.mulf %bitcast3A_451, %bitcast3A_455 : vector<32xbf16>
          %get3A_457 = arith.index_cast %add3A_429 : i32 to index
          %get3A_458 = arith.constant 48 : index
          %get3A_459 = tpu.vector_load %arg9[%get3A_457, %get3A_458] {strides = array<i32>} : memref<400x64xi32, #tpu.memory_space<vmem>>, vector<16xi32>,
          %bitcast3A_460 = vector.bitcast %get3A_459 : vector<16xi32> to vector<32xbf16>
          %get3A_461 = arith.index_cast %add3A_429 : i32 to index
          %get3A_462 = arith.constant 48 : index
          %get3A_463 = tpu.vector_load %arg11[%get3A_461, %get3A_462] {strides = array<i32>} : memref<400x64xi32, #tpu.memory_space<vmem>>, vector<16xi32>,
          %bitcast3A_464 = vector.bitcast %get3A_463 : vector<16xi32> to vector<32xbf16>
          %mul3A_465 = arith.mulf %bitcast3A_460, %bitcast3A_464 : vector<32xbf16>
          %add3A_466 = arith.addf %mul3A_438, %mul3A_447 : vector<32xbf16>
          %add3A_467 = arith.addf %mul3A_456, %mul3A_465 : vector<32xbf16>
          %add3A_468 = arith.addf %add3A_466, %add3A_467 : vector<32xbf16>
          %unpack3A_469 = tpu.unpack_subelements %add3A_468, 0 {pack_format = #tpu.pack_format<interleaved>} : vector<32xbf16> -> vector<16xf32>
          %unpack3A_470 = tpu.unpack_subelements %add3A_468, 1 {pack_format = #tpu.pack_format<interleaved>} : vector<32xbf16> -> vector<16xf32>
          %add3A_471 = arith.addf %unpack3A_469, %unpack3A_470 : vector<16xf32>
          %add3A_472 = arith.constant 8 : i32
          %add3A_473 = arith.addi %mul3A_122, %add3A_472 : i32
          %get3A_474 = arith.index_cast %add3A_473 : i32 to index
          %get3A_475 = arith.constant 0 : index
          %get3A_476 = tpu.vector_load %arg9[%get3A_474, %get3A_475] {strides = array<i32>} : memref<400x64xi32, #tpu.memory_space<vmem>>, vector<16xi32>,
          %bitcast3A_477 = vector.bitcast %get3A_476 : vector<16xi32> to vector<32xbf16>
          %get3A_478 = arith.index_cast %add3A_473 : i32 to index
          %get3A_479 = arith.constant 0 : index
          %get3A_480 = tpu.vector_load %arg11[%get3A_478, %get3A_479] {strides = array<i32>} : memref<400x64xi32, #tpu.memory_space<vmem>>, vector<16xi32>,
          %bitcast3A_481 = vector.bitcast %get3A_480 : vector<16xi32> to vector<32xbf16>
          %mul3A_482 = arith.mulf %bitcast3A_477, %bitcast3A_481 : vector<32xbf16>
          %get3A_483 = arith.index_cast %add3A_473 : i32 to index
          %get3A_484 = arith.constant 16 : index
          %get3A_485 = tpu.vector_load %arg9[%get3A_483, %get3A_484] {strides = array<i32>} : memref<400x64xi32, #tpu.memory_space<vmem>>, vector<16xi32>,
          %bitcast3A_486 = vector.bitcast %get3A_485 : vector<16xi32> to vector<32xbf16>
          %get3A_487 = arith.index_cast %add3A_473 : i32 to index
          %get3A_488 = arith.constant 16 : index
          %get3A_489 = tpu.vector_load %arg11[%get3A_487, %get3A_488] {strides = array<i32>} : memref<400x64xi32, #tpu.memory_space<vmem>>, vector<16xi32>,
          %bitcast3A_490 = vector.bitcast %get3A_489 : vector<16xi32> to vector<32xbf16>
          %mul3A_491 = arith.mulf %bitcast3A_486, %bitcast3A_490 : vector<32xbf16>
          %get3A_492 = arith.index_cast %add3A_473 : i32 to index
          %get3A_493 = arith.constant 32 : index
          %get3A_494 = tpu.vector_load %arg9[%get3A_492, %get3A_493] {strides = array<i32>} : memref<400x64xi32, #tpu.memory_space<vmem>>, vector<16xi32>,
          %bitcast3A_495 = vector.bitcast %get3A_494 : vector<16xi32> to vector<32xbf16>
          %get3A_496 = arith.index_cast %add3A_473 : i32 to index
          %get3A_497 = arith.constant 32 : index
          %get3A_498 = tpu.vector_load %arg11[%get3A_496, %get3A_497] {strides = array<i32>} : memref<400x64xi32, #tpu.memory_space<vmem>>, vector<16xi32>,
          %bitcast3A_499 = vector.bitcast %get3A_498 : vector<16xi32> to vector<32xbf16>
          %mul3A_500 = arith.mulf %bitcast3A_495, %bitcast3A_499 : vector<32xbf16>
          %get3A_501 = arith.index_cast %add3A_473 : i32 to index
          %get3A_502 = arith.constant 48 : index
          %get3A_503 = tpu.vector_load %arg9[%get3A_501, %get3A_502] {strides = array<i32>} : memref<400x64xi32, #tpu.memory_space<vmem>>, vector<16xi32>,
          %bitcast3A_504 = vector.bitcast %get3A_503 : vector<16xi32> to vector<32xbf16>
          %get3A_505 = arith.index_cast %add3A_473 : i32 to index
          %get3A_506 = arith.constant 48 : index
          %get3A_507 = tpu.vector_load %arg11[%get3A_505, %get3A_506] {strides = array<i32>} : memref<400x64xi32, #tpu.memory_space<vmem>>, vector<16xi32>,
          %bitcast3A_508 = vector.bitcast %get3A_507 : vector<16xi32> to vector<32xbf16>
          %mul3A_509 = arith.mulf %bitcast3A_504, %bitcast3A_508 : vector<32xbf16>
          %add3A_510 = arith.addf %mul3A_482, %mul3A_491 : vector<32xbf16>
          %add3A_511 = arith.addf %mul3A_500, %mul3A_509 : vector<32xbf16>
          %add3A_512 = arith.addf %add3A_510, %add3A_511 : vector<32xbf16>
          %unpack3A_513 = tpu.unpack_subelements %add3A_512, 0 {pack_format = #tpu.pack_format<interleaved>} : vector<32xbf16> -> vector<16xf32>
          %unpack3A_514 = tpu.unpack_subelements %add3A_512, 1 {pack_format = #tpu.pack_format<interleaved>} : vector<32xbf16> -> vector<16xf32>
          %add3A_515 = arith.addf %unpack3A_513, %unpack3A_514 : vector<16xf32>
          %add3A_516 = arith.constant 9 : i32
          %add3A_517 = arith.addi %mul3A_122, %add3A_516 : i32
          %get3A_518 = arith.index_cast %add3A_517 : i32 to index
          %get3A_519 = arith.constant 0 : index
          %get3A_520 = tpu.vector_load %arg9[%get3A_518, %get3A_519] {strides = array<i32>} : memref<400x64xi32, #tpu.memory_space<vmem>>, vector<16xi32>,
          %bitcast3A_521 = vector.bitcast %get3A_520 : vector<16xi32> to vector<32xbf16>
          %get3A_522 = arith.index_cast %add3A_517 : i32 to index
          %get3A_523 = arith.constant 0 : index
          %get3A_524 = tpu.vector_load %arg11[%get3A_522, %get3A_523] {strides = array<i32>} : memref<400x64xi32, #tpu.memory_space<vmem>>, vector<16xi32>,
          %bitcast3A_525 = vector.bitcast %get3A_524 : vector<16xi32> to vector<32xbf16>
          %mul3A_526 = arith.mulf %bitcast3A_521, %bitcast3A_525 : vector<32xbf16>
          %get3A_527 = arith.index_cast %add3A_517 : i32 to index
          %get3A_528 = arith.constant 16 : index
          %get3A_529 = tpu.vector_load %arg9[%get3A_527, %get3A_528] {strides = array<i32>} : memref<400x64xi32, #tpu.memory_space<vmem>>, vector<16xi32>,
          %bitcast3A_530 = vector.bitcast %get3A_529 : vector<16xi32> to vector<32xbf16>
          %get3A_531 = arith.index_cast %add3A_517 : i32 to index
          %get3A_532 = arith.constant 16 : index
          %get3A_533 = tpu.vector_load %arg11[%get3A_531, %get3A_532] {strides = array<i32>} : memref<400x64xi32, #tpu.memory_space<vmem>>, vector<16xi32>,
          %bitcast3A_534 = vector.bitcast %get3A_533 : vector<16xi32> to vector<32xbf16>
          %mul3A_535 = arith.mulf %bitcast3A_530, %bitcast3A_534 : vector<32xbf16>
          %get3A_536 = arith.index_cast %add3A_517 : i32 to index
          %get3A_537 = arith.constant 32 : index
          %get3A_538 = tpu.vector_load %arg9[%get3A_536, %get3A_537] {strides = array<i32>} : memref<400x64xi32, #tpu.memory_space<vmem>>, vector<16xi32>,
          %bitcast3A_539 = vector.bitcast %get3A_538 : vector<16xi32> to vector<32xbf16>
          %get3A_540 = arith.index_cast %add3A_517 : i32 to index
          %get3A_541 = arith.constant 32 : index
          %get3A_542 = tpu.vector_load %arg11[%get3A_540, %get3A_541] {strides = array<i32>} : memref<400x64xi32, #tpu.memory_space<vmem>>, vector<16xi32>,
          %bitcast3A_543 = vector.bitcast %get3A_542 : vector<16xi32> to vector<32xbf16>
          %mul3A_544 = arith.mulf %bitcast3A_539, %bitcast3A_543 : vector<32xbf16>
          %get3A_545 = arith.index_cast %add3A_517 : i32 to index
          %get3A_546 = arith.constant 48 : index
          %get3A_547 = tpu.vector_load %arg9[%get3A_545, %get3A_546] {strides = array<i32>} : memref<400x64xi32, #tpu.memory_space<vmem>>, vector<16xi32>,
          %bitcast3A_548 = vector.bitcast %get3A_547 : vector<16xi32> to vector<32xbf16>
          %get3A_549 = arith.index_cast %add3A_517 : i32 to index
          %get3A_550 = arith.constant 48 : index
          %get3A_551 = tpu.vector_load %arg11[%get3A_549, %get3A_550] {strides = array<i32>} : memref<400x64xi32, #tpu.memory_space<vmem>>, vector<16xi32>,
          %bitcast3A_552 = vector.bitcast %get3A_551 : vector<16xi32> to vector<32xbf16>
          %mul3A_553 = arith.mulf %bitcast3A_548, %bitcast3A_552 : vector<32xbf16>
          %add3A_554 = arith.addf %mul3A_526, %mul3A_535 : vector<32xbf16>
          %add3A_555 = arith.addf %mul3A_544, %mul3A_553 : vector<32xbf16>
          %add3A_556 = arith.addf %add3A_554, %add3A_555 : vector<32xbf16>
          %unpack3A_557 = tpu.unpack_subelements %add3A_556, 0 {pack_format = #tpu.pack_format<interleaved>} : vector<32xbf16> -> vector<16xf32>
          %unpack3A_558 = tpu.unpack_subelements %add3A_556, 1 {pack_format = #tpu.pack_format<interleaved>} : vector<32xbf16> -> vector<16xf32>
          %add3A_559 = arith.addf %unpack3A_557, %unpack3A_558 : vector<16xf32>
          %add3A_560 = arith.constant 10 : i32
          %add3A_561 = arith.addi %mul3A_122, %add3A_560 : i32
          %get3A_562 = arith.index_cast %add3A_561 : i32 to index
          %get3A_563 = arith.constant 0 : index
          %get3A_564 = tpu.vector_load %arg9[%get3A_562, %get3A_563] {strides = array<i32>} : memref<400x64xi32, #tpu.memory_space<vmem>>, vector<16xi32>,
          %bitcast3A_565 = vector.bitcast %get3A_564 : vector<16xi32> to vector<32xbf16>
          %get3A_566 = arith.index_cast %add3A_561 : i32 to index
          %get3A_567 = arith.constant 0 : index
          %get3A_568 = tpu.vector_load %arg11[%get3A_566, %get3A_567] {strides = array<i32>} : memref<400x64xi32, #tpu.memory_space<vmem>>, vector<16xi32>,
          %bitcast3A_569 = vector.bitcast %get3A_568 : vector<16xi32> to vector<32xbf16>
          %mul3A_570 = arith.mulf %bitcast3A_565, %bitcast3A_569 : vector<32xbf16>
          %get3A_571 = arith.index_cast %add3A_561 : i32 to index
          %get3A_572 = arith.constant 16 : index
          %get3A_573 = tpu.vector_load %arg9[%get3A_571, %get3A_572] {strides = array<i32>} : memref<400x64xi32, #tpu.memory_space<vmem>>, vector<16xi32>,
          %bitcast3A_574 = vector.bitcast %get3A_573 : vector<16xi32> to vector<32xbf16>
          %get3A_575 = arith.index_cast %add3A_561 : i32 to index
          %get3A_576 = arith.constant 16 : index
          %get3A_577 = tpu.vector_load %arg11[%get3A_575, %get3A_576] {strides = array<i32>} : memref<400x64xi32, #tpu.memory_space<vmem>>, vector<16xi32>,
          %bitcast3A_578 = vector.bitcast %get3A_577 : vector<16xi32> to vector<32xbf16>
          %mul3A_579 = arith.mulf %bitcast3A_574, %bitcast3A_578 : vector<32xbf16>
          %get3A_580 = arith.index_cast %add3A_561 : i32 to index
          %get3A_581 = arith.constant 32 : index
          %get3A_582 = tpu.vector_load %arg9[%get3A_580, %get3A_581] {strides = array<i32>} : memref<400x64xi32, #tpu.memory_space<vmem>>, vector<16xi32>,
          %bitcast3A_583 = vector.bitcast %get3A_582 : vector<16xi32> to vector<32xbf16>
          %get3A_584 = arith.index_cast %add3A_561 : i32 to index
          %get3A_585 = arith.constant 32 : index
          %get3A_586 = tpu.vector_load %arg11[%get3A_584, %get3A_585] {strides = array<i32>} : memref<400x64xi32, #tpu.memory_space<vmem>>, vector<16xi32>,
          %bitcast3A_587 = vector.bitcast %get3A_586 : vector<16xi32> to vector<32xbf16>
          %mul3A_588 = arith.mulf %bitcast3A_583, %bitcast3A_587 : vector<32xbf16>
          %get3A_589 = arith.index_cast %add3A_561 : i32 to index
          %get3A_590 = arith.constant 48 : index
          %get3A_591 = tpu.vector_load %arg9[%get3A_589, %get3A_590] {strides = array<i32>} : memref<400x64xi32, #tpu.memory_space<vmem>>, vector<16xi32>,
          %bitcast3A_592 = vector.bitcast %get3A_591 : vector<16xi32> to vector<32xbf16>
          %get3A_593 = arith.index_cast %add3A_561 : i32 to index
          %get3A_594 = arith.constant 48 : index
          %get3A_595 = tpu.vector_load %arg11[%get3A_593, %get3A_594] {strides = array<i32>} : memref<400x64xi32, #tpu.memory_space<vmem>>, vector<16xi32>,
          %bitcast3A_596 = vector.bitcast %get3A_595 : vector<16xi32> to vector<32xbf16>
          %mul3A_597 = arith.mulf %bitcast3A_592, %bitcast3A_596 : vector<32xbf16>
          %add3A_598 = arith.addf %mul3A_570, %mul3A_579 : vector<32xbf16>
          %add3A_599 = arith.addf %mul3A_588, %mul3A_597 : vector<32xbf16>
          %add3A_600 = arith.addf %add3A_598, %add3A_599 : vector<32xbf16>
          %unpack3A_601 = tpu.unpack_subelements %add3A_600, 0 {pack_format = #tpu.pack_format<interleaved>} : vector<32xbf16> -> vector<16xf32>
          %unpack3A_602 = tpu.unpack_subelements %add3A_600, 1 {pack_format = #tpu.pack_format<interleaved>} : vector<32xbf16> -> vector<16xf32>
          %add3A_603 = arith.addf %unpack3A_601, %unpack3A_602 : vector<16xf32>
          %add3A_604 = arith.constant 11 : i32
          %add3A_605 = arith.addi %mul3A_122, %add3A_604 : i32
          %get3A_606 = arith.index_cast %add3A_605 : i32 to index
          %get3A_607 = arith.constant 0 : index
          %get3A_608 = tpu.vector_load %arg9[%get3A_606, %get3A_607] {strides = array<i32>} : memref<400x64xi32, #tpu.memory_space<vmem>>, vector<16xi32>,
          %bitcast3A_609 = vector.bitcast %get3A_608 : vector<16xi32> to vector<32xbf16>
          %get3A_610 = arith.index_cast %add3A_605 : i32 to index
          %get3A_611 = arith.constant 0 : index
          %get3A_612 = tpu.vector_load %arg11[%get3A_610, %get3A_611] {strides = array<i32>} : memref<400x64xi32, #tpu.memory_space<vmem>>, vector<16xi32>,
          %bitcast3A_613 = vector.bitcast %get3A_612 : vector<16xi32> to vector<32xbf16>
          %mul3A_614 = arith.mulf %bitcast3A_609, %bitcast3A_613 : vector<32xbf16>
          %get3A_615 = arith.index_cast %add3A_605 : i32 to index
          %get3A_616 = arith.constant 16 : index
          %get3A_617 = tpu.vector_load %arg9[%get3A_615, %get3A_616] {strides = array<i32>} : memref<400x64xi32, #tpu.memory_space<vmem>>, vector<16xi32>,
          %bitcast3A_618 = vector.bitcast %get3A_617 : vector<16xi32> to vector<32xbf16>
          %get3A_619 = arith.index_cast %add3A_605 : i32 to index
          %get3A_620 = arith.constant 16 : index
          %get3A_621 = tpu.vector_load %arg11[%get3A_619, %get3A_620] {strides = array<i32>} : memref<400x64xi32, #tpu.memory_space<vmem>>, vector<16xi32>,
          %bitcast3A_622 = vector.bitcast %get3A_621 : vector<16xi32> to vector<32xbf16>
          %mul3A_623 = arith.mulf %bitcast3A_618, %bitcast3A_622 : vector<32xbf16>
          %get3A_624 = arith.index_cast %add3A_605 : i32 to index
          %get3A_625 = arith.constant 32 : index
          %get3A_626 = tpu.vector_load %arg9[%get3A_624, %get3A_625] {strides = array<i32>} : memref<400x64xi32, #tpu.memory_space<vmem>>, vector<16xi32>,
          %bitcast3A_627 = vector.bitcast %get3A_626 : vector<16xi32> to vector<32xbf16>
          %get3A_628 = arith.index_cast %add3A_605 : i32 to index
          %get3A_629 = arith.constant 32 : index
          %get3A_630 = tpu.vector_load %arg11[%get3A_628, %get3A_629] {strides = array<i32>} : memref<400x64xi32, #tpu.memory_space<vmem>>, vector<16xi32>,
          %bitcast3A_631 = vector.bitcast %get3A_630 : vector<16xi32> to vector<32xbf16>
          %mul3A_632 = arith.mulf %bitcast3A_627, %bitcast3A_631 : vector<32xbf16>
          %get3A_633 = arith.index_cast %add3A_605 : i32 to index
          %get3A_634 = arith.constant 48 : index
          %get3A_635 = tpu.vector_load %arg9[%get3A_633, %get3A_634] {strides = array<i32>} : memref<400x64xi32, #tpu.memory_space<vmem>>, vector<16xi32>,
          %bitcast3A_636 = vector.bitcast %get3A_635 : vector<16xi32> to vector<32xbf16>
          %get3A_637 = arith.index_cast %add3A_605 : i32 to index
          %get3A_638 = arith.constant 48 : index
          %get3A_639 = tpu.vector_load %arg11[%get3A_637, %get3A_638] {strides = array<i32>} : memref<400x64xi32, #tpu.memory_space<vmem>>, vector<16xi32>,
          %bitcast3A_640 = vector.bitcast %get3A_639 : vector<16xi32> to vector<32xbf16>
          %mul3A_641 = arith.mulf %bitcast3A_636, %bitcast3A_640 : vector<32xbf16>
          %add3A_642 = arith.addf %mul3A_614, %mul3A_623 : vector<32xbf16>
          %add3A_643 = arith.addf %mul3A_632, %mul3A_641 : vector<32xbf16>
          %add3A_644 = arith.addf %add3A_642, %add3A_643 : vector<32xbf16>
          %unpack3A_645 = tpu.unpack_subelements %add3A_644, 0 {pack_format = #tpu.pack_format<interleaved>} : vector<32xbf16> -> vector<16xf32>
          %unpack3A_646 = tpu.unpack_subelements %add3A_644, 1 {pack_format = #tpu.pack_format<interleaved>} : vector<32xbf16> -> vector<16xf32>
          %add3A_647 = arith.addf %unpack3A_645, %unpack3A_646 : vector<16xf32>
          %add3A_648 = arith.constant 12 : i32
          %add3A_649 = arith.addi %mul3A_122, %add3A_648 : i32
          %get3A_650 = arith.index_cast %add3A_649 : i32 to index
          %get3A_651 = arith.constant 0 : index
          %get3A_652 = tpu.vector_load %arg9[%get3A_650, %get3A_651] {strides = array<i32>} : memref<400x64xi32, #tpu.memory_space<vmem>>, vector<16xi32>,
          %bitcast3A_653 = vector.bitcast %get3A_652 : vector<16xi32> to vector<32xbf16>
          %get3A_654 = arith.index_cast %add3A_649 : i32 to index
          %get3A_655 = arith.constant 0 : index
          %get3A_656 = tpu.vector_load %arg11[%get3A_654, %get3A_655] {strides = array<i32>} : memref<400x64xi32, #tpu.memory_space<vmem>>, vector<16xi32>,
          %bitcast3A_657 = vector.bitcast %get3A_656 : vector<16xi32> to vector<32xbf16>
          %mul3A_658 = arith.mulf %bitcast3A_653, %bitcast3A_657 : vector<32xbf16>
          %get3A_659 = arith.index_cast %add3A_649 : i32 to index
          %get3A_660 = arith.constant 16 : index
          %get3A_661 = tpu.vector_load %arg9[%get3A_659, %get3A_660] {strides = array<i32>} : memref<400x64xi32, #tpu.memory_space<vmem>>, vector<16xi32>,
          %bitcast3A_662 = vector.bitcast %get3A_661 : vector<16xi32> to vector<32xbf16>
          %get3A_663 = arith.index_cast %add3A_649 : i32 to index
          %get3A_664 = arith.constant 16 : index
          %get3A_665 = tpu.vector_load %arg11[%get3A_663, %get3A_664] {strides = array<i32>} : memref<400x64xi32, #tpu.memory_space<vmem>>, vector<16xi32>,
          %bitcast3A_666 = vector.bitcast %get3A_665 : vector<16xi32> to vector<32xbf16>
          %mul3A_667 = arith.mulf %bitcast3A_662, %bitcast3A_666 : vector<32xbf16>
          %get3A_668 = arith.index_cast %add3A_649 : i32 to index
          %get3A_669 = arith.constant 32 : index
          %get3A_670 = tpu.vector_load %arg9[%get3A_668, %get3A_669] {strides = array<i32>} : memref<400x64xi32, #tpu.memory_space<vmem>>, vector<16xi32>,
          %bitcast3A_671 = vector.bitcast %get3A_670 : vector<16xi32> to vector<32xbf16>
          %get3A_672 = arith.index_cast %add3A_649 : i32 to index
          %get3A_673 = arith.constant 32 : index
          %get3A_674 = tpu.vector_load %arg11[%get3A_672, %get3A_673] {strides = array<i32>} : memref<400x64xi32, #tpu.memory_space<vmem>>, vector<16xi32>,
          %bitcast3A_675 = vector.bitcast %get3A_674 : vector<16xi32> to vector<32xbf16>
          %mul3A_676 = arith.mulf %bitcast3A_671, %bitcast3A_675 : vector<32xbf16>
          %get3A_677 = arith.index_cast %add3A_649 : i32 to index
          %get3A_678 = arith.constant 48 : index
          %get3A_679 = tpu.vector_load %arg9[%get3A_677, %get3A_678] {strides = array<i32>} : memref<400x64xi32, #tpu.memory_space<vmem>>, vector<16xi32>,
          %bitcast3A_680 = vector.bitcast %get3A_679 : vector<16xi32> to vector<32xbf16>
          %get3A_681 = arith.index_cast %add3A_649 : i32 to index
          %get3A_682 = arith.constant 48 : index
          %get3A_683 = tpu.vector_load %arg11[%get3A_681, %get3A_682] {strides = array<i32>} : memref<400x64xi32, #tpu.memory_space<vmem>>, vector<16xi32>,
          %bitcast3A_684 = vector.bitcast %get3A_683 : vector<16xi32> to vector<32xbf16>
          %mul3A_685 = arith.mulf %bitcast3A_680, %bitcast3A_684 : vector<32xbf16>
          %add3A_686 = arith.addf %mul3A_658, %mul3A_667 : vector<32xbf16>
          %add3A_687 = arith.addf %mul3A_676, %mul3A_685 : vector<32xbf16>
          %add3A_688 = arith.addf %add3A_686, %add3A_687 : vector<32xbf16>
          %unpack3A_689 = tpu.unpack_subelements %add3A_688, 0 {pack_format = #tpu.pack_format<interleaved>} : vector<32xbf16> -> vector<16xf32>
          %unpack3A_690 = tpu.unpack_subelements %add3A_688, 1 {pack_format = #tpu.pack_format<interleaved>} : vector<32xbf16> -> vector<16xf32>
          %add3A_691 = arith.addf %unpack3A_689, %unpack3A_690 : vector<16xf32>
          %add3A_692 = arith.constant 13 : i32
          %add3A_693 = arith.addi %mul3A_122, %add3A_692 : i32
          %get3A_694 = arith.index_cast %add3A_693 : i32 to index
          %get3A_695 = arith.constant 0 : index
          %get3A_696 = tpu.vector_load %arg9[%get3A_694, %get3A_695] {strides = array<i32>} : memref<400x64xi32, #tpu.memory_space<vmem>>, vector<16xi32>,
          %bitcast3A_697 = vector.bitcast %get3A_696 : vector<16xi32> to vector<32xbf16>
          %get3A_698 = arith.index_cast %add3A_693 : i32 to index
          %get3A_699 = arith.constant 0 : index
          %get3A_700 = tpu.vector_load %arg11[%get3A_698, %get3A_699] {strides = array<i32>} : memref<400x64xi32, #tpu.memory_space<vmem>>, vector<16xi32>,
          %bitcast3A_701 = vector.bitcast %get3A_700 : vector<16xi32> to vector<32xbf16>
          %mul3A_702 = arith.mulf %bitcast3A_697, %bitcast3A_701 : vector<32xbf16>
          %get3A_703 = arith.index_cast %add3A_693 : i32 to index
          %get3A_704 = arith.constant 16 : index
          %get3A_705 = tpu.vector_load %arg9[%get3A_703, %get3A_704] {strides = array<i32>} : memref<400x64xi32, #tpu.memory_space<vmem>>, vector<16xi32>,
          %bitcast3A_706 = vector.bitcast %get3A_705 : vector<16xi32> to vector<32xbf16>
          %get3A_707 = arith.index_cast %add3A_693 : i32 to index
          %get3A_708 = arith.constant 16 : index
          %get3A_709 = tpu.vector_load %arg11[%get3A_707, %get3A_708] {strides = array<i32>} : memref<400x64xi32, #tpu.memory_space<vmem>>, vector<16xi32>,
          %bitcast3A_710 = vector.bitcast %get3A_709 : vector<16xi32> to vector<32xbf16>
          %mul3A_711 = arith.mulf %bitcast3A_706, %bitcast3A_710 : vector<32xbf16>
          %get3A_712 = arith.index_cast %add3A_693 : i32 to index
          %get3A_713 = arith.constant 32 : index
          %get3A_714 = tpu.vector_load %arg9[%get3A_712, %get3A_713] {strides = array<i32>} : memref<400x64xi32, #tpu.memory_space<vmem>>, vector<16xi32>,
          %bitcast3A_715 = vector.bitcast %get3A_714 : vector<16xi32> to vector<32xbf16>
          %get3A_716 = arith.index_cast %add3A_693 : i32 to index
          %get3A_717 = arith.constant 32 : index
          %get3A_718 = tpu.vector_load %arg11[%get3A_716, %get3A_717] {strides = array<i32>} : memref<400x64xi32, #tpu.memory_space<vmem>>, vector<16xi32>,
          %bitcast3A_719 = vector.bitcast %get3A_718 : vector<16xi32> to vector<32xbf16>
          %mul3A_720 = arith.mulf %bitcast3A_715, %bitcast3A_719 : vector<32xbf16>
          %get3A_721 = arith.index_cast %add3A_693 : i32 to index
          %get3A_722 = arith.constant 48 : index
          %get3A_723 = tpu.vector_load %arg9[%get3A_721, %get3A_722] {strides = array<i32>} : memref<400x64xi32, #tpu.memory_space<vmem>>, vector<16xi32>,
          %bitcast3A_724 = vector.bitcast %get3A_723 : vector<16xi32> to vector<32xbf16>
          %get3A_725 = arith.index_cast %add3A_693 : i32 to index
          %get3A_726 = arith.constant 48 : index
          %get3A_727 = tpu.vector_load %arg11[%get3A_725, %get3A_726] {strides = array<i32>} : memref<400x64xi32, #tpu.memory_space<vmem>>, vector<16xi32>,
          %bitcast3A_728 = vector.bitcast %get3A_727 : vector<16xi32> to vector<32xbf16>
          %mul3A_729 = arith.mulf %bitcast3A_724, %bitcast3A_728 : vector<32xbf16>
          %add3A_730 = arith.addf %mul3A_702, %mul3A_711 : vector<32xbf16>
          %add3A_731 = arith.addf %mul3A_720, %mul3A_729 : vector<32xbf16>
          %add3A_732 = arith.addf %add3A_730, %add3A_731 : vector<32xbf16>
          %unpack3A_733 = tpu.unpack_subelements %add3A_732, 0 {pack_format = #tpu.pack_format<interleaved>} : vector<32xbf16> -> vector<16xf32>
          %unpack3A_734 = tpu.unpack_subelements %add3A_732, 1 {pack_format = #tpu.pack_format<interleaved>} : vector<32xbf16> -> vector<16xf32>
          %add3A_735 = arith.addf %unpack3A_733, %unpack3A_734 : vector<16xf32>
          %add3A_736 = arith.constant 14 : i32
          %add3A_737 = arith.addi %mul3A_122, %add3A_736 : i32
          %get3A_738 = arith.index_cast %add3A_737 : i32 to index
          %get3A_739 = arith.constant 0 : index
          %get3A_740 = tpu.vector_load %arg9[%get3A_738, %get3A_739] {strides = array<i32>} : memref<400x64xi32, #tpu.memory_space<vmem>>, vector<16xi32>,
          %bitcast3A_741 = vector.bitcast %get3A_740 : vector<16xi32> to vector<32xbf16>
          %get3A_742 = arith.index_cast %add3A_737 : i32 to index
          %get3A_743 = arith.constant 0 : index
          %get3A_744 = tpu.vector_load %arg11[%get3A_742, %get3A_743] {strides = array<i32>} : memref<400x64xi32, #tpu.memory_space<vmem>>, vector<16xi32>,
          %bitcast3A_745 = vector.bitcast %get3A_744 : vector<16xi32> to vector<32xbf16>
          %mul3A_746 = arith.mulf %bitcast3A_741, %bitcast3A_745 : vector<32xbf16>
          %get3A_747 = arith.index_cast %add3A_737 : i32 to index
          %get3A_748 = arith.constant 16 : index
          %get3A_749 = tpu.vector_load %arg9[%get3A_747, %get3A_748] {strides = array<i32>} : memref<400x64xi32, #tpu.memory_space<vmem>>, vector<16xi32>,
          %bitcast3A_750 = vector.bitcast %get3A_749 : vector<16xi32> to vector<32xbf16>
          %get3A_751 = arith.index_cast %add3A_737 : i32 to index
          %get3A_752 = arith.constant 16 : index
          %get3A_753 = tpu.vector_load %arg11[%get3A_751, %get3A_752] {strides = array<i32>} : memref<400x64xi32, #tpu.memory_space<vmem>>, vector<16xi32>,
          %bitcast3A_754 = vector.bitcast %get3A_753 : vector<16xi32> to vector<32xbf16>
          %mul3A_755 = arith.mulf %bitcast3A_750, %bitcast3A_754 : vector<32xbf16>
          %get3A_756 = arith.index_cast %add3A_737 : i32 to index
          %get3A_757 = arith.constant 32 : index
          %get3A_758 = tpu.vector_load %arg9[%get3A_756, %get3A_757] {strides = array<i32>} : memref<400x64xi32, #tpu.memory_space<vmem>>, vector<16xi32>,
          %bitcast3A_759 = vector.bitcast %get3A_758 : vector<16xi32> to vector<32xbf16>
          %get3A_760 = arith.index_cast %add3A_737 : i32 to index
          %get3A_761 = arith.constant 32 : index
          %get3A_762 = tpu.vector_load %arg11[%get3A_760, %get3A_761] {strides = array<i32>} : memref<400x64xi32, #tpu.memory_space<vmem>>, vector<16xi32>,
          %bitcast3A_763 = vector.bitcast %get3A_762 : vector<16xi32> to vector<32xbf16>
          %mul3A_764 = arith.mulf %bitcast3A_759, %bitcast3A_763 : vector<32xbf16>
          %get3A_765 = arith.index_cast %add3A_737 : i32 to index
          %get3A_766 = arith.constant 48 : index
          %get3A_767 = tpu.vector_load %arg9[%get3A_765, %get3A_766] {strides = array<i32>} : memref<400x64xi32, #tpu.memory_space<vmem>>, vector<16xi32>,
          %bitcast3A_768 = vector.bitcast %get3A_767 : vector<16xi32> to vector<32xbf16>
          %get3A_769 = arith.index_cast %add3A_737 : i32 to index
          %get3A_770 = arith.constant 48 : index
          %get3A_771 = tpu.vector_load %arg11[%get3A_769, %get3A_770] {strides = array<i32>} : memref<400x64xi32, #tpu.memory_space<vmem>>, vector<16xi32>,
          %bitcast3A_772 = vector.bitcast %get3A_771 : vector<16xi32> to vector<32xbf16>
          %mul3A_773 = arith.mulf %bitcast3A_768, %bitcast3A_772 : vector<32xbf16>
          %add3A_774 = arith.addf %mul3A_746, %mul3A_755 : vector<32xbf16>
          %add3A_775 = arith.addf %mul3A_764, %mul3A_773 : vector<32xbf16>
          %add3A_776 = arith.addf %add3A_774, %add3A_775 : vector<32xbf16>
          %unpack3A_777 = tpu.unpack_subelements %add3A_776, 0 {pack_format = #tpu.pack_format<interleaved>} : vector<32xbf16> -> vector<16xf32>
          %unpack3A_778 = tpu.unpack_subelements %add3A_776, 1 {pack_format = #tpu.pack_format<interleaved>} : vector<32xbf16> -> vector<16xf32>
          %add3A_779 = arith.addf %unpack3A_777, %unpack3A_778 : vector<16xf32>
          %add3A_780 = arith.constant 15 : i32
          %add3A_781 = arith.addi %mul3A_122, %add3A_780 : i32
          %get3A_782 = arith.index_cast %add3A_781 : i32 to index
          %get3A_783 = arith.constant 0 : index
          %get3A_784 = tpu.vector_load %arg9[%get3A_782, %get3A_783] {strides = array<i32>} : memref<400x64xi32, #tpu.memory_space<vmem>>, vector<16xi32>,
          %bitcast3A_785 = vector.bitcast %get3A_784 : vector<16xi32> to vector<32xbf16>
          %get3A_786 = arith.index_cast %add3A_781 : i32 to index
          %get3A_787 = arith.constant 0 : index
          %get3A_788 = tpu.vector_load %arg11[%get3A_786, %get3A_787] {strides = array<i32>} : memref<400x64xi32, #tpu.memory_space<vmem>>, vector<16xi32>,
          %bitcast3A_789 = vector.bitcast %get3A_788 : vector<16xi32> to vector<32xbf16>
          %mul3A_790 = arith.mulf %bitcast3A_785, %bitcast3A_789 : vector<32xbf16>
          %get3A_791 = arith.index_cast %add3A_781 : i32 to index
          %get3A_792 = arith.constant 16 : index
          %get3A_793 = tpu.vector_load %arg9[%get3A_791, %get3A_792] {strides = array<i32>} : memref<400x64xi32, #tpu.memory_space<vmem>>, vector<16xi32>,
          %bitcast3A_794 = vector.bitcast %get3A_793 : vector<16xi32> to vector<32xbf16>
          %get3A_795 = arith.index_cast %add3A_781 : i32 to index
          %get3A_796 = arith.constant 16 : index
          %get3A_797 = tpu.vector_load %arg11[%get3A_795, %get3A_796] {strides = array<i32>} : memref<400x64xi32, #tpu.memory_space<vmem>>, vector<16xi32>,
          %bitcast3A_798 = vector.bitcast %get3A_797 : vector<16xi32> to vector<32xbf16>
          %mul3A_799 = arith.mulf %bitcast3A_794, %bitcast3A_798 : vector<32xbf16>
          %get3A_800 = arith.index_cast %add3A_781 : i32 to index
          %get3A_801 = arith.constant 32 : index
          %get3A_802 = tpu.vector_load %arg9[%get3A_800, %get3A_801] {strides = array<i32>} : memref<400x64xi32, #tpu.memory_space<vmem>>, vector<16xi32>,
          %bitcast3A_803 = vector.bitcast %get3A_802 : vector<16xi32> to vector<32xbf16>
          %get3A_804 = arith.index_cast %add3A_781 : i32 to index
          %get3A_805 = arith.constant 32 : index
          %get3A_806 = tpu.vector_load %arg11[%get3A_804, %get3A_805] {strides = array<i32>} : memref<400x64xi32, #tpu.memory_space<vmem>>, vector<16xi32>,
          %bitcast3A_807 = vector.bitcast %get3A_806 : vector<16xi32> to vector<32xbf16>
          %mul3A_808 = arith.mulf %bitcast3A_803, %bitcast3A_807 : vector<32xbf16>
          %get3A_809 = arith.index_cast %add3A_781 : i32 to index
          %get3A_810 = arith.constant 48 : index
          %get3A_811 = tpu.vector_load %arg9[%get3A_809, %get3A_810] {strides = array<i32>} : memref<400x64xi32, #tpu.memory_space<vmem>>, vector<16xi32>,
          %bitcast3A_812 = vector.bitcast %get3A_811 : vector<16xi32> to vector<32xbf16>
          %get3A_813 = arith.index_cast %add3A_781 : i32 to index
          %get3A_814 = arith.constant 48 : index
          %get3A_815 = tpu.vector_load %arg11[%get3A_813, %get3A_814] {strides = array<i32>} : memref<400x64xi32, #tpu.memory_space<vmem>>, vector<16xi32>,
          %bitcast3A_816 = vector.bitcast %get3A_815 : vector<16xi32> to vector<32xbf16>
          %mul3A_817 = arith.mulf %bitcast3A_812, %bitcast3A_816 : vector<32xbf16>
          %add3A_818 = arith.addf %mul3A_790, %mul3A_799 : vector<32xbf16>
          %add3A_819 = arith.addf %mul3A_808, %mul3A_817 : vector<32xbf16>
          %add3A_820 = arith.addf %add3A_818, %add3A_819 : vector<32xbf16>
          %unpack3A_821 = tpu.unpack_subelements %add3A_820, 0 {pack_format = #tpu.pack_format<interleaved>} : vector<32xbf16> -> vector<16xf32>
          %unpack3A_822 = tpu.unpack_subelements %add3A_820, 1 {pack_format = #tpu.pack_format<interleaved>} : vector<32xbf16> -> vector<16xf32>
          %add3A_823 = arith.addf %unpack3A_821, %unpack3A_822 : vector<16xf32>
          %swap3A = arith.constant 0 : i32
          %swap3A_824 = arith.index_cast %swap3A : i32 to index
          %swap3A_825 = arith.constant 0 : index
          %swap3A_826 = tpu.vector_load %arg14[%swap3A_824, %swap3A_825] {strides = array<i32>} : memref<16x17xf32, #tpu.memory_space<vmem>>, vector<16xf32>,
          tpu.vector_store %arg14[%swap3A_824, %swap3A_825], %add3A_163 {strides = array<i32>} : memref<16x17xf32, #tpu.memory_space<vmem>>, vector<16xf32>,
          %swap3A_827 = arith.constant 1 : i32
          %swap3A_828 = arith.index_cast %swap3A_827 : i32 to index
          %swap3A_829 = arith.constant 0 : index
          %swap3A_830 = tpu.vector_load %arg14[%swap3A_828, %swap3A_829] {strides = array<i32>} : memref<16x17xf32, #tpu.memory_space<vmem>>, vector<16xf32>,
          tpu.vector_store %arg14[%swap3A_828, %swap3A_829], %add3A_207 {strides = array<i32>} : memref<16x17xf32, #tpu.memory_space<vmem>>, vector<16xf32>,
          %swap3A_831 = arith.constant 2 : i32
          %swap3A_832 = arith.index_cast %swap3A_831 : i32 to index
          %swap3A_833 = arith.constant 0 : index
          %swap3A_834 = tpu.vector_load %arg14[%swap3A_832, %swap3A_833] {strides = array<i32>} : memref<16x17xf32, #tpu.memory_space<vmem>>, vector<16xf32>,
          tpu.vector_store %arg14[%swap3A_832, %swap3A_833], %add3A_251 {strides = array<i32>} : memref<16x17xf32, #tpu.memory_space<vmem>>, vector<16xf32>,
          %swap3A_835 = arith.constant 3 : i32
          %swap3A_836 = arith.index_cast %swap3A_835 : i32 to index
          %swap3A_837 = arith.constant 0 : index
          %swap3A_838 = tpu.vector_load %arg14[%swap3A_836, %swap3A_837] {strides = array<i32>} : memref<16x17xf32, #tpu.memory_space<vmem>>, vector<16xf32>,
          tpu.vector_store %arg14[%swap3A_836, %swap3A_837], %add3A_295 {strides = array<i32>} : memref<16x17xf32, #tpu.memory_space<vmem>>, vector<16xf32>,
          %swap3A_839 = arith.constant 4 : i32
          %swap3A_840 = arith.index_cast %swap3A_839 : i32 to index
          %swap3A_841 = arith.constant 0 : index
          %swap3A_842 = tpu.vector_load %arg14[%swap3A_840, %swap3A_841] {strides = array<i32>} : memref<16x17xf32, #tpu.memory_space<vmem>>, vector<16xf32>,
          tpu.vector_store %arg14[%swap3A_840, %swap3A_841], %add3A_339 {strides = array<i32>} : memref<16x17xf32, #tpu.memory_space<vmem>>, vector<16xf32>,
          %swap3A_843 = arith.constant 5 : i32
          %swap3A_844 = arith.index_cast %swap3A_843 : i32 to index
          %swap3A_845 = arith.constant 0 : index
          %swap3A_846 = tpu.vector_load %arg14[%swap3A_844, %swap3A_845] {strides = array<i32>} : memref<16x17xf32, #tpu.memory_space<vmem>>, vector<16xf32>,
          tpu.vector_store %arg14[%swap3A_844, %swap3A_845], %add3A_383 {strides = array<i32>} : memref<16x17xf32, #tpu.memory_space<vmem>>, vector<16xf32>,
          %swap3A_847 = arith.constant 6 : i32
          %swap3A_848 = arith.index_cast %swap3A_847 : i32 to index
          %swap3A_849 = arith.constant 0 : index
          %swap3A_850 = tpu.vector_load %arg14[%swap3A_848, %swap3A_849] {strides = array<i32>} : memref<16x17xf32, #tpu.memory_space<vmem>>, vector<16xf32>,
          tpu.vector_store %arg14[%swap3A_848, %swap3A_849], %add3A_427 {strides = array<i32>} : memref<16x17xf32, #tpu.memory_space<vmem>>, vector<16xf32>,
          %swap3A_851 = arith.constant 7 : i32
          %swap3A_852 = arith.index_cast %swap3A_851 : i32 to index
          %swap3A_853 = arith.constant 0 : index
          %swap3A_854 = tpu.vector_load %arg14[%swap3A_852, %swap3A_853] {strides = array<i32>} : memref<16x17xf32, #tpu.memory_space<vmem>>, vector<16xf32>,
          tpu.vector_store %arg14[%swap3A_852, %swap3A_853], %add3A_471 {strides = array<i32>} : memref<16x17xf32, #tpu.memory_space<vmem>>, vector<16xf32>,
          %swap3A_855 = arith.constant 8 : i32
          %swap3A_856 = arith.index_cast %swap3A_855 : i32 to index
          %swap3A_857 = arith.constant 0 : index
          %swap3A_858 = tpu.vector_load %arg14[%swap3A_856, %swap3A_857] {strides = array<i32>} : memref<16x17xf32, #tpu.memory_space<vmem>>, vector<16xf32>,
          tpu.vector_store %arg14[%swap3A_856, %swap3A_857], %add3A_515 {strides = array<i32>} : memref<16x17xf32, #tpu.memory_space<vmem>>, vector<16xf32>,
          %swap3A_859 = arith.constant 9 : i32
          %swap3A_860 = arith.index_cast %swap3A_859 : i32 to index
          %swap3A_861 = arith.constant 0 : index
          %swap3A_862 = tpu.vector_load %arg14[%swap3A_860, %swap3A_861] {strides = array<i32>} : memref<16x17xf32, #tpu.memory_space<vmem>>, vector<16xf32>,
          tpu.vector_store %arg14[%swap3A_860, %swap3A_861], %add3A_559 {strides = array<i32>} : memref<16x17xf32, #tpu.memory_space<vmem>>, vector<16xf32>,
          %swap3A_863 = arith.constant 10 : i32
          %swap3A_864 = arith.index_cast %swap3A_863 : i32 to index
          %swap3A_865 = arith.constant 0 : index
          %swap3A_866 = tpu.vector_load %arg14[%swap3A_864, %swap3A_865] {strides = array<i32>} : memref<16x17xf32, #tpu.memory_space<vmem>>, vector<16xf32>,
          tpu.vector_store %arg14[%swap3A_864, %swap3A_865], %add3A_603 {strides = array<i32>} : memref<16x17xf32, #tpu.memory_space<vmem>>, vector<16xf32>,
          %swap3A_867 = arith.constant 11 : i32
          %swap3A_868 = arith.index_cast %swap3A_867 : i32 to index
          %swap3A_869 = arith.constant 0 : index
          %swap3A_870 = tpu.vector_load %arg14[%swap3A_868, %swap3A_869] {strides = array<i32>} : memref<16x17xf32, #tpu.memory_space<vmem>>, vector<16xf32>,
          tpu.vector_store %arg14[%swap3A_868, %swap3A_869], %add3A_647 {strides = array<i32>} : memref<16x17xf32, #tpu.memory_space<vmem>>, vector<16xf32>,
          %swap3A_871 = arith.constant 12 : i32
          %swap3A_872 = arith.index_cast %swap3A_871 : i32 to index
          %swap3A_873 = arith.constant 0 : index
          %swap3A_874 = tpu.vector_load %arg14[%swap3A_872, %swap3A_873] {strides = array<i32>} : memref<16x17xf32, #tpu.memory_space<vmem>>, vector<16xf32>,
          tpu.vector_store %arg14[%swap3A_872, %swap3A_873], %add3A_691 {strides = array<i32>} : memref<16x17xf32, #tpu.memory_space<vmem>>, vector<16xf32>,
          %swap3A_875 = arith.constant 13 : i32
          %swap3A_876 = arith.index_cast %swap3A_875 : i32 to index
          %swap3A_877 = arith.constant 0 : index
          %swap3A_878 = tpu.vector_load %arg14[%swap3A_876, %swap3A_877] {strides = array<i32>} : memref<16x17xf32, #tpu.memory_space<vmem>>, vector<16xf32>,
          tpu.vector_store %arg14[%swap3A_876, %swap3A_877], %add3A_735 {strides = array<i32>} : memref<16x17xf32, #tpu.memory_space<vmem>>, vector<16xf32>,
          %swap3A_879 = arith.constant 14 : i32
          %swap3A_880 = arith.index_cast %swap3A_879 : i32 to index
          %swap3A_881 = arith.constant 0 : index
          %swap3A_882 = tpu.vector_load %arg14[%swap3A_880, %swap3A_881] {strides = array<i32>} : memref<16x17xf32, #tpu.memory_space<vmem>>, vector<16xf32>,
          tpu.vector_store %arg14[%swap3A_880, %swap3A_881], %add3A_779 {strides = array<i32>} : memref<16x17xf32, #tpu.memory_space<vmem>>, vector<16xf32>,
          %swap3A_883 = arith.constant 15 : i32
          %swap3A_884 = arith.index_cast %swap3A_883 : i32 to index
          %swap3A_885 = arith.constant 0 : index
          %swap3A_886 = tpu.vector_load %arg14[%swap3A_884, %swap3A_885] {strides = array<i32>} : memref<16x17xf32, #tpu.memory_space<vmem>>, vector<16xf32>,
          tpu.vector_store %arg14[%swap3A_884, %swap3A_885], %add3A_823 {strides = array<i32>} : memref<16x17xf32, #tpu.memory_space<vmem>>, vector<16xf32>,
          %broadcast_in_dim3A = arith.constant 0.000000e+00 : f32
          %broadcast_in_dim3A_887 = vector.broadcast %broadcast_in_dim3A : f32 to vector<16xf32>
          %broadcast_in_dim3A_888 = arith.constant 0 : i32
          %broadcast_in_dim3A_889 = vector.broadcast %broadcast_in_dim3A_888 : i32 to vector<16xi32>
          %gather3A = tpu.vector_load_idx %arg14[%iota3A, %broadcast_in_dim3A_889] : memref<16x17xf32, #tpu.memory_space<vmem>>[vector<16xi32>, vector<16xi32>], vector<16xf32>,
          %add3A_890 = arith.addf %broadcast_in_dim3A_887, %gather3A : vector<16xf32>
          %broadcast_in_dim3A_891 = arith.constant 1 : i32
          %broadcast_in_dim3A_892 = vector.broadcast %broadcast_in_dim3A_891 : i32 to vector<16xi32>
          %gather3A_893 = tpu.vector_load_idx %arg14[%iota3A, %broadcast_in_dim3A_892] : memref<16x17xf32, #tpu.memory_space<vmem>>[vector<16xi32>, vector<16xi32>], vector<16xf32>,
          %add3A_894 = arith.addf %add3A_890, %gather3A_893 : vector<16xf32>
          %broadcast_in_dim3A_895 = arith.constant 2 : i32
          %broadcast_in_dim3A_896 = vector.broadcast %broadcast_in_dim3A_895 : i32 to vector<16xi32>
          %gather3A_897 = tpu.vector_load_idx %arg14[%iota3A, %broadcast_in_dim3A_896] : memref<16x17xf32, #tpu.memory_space<vmem>>[vector<16xi32>, vector<16xi32>], vector<16xf32>,
          %add3A_898 = arith.addf %add3A_894, %gather3A_897 : vector<16xf32>
          %broadcast_in_dim3A_899 = arith.constant 3 : i32
          %broadcast_in_dim3A_900 = vector.broadcast %broadcast_in_dim3A_899 : i32 to vector<16xi32>
          %gather3A_901 = tpu.vector_load_idx %arg14[%iota3A, %broadcast_in_dim3A_900] : memref<16x17xf32, #tpu.memory_space<vmem>>[vector<16xi32>, vector<16xi32>], vector<16xf32>,
          %add3A_902 = arith.addf %add3A_898, %gather3A_901 : vector<16xf32>
          %broadcast_in_dim3A_903 = arith.constant 4 : i32
          %broadcast_in_dim3A_904 = vector.broadcast %broadcast_in_dim3A_903 : i32 to vector<16xi32>
          %gather3A_905 = tpu.vector_load_idx %arg14[%iota3A, %broadcast_in_dim3A_904] : memref<16x17xf32, #tpu.memory_space<vmem>>[vector<16xi32>, vector<16xi32>], vector<16xf32>,
          %add3A_906 = arith.addf %add3A_902, %gather3A_905 : vector<16xf32>
          %broadcast_in_dim3A_907 = arith.constant 5 : i32
          %broadcast_in_dim3A_908 = vector.broadcast %broadcast_in_dim3A_907 : i32 to vector<16xi32>
          %gather3A_909 = tpu.vector_load_idx %arg14[%iota3A, %broadcast_in_dim3A_908] : memref<16x17xf32, #tpu.memory_space<vmem>>[vector<16xi32>, vector<16xi32>], vector<16xf32>,
          %add3A_910 = arith.addf %add3A_906, %gather3A_909 : vector<16xf32>
          %broadcast_in_dim3A_911 = arith.constant 6 : i32
          %broadcast_in_dim3A_912 = vector.broadcast %broadcast_in_dim3A_911 : i32 to vector<16xi32>
          %gather3A_913 = tpu.vector_load_idx %arg14[%iota3A, %broadcast_in_dim3A_912] : memref<16x17xf32, #tpu.memory_space<vmem>>[vector<16xi32>, vector<16xi32>], vector<16xf32>,
          %add3A_914 = arith.addf %add3A_910, %gather3A_913 : vector<16xf32>
          %broadcast_in_dim3A_915 = arith.constant 7 : i32
          %broadcast_in_dim3A_916 = vector.broadcast %broadcast_in_dim3A_915 : i32 to vector<16xi32>
          %gather3A_917 = tpu.vector_load_idx %arg14[%iota3A, %broadcast_in_dim3A_916] : memref<16x17xf32, #tpu.memory_space<vmem>>[vector<16xi32>, vector<16xi32>], vector<16xf32>,
          %add3A_918 = arith.addf %add3A_914, %gather3A_917 : vector<16xf32>
          %broadcast_in_dim3A_919 = arith.constant 8 : i32
          %broadcast_in_dim3A_920 = vector.broadcast %broadcast_in_dim3A_919 : i32 to vector<16xi32>
          %gather3A_921 = tpu.vector_load_idx %arg14[%iota3A, %broadcast_in_dim3A_920] : memref<16x17xf32, #tpu.memory_space<vmem>>[vector<16xi32>, vector<16xi32>], vector<16xf32>,
          %add3A_922 = arith.addf %add3A_918, %gather3A_921 : vector<16xf32>
          %broadcast_in_dim3A_923 = arith.constant 9 : i32
          %broadcast_in_dim3A_924 = vector.broadcast %broadcast_in_dim3A_923 : i32 to vector<16xi32>
          %gather3A_925 = tpu.vector_load_idx %arg14[%iota3A, %broadcast_in_dim3A_924] : memref<16x17xf32, #tpu.memory_space<vmem>>[vector<16xi32>, vector<16xi32>], vector<16xf32>,
          %add3A_926 = arith.addf %add3A_922, %gather3A_925 : vector<16xf32>
          %broadcast_in_dim3A_927 = arith.constant 10 : i32
          %broadcast_in_dim3A_928 = vector.broadcast %broadcast_in_dim3A_927 : i32 to vector<16xi32>
          %gather3A_929 = tpu.vector_load_idx %arg14[%iota3A, %broadcast_in_dim3A_928] : memref<16x17xf32, #tpu.memory_space<vmem>>[vector<16xi32>, vector<16xi32>], vector<16xf32>,
          %add3A_930 = arith.addf %add3A_926, %gather3A_929 : vector<16xf32>
          %broadcast_in_dim3A_931 = arith.constant 11 : i32
          %broadcast_in_dim3A_932 = vector.broadcast %broadcast_in_dim3A_931 : i32 to vector<16xi32>
          %gather3A_933 = tpu.vector_load_idx %arg14[%iota3A, %broadcast_in_dim3A_932] : memref<16x17xf32, #tpu.memory_space<vmem>>[vector<16xi32>, vector<16xi32>], vector<16xf32>,
          %add3A_934 = arith.addf %add3A_930, %gather3A_933 : vector<16xf32>
          %broadcast_in_dim3A_935 = arith.constant 12 : i32
          %broadcast_in_dim3A_936 = vector.broadcast %broadcast_in_dim3A_935 : i32 to vector<16xi32>
          %gather3A_937 = tpu.vector_load_idx %arg14[%iota3A, %broadcast_in_dim3A_936] : memref<16x17xf32, #tpu.memory_space<vmem>>[vector<16xi32>, vector<16xi32>], vector<16xf32>,
          %add3A_938 = arith.addf %add3A_934, %gather3A_937 : vector<16xf32>
          %broadcast_in_dim3A_939 = arith.constant 13 : i32
          %broadcast_in_dim3A_940 = vector.broadcast %broadcast_in_dim3A_939 : i32 to vector<16xi32>
          %gather3A_941 = tpu.vector_load_idx %arg14[%iota3A, %broadcast_in_dim3A_940] : memref<16x17xf32, #tpu.memory_space<vmem>>[vector<16xi32>, vector<16xi32>], vector<16xf32>,
          %add3A_942 = arith.addf %add3A_938, %gather3A_941 : vector<16xf32>
          %broadcast_in_dim3A_943 = arith.constant 14 : i32
          %broadcast_in_dim3A_944 = vector.broadcast %broadcast_in_dim3A_943 : i32 to vector<16xi32>
          %gather3A_945 = tpu.vector_load_idx %arg14[%iota3A, %broadcast_in_dim3A_944] : memref<16x17xf32, #tpu.memory_space<vmem>>[vector<16xi32>, vector<16xi32>], vector<16xf32>,
          %add3A_946 = arith.addf %add3A_942, %gather3A_945 : vector<16xf32>
          %broadcast_in_dim3A_947 = arith.constant 15 : i32
          %broadcast_in_dim3A_948 = vector.broadcast %broadcast_in_dim3A_947 : i32 to vector<16xi32>
          %gather3A_949 = tpu.vector_load_idx %arg14[%iota3A, %broadcast_in_dim3A_948] : memref<16x17xf32, #tpu.memory_space<vmem>>[vector<16xi32>, vector<16xi32>], vector<16xf32>,
          %add3A_950 = arith.addf %add3A_946, %gather3A_949 : vector<16xf32>
          %swap3A_951 = arith.index_cast %mul3A_122 : i32 to index
          %swap3A_952 = tpu.vector_load %arg13[%swap3A_951] {strides = array<i32>} : memref<400xf32, #tpu.memory_space<vmem>>, vector<16xf32>,
          tpu.vector_store %arg13[%swap3A_951], %add3A_950 {strides = array<i32>} : memref<400xf32, #tpu.memory_space<vmem>>, vector<16xf32>,
        }
        %scan3A_106 = arith.constant 25 : i32
        %mul3A_107 = arith.constant 400 : i32
        %mul3A_108 = arith.muli %add3A_41, %mul3A_107 : i32
        %add3A_109 = arith.addi %mul3A_2, %mul3A_108 : i32
        %dma_start3A_110 = arith.constant 0 : i32
        %dma_start3A_111 = tpu.memref_slice %arg13[%dma_start3A_110] : memref<400xf32, #tpu.memory_space<vmem>> -> memref<400xf32, #tpu.memory_space<vmem>>
        %dma_start3A_112 = tpu.memref_slice %arg5[%add3A_109] : memref<320000xf32, #tpu.memory_space<hbm>> -> memref<400xf32, #tpu.memory_space<hbm>>
        %dma_start3A_113 = tpu.memref_slice %arg5[%add3A_109] : memref<320000xf32, #tpu.memory_space<hbm>> -> memref<400xf32, #tpu.memory_space<hbm>>
        %dma_start3A_114 = arith.constant 0 : i32
        %dma_start3A_115 = tpu.memref_slice %arg13[%dma_start3A_114] : memref<400xf32, #tpu.memory_space<vmem>> -> memref<400xf32, #tpu.memory_space<vmem>>
        tpu.enqueue_dma source(%dma_start3A_115 : memref<400xf32, #tpu.memory_space<vmem>>) target(%dma_start3A_113 : memref<400xf32, #tpu.memory_space<hbm>>) target_semaphore(%arg20 : memref<!tpu.dma_semaphore, #tpu.memory_space<semaphore_mem>>)
      } else {
      }
    }
    %scan3A_21 = arith.constant 25 : i32
    %add3A_22 = arith.constant 9200 : i32
    %add3A_23 = arith.addi %mul3A_2, %add3A_22 : i32
    %dma_wait3A = arith.constant 0 : i32
    %dma_wait3A_24 = tpu.memref_slice %arg13[%dma_wait3A] : memref<400xf32, #tpu.memory_space<vmem>> -> memref<400xf32, #tpu.memory_space<vmem>>
    %dma_wait3A_25 = tpu.memref_slice %arg5[%add3A_23] : memref<320000xf32, #tpu.memory_space<hbm>> -> memref<400xf32, #tpu.memory_space<hbm>>
    %dma_wait3A_26 = tpu.memref_slice %arg5[%add3A_23] : memref<320000xf32, #tpu.memory_space<hbm>> -> memref<400xf32, #tpu.memory_space<hbm>>
    %dma_wait3A_27 = arith.constant 0 : i32
    %dma_wait3A_28 = tpu.memref_slice %arg13[%dma_wait3A_27] : memref<400xf32, #tpu.memory_space<vmem>> -> memref<400xf32, #tpu.memory_space<vmem>>
    tpu.wait_dma2 semaphore(%arg20 : memref<!tpu.dma_semaphore, #tpu.memory_space<semaphore_mem>>) src(%dma_wait3A_28 : memref<400xf32, #tpu.memory_space<vmem>>) dst(%dma_wait3A_26 : memref<400xf32, #tpu.memory_space<hbm>>)
    %add3A_29 = arith.constant 9600 : i32
    %add3A_30 = arith.addi %mul3A_2, %add3A_29 : i32
    %dma_wait3A_31 = arith.constant 0 : i32
    %dma_wait3A_32 = tpu.memref_slice %arg12[%dma_wait3A_31] : memref<400xf32, #tpu.memory_space<vmem>> -> memref<400xf32, #tpu.memory_space<vmem>>
    %dma_wait3A_33 = tpu.memref_slice %arg5[%add3A_30] : memref<320000xf32, #tpu.memory_space<hbm>> -> memref<400xf32, #tpu.memory_space<hbm>>
    %dma_wait3A_34 = tpu.memref_slice %arg5[%add3A_30] : memref<320000xf32, #tpu.memory_space<hbm>> -> memref<400xf32, #tpu.memory_space<hbm>>
    %dma_wait3A_35 = arith.constant 0 : i32
    %dma_wait3A_36 = tpu.memref_slice %arg12[%dma_wait3A_35] : memref<400xf32, #tpu.memory_space<vmem>> -> memref<400xf32, #tpu.memory_space<vmem>>
    tpu.wait_dma2 semaphore(%arg19 : memref<!tpu.dma_semaphore, #tpu.memory_space<semaphore_mem>>) src(%dma_wait3A_36 : memref<400xf32, #tpu.memory_space<vmem>>) dst(%dma_wait3A_34 : memref<400xf32, #tpu.memory_space<hbm>>)
    return
  }
}

</mosaic_0001>

<sc_bundles>
// kernel: kernel.3.cloned.1.call-start
scs
__scs_entry_jumppad:
0x0: {  	(pc) =	sbr.rel $0x88, $3  }
0x1: {  	(tag) =	ssettag $0x0;
	lr =	simm.s32 $0x1  }
0x2: {  	[smem:$0x3F9F] =	sst lr;
	_ =	strace $0xD0000000  }
0x3: {  	_ = 	snop  }
0x4: {  	_ = 	snop  }
0x5: {  	_ = 	snop  }
0x6: {  	_ = 	snop  }
0x7: {  	_ = 	snop  }
__scs_overlays_trampoline_lowered:
0x8: {  	[smem:$0x3FAE] =	sst s0  }
0x9: {  	[smem:$0x3FAF] =	sst s1  }
0xa: {  	[smem:$0x3FB0] =	sst s2  }
0xb: {  	[smem:$0x3FB1] =	sst s3  }
0xc: {  	[smem:$0x3FB2] =	sst s4  }
0xd: {  	[smem:$0x3FB3] =	sst s5  }
0xe: {  	[smem:$0x3FB4] =	sst s6  }
0xf: {  	[smem:$0x3FB5] =	sst s7  }
0x10: {  	[smem:$0x3FB6] =	sst s8  }
0x11: {  	[smem:$0x3FB7] =	sst s9;
	s0 =	simm.s32 @!p0 $0x0  }
0x12: {  	s1 =	sld [smem:$0x3F9D];
	s0 =	simm.s32 @p0 $0x1  }
0x13: {  	[smem:$0x3FB8] =	sst s0;
	s0 =	simm.s32 @!p1 $0x0  }
0x14: {  	s2 =	sld [smem:$0x3F9C];
	s0 =	simm.s32 @p1 $0x1  }
0x15: {  	[smem:$0x3FB9] =	sst s0;
	s0 =	simm.s32 @!p2 $0x0  }
0x16: {  	s3 =	sld [smem:$0x3FDB];
	s0 =	simm.s32 @p2 $0x1  }
0x17: {  	s4 =	simm.s32 $0x1BF5;
	[smem:$0x3FBB] =	sst s0  }
0x18: {  	s0 =	sld [smem:$0x3F9E];
	_ =	swait.ge [sflag:s4], $0x0  }
0x19: {  	s7 =	sld [smem:$0x3F9F]  }
0x1a: {  	s8 =	sadd.s32 $0xFFFFE003, lr  }
0x1b: {  	s9 =	sadd.s32 $0xFFFFFEF7, lr;
	s5 =	simm.s32 $0xFFFFFFFF;
	p2 =	slt.u32 s8, $0xFFFFF086  }
0x1c: {  	p1 =	slt.u32 s9, $0xF7A;
	s5 =	simm.s32 @!p2 $0x0  }
0x1d: {  	s5 =	simm.s32 @p1 $0x1;
	p0 =	seq.s32 s7, s2  }
0x1e: {  	s7 =	smul.u32 @!p0 $0xF7A, s2;
	p2 =	seq.s32 @!p0 s5, $0x0  }
0x1f: {  	s9 =	smul.u32 $0xF7A, s1;
	s8 =	simm.s32 @!p0 $0x1BF5;
	p2 =	por !p2, p0  }
0x20: {  	[sflag:s8] =	ssyncset.s32 @!p0 $0xFFFFF086;
	s6 =	sadd.s32 @!p0 s3, s7;
	s7 =	simm.s32 @!p0 $0x108  }
0x21: {  	s3 =	sadd.s32 s3, s9;
	s6 =	sadd.s32 @!p0 $0x88, s6;
	s7 =	simm.s32 @p2 $0x1082  }
0x22: {  	[simem:s7], [sflag:s8] =	dma.local @!p0 [hbm:s6], $0xF7A  }
0x23: {  	s9 =	sor.u32 $0xD0000000, s2;
	s6 =	simm.s32 $0x108;
	_ =	swait.ge @!p0 [sflag:s8], $0x0  }
0x24: {  	s3 =	sadd.s32 $0x88, s3;
	s6 =	simm.s32 @!p1 $0x1082;
	[sflag:s4] =	ssyncset.s32 $0xFFFFF086  }
0x25: {  	[simem:s6], [sflag:s4] =	dma.local [hbm:s3], $0xF7A  }
0x26: {  	[smem:$0x3F9F] =	sst s1;
	(tag) =	ssettag s2;
	_ =	strace s9  }
0x27: {  	s1 =	sld [smem:$0x3FAF]  }
0x28: {  	s2 =	sld [smem:$0x3FB0]  }
0x29: {  	s4 =	sld [smem:$0x3FB2]  }
0x2a: {  	p0 =	seq.s32 s5, $0x0;
	s5 =	sld [smem:$0x3FB3]  }
0x2b: {  	s6 =	sld [smem:$0x3FB4]  }
0x2c: {  	s7 =	sld [smem:$0x3FB5]  }
0x2d: {  	s3 =	simm.s32 $0x108;
	s8 =	sld [smem:$0x3FB6]  }
0x2e: {  	s3 =	simm.s32 @!p0 $0x1082;
	s9 =	sld [smem:$0x3FB7]  }
0x2f: {  	lr =	sadd.s32 s0, s3;
	s0 =	sld [smem:$0x3FAE]  }
0x30: {  	s3 =	sld [smem:$0x3FB1]  }
0x31: {  	[smem:$0x3FBA] =	sst s10  }
0x32: {  	s10 =	sld [smem:$0x3FB8];
	_ =	sdelay $0x3  }
0x33: {  	p0 =	seq.s32 s10, $0x1;
	s10 =	sld [smem:$0x3FBA];
	_ =	sdelay $0x3  }
0x34: {  	[smem:$0x3FBA] =	sst s10  }
0x35: {  	s10 =	sld [smem:$0x3FB9];
	_ =	sdelay $0x3  }
0x36: {  	p1 =	seq.s32 s10, $0x1;
	s10 =	sld [smem:$0x3FBA];
	_ =	sdelay $0x3  }
0x37: {  	[smem:$0x3FBA] =	sst s10  }
0x38: {  	s10 =	sld [smem:$0x3FBB]  }
0x39: {  	_ = 	snop;
	(pc) =	sbr.ind lr, $3  }
0x3a: {  	_ = 	snop  }
0x3b: {  	_ = 	snop  }
0x3c: {  	p2 =	seq.s32 s10, $0x1;
	s10 =	sld [smem:$0x3FBA]  }
0x3d: {  	_ =	shalt  }
0x3e: {  	_ =	shalt  }
0x3f: {  	_ =	shalt  }
0x40: {  	_ =	shalt  }
0x41: {  	_ =	shalt  }
0x42: {  	_ =	shalt  }
0x43: {  	_ =	shalt  }
0x44: {  	_ =	shalt  }
0x45: {  	_ =	shalt  }
0x46: {  	_ =	shalt  }
0x47: {  	_ =	shalt  }
0x48: {  	_ =	shalt  }
0x49: {  	_ =	shalt  }
0x4a: {  	_ =	shalt  }
0x4b: {  	_ =	shalt  }
0x4c: {  	_ =	shalt  }
0x4d: {  	_ =	shalt  }
0x4e: {  	_ =	shalt  }
0x4f: {  	_ =	shalt  }
0x50: {  	_ =	shalt  }
0x51: {  	_ =	shalt  }
0x52: {  	_ =	shalt  }
0x53: {  	_ =	shalt  }
0x54: {  	_ =	shalt  }
0x55: {  	_ =	shalt  }
0x56: {  	_ =	shalt  }
0x57: {  	_ =	shalt  }
0x58: {  	_ =	shalt  }
0x59: {  	_ =	shalt  }
0x5a: {  	_ =	shalt  }
0x5b: {  	_ =	shalt  }
0x5c: {  	_ =	shalt  }
0x5d: {  	_ =	shalt  }
0x5e: {  	_ =	shalt  }
0x5f: {  	_ =	shalt  }
0x60: {  	_ =	shalt  }
0x61: {  	_ =	shalt  }
0x62: {  	_ =	shalt  }
0x63: {  	_ =	shalt  }
0x64: {  	_ =	shalt  }
0x65: {  	_ =	shalt  }
0x66: {  	_ =	shalt  }
0x67: {  	_ =	shalt  }
0x68: {  	_ =	shalt  }
0x69: {  	_ =	shalt  }
0x6a: {  	_ =	shalt  }
0x6b: {  	_ =	shalt  }
0x6c: {  	_ =	shalt  }
0x6d: {  	_ =	shalt  }
0x6e: {  	_ =	shalt  }
0x6f: {  	_ =	shalt  }
0x70: {  	_ =	shalt  }
0x71: {  	_ =	shalt  }
0x72: {  	_ =	shalt  }
0x73: {  	_ =	shalt  }
0x74: {  	_ =	shalt  }
0x75: {  	_ =	shalt  }
0x76: {  	_ =	shalt  }
0x77: {  	_ =	shalt  }
0x78: {  	_ =	shalt  }
0x79: {  	_ =	shalt  }
0x7a: {  	_ =	shalt  }
0x7b: {  	_ =	shalt  }
0x7c: {  	_ =	shalt  }
0x7d: {  	_ =	shalt  }
0x7e: {  	_ =	shalt  }
0x7f: {  	_ =	shalt  }
0x80: {  	_ =	shalt  }
0x81: {  	_ =	shalt  }
0x82: {  	_ =	shalt  }
0x83: {  	_ =	shalt  }
0x84: {  	_ =	shalt  }
0x85: {  	_ =	shalt  }
0x86: {  	_ =	shalt  }
0x87: {  	_ =	shalt  }
.Lfunc_end0:
.L_simem_size_0:
called_computation_lowered:
.L_overlay_start_0:
0x88: {  	s2 =	sld [smem:$0x3FD9]  }
0x89: {  	s3 =	sld [smem:$0x3FFE];
	_ =	sdelay $0x1  }
0x8a: {  	s1 =	srdreg.scid  }
0x8b: {  	s0 =	sand.u32 $0x1, s1  }
0x8c: {  	s17 =	sshll.u32 s0, $0xA;
	s2 =	sadd.s32 s3, s2  }
0x8d: {  	s2 =	sadd.s32 s2, s17  }
0x8e: {  	[smem:$0x3FC6] =	sst s2  }
0x8f: {  	_ = 	snop  }
0x90: {  	s2 =	sld [smem:$0x3FD0];
	(tm) =	ssettm $0x1  }
0x91: {  	s18 =	sld [smem:$0x3FFB];
	_ =	sdelay $0x3  }
0x92: {  	_ =	strace s18  }
0x93: {  	s3 =	sld [smem:$0x3FFC];
	_ =	sdelay $0x3  }
0x94: {  	_ =	strace s3  }
0x95: {  	s3 =	sld [smem:$0x3FFD];
	_ =	sdelay $0x3  }
0x96: {  	_ =	strace s3  }
0x97: {  	_ =	strace $0x8FFFFFFF  }
0x98: {  	s19 =	sld [smem:$0x3FDB];
	_ =	sdelay $0x1  }
0x99: {  	s4 =	simm.s32 $_scs_section_size  }
0x9a: {  	s5 =	simm.s32 $_size__tile_overlayer_lowered;
	s6 =	simm.s32 $_tile_overlayer_lowered  }
0x9b: {  	s22 =	simm.s32 $0x1BFF;
	s21 =	sshll.u32 s6, $0x1;
	s3 =	sadd.s32 s4, s19  }
0x9c: {  	s7 =	simm.s32 $0x0;
	s20 =	sshll.u32 s5, $0x1;
	s5 =	sadd.s32 s21, s3  }
0x9d: {  	[timem:s7], [sflag:s22] =	dma.local [hbm:s5], s20  }
0x9e: {  	_ =	swait.ge [sflag:s22], s20  }
0x9f: {  	s4 =	ssub.s32 $0x0, s20;
	[sflag:s22] =	ssyncset.done $0x0  }
0xa0: {  	[sflag:s22] =	ssyncadd.s32 s4;
	_ =	sdelay $0x1  }
0xa1: {  	s23 =	simm.s32 $0x1B8B  }
0xa2: {  	_ =	swait.ge [sflag:s23], $0x1  }
0xa3: {  	[sflag:s23] =	ssyncset.done $0x0  }
0xa4: {  	s25 =	simm.s32 $0x1B8E;
	s24 =	sld [smem:$0x3FFE];
	[sflag:s23] =	ssyncadd.s32 $0xFFFFFFFF  }
0xa5: {  	s26 =	simm.s32 $execute0_lowered;
	[smem:$0x3FD2] =	sst s25  }
0xa6: {  	s5 =	sshll.u32 s26, $0x1;
	_ =	strace $0x80000046;
	[dreg:$0x1] =	wrdreg $0xFFFFFFFF  }
0xa7: {  	s28 =	simm.s32 $_size_execute0_lowered;
	s3 =	sadd.s32 s3, s5;
	[dreg:$0x0] =	wrdreg $0x0  }
0xa8: {  	s5 =	sshll.u32 s28, $0x1;
	[dreg:$0x2] =	wrdreg s3  }
0xa9: {  	[dreg:$0x3] =	wrdreg s5  }
0xaa: {  	[dreg:$0x4] =	wrdreg $0xC0  }
0xab: {  	_ =	task [dreg:s7], $0x5FFFF  }
0xac: {  	[dreg:$0x1] =	wrdreg $0xFFFFFFFF  }
0xad: {  	[dreg:$0x0] =	wrdreg $0x60  }
0xae: {  	[dreg:$0x2] =	wrdreg s24  }
0xaf: {  	[dreg:$0x3] =	wrdreg s2  }
0xb0: {  	[dreg:$0x4] =	wrdreg $0x9  }
0xb1: {  	_ =	task.clear_ibuf [dreg:s7], $0x5FFFF;
	_ =	strace $0x90000046  }
0xb2: {  	s29 =	simm.s32 $0x9;
	_ =	strace $0x80000048  }
0xb3: {  	_ =	swait.ge [sflag:s29], $0x1  }
0xb4: {  	[sflag:s29] =	ssyncadd.s32 $0xFFFFFFFF  }
0xb5: {  	_ =	strace $0x90000048  }
0xb6: {  	_ =	sfence  }
0xb7: {  	s30 =	sld [smem:$0x0];
	_ =	sdelay $0x2  }
0xb8: {  	s31 =	sshll.u32 s1, $0xD;
	s1 =	sshrl.u32 s1, $0x2  }
0xb9: {  	s3 =	sand.u32 $0x4000, s31;
	s1 =	sadd.s32 s1, s30  }
0xba: {  	s0 =	sor.u32 s3, s0;
	s1 =	sshll.u32 s1, $0x11  }
0xbb: {  	s0 =	sor.u32 s1, s0  }
0xbc: {  	s0 =	sadd.s32 $0x8F2B, s0  }
0xbd: {  	[sflag:s0] =	ssyncadd.remote.s32 $0x1  }
0xbe: {  	_ =	sfence.sel $0xFFFF  }
0xbf: {  	[dreg:$0x0] =	wrdreg $0xFFFFFFFF;
	(pc) =	sbr.abs _section_cstart, $3  }
0xc0: {  	[dreg:$0x1] =	wrdreg $0xFFFFFFFF  }
0xc1: {  	_ =	task.clear_ibuf [dreg:s7], $0x2FFFF;
	_ =	strace $0x9FFFFFFF  }
0xc2: {  	(tm) =	ssettm $0x7FFFFFFF  }
0xc3: {  	_ =	shalt  }
tec
execute0_lowered:
.L_overlay_start_1:
0x0: {  	(tag) =	ssettag $0x1  }
0x1: {  	s1 =	srdreg.scid;
	s2 =	rddreg [dreg:$0x0]  }
0x2: {  	s0 =	stileid.u32;
	s3 =	rddreg [dreg:$0x1];
	v0 =	vlaneseq.u32  }
0x3: {  	s5 =	simm.s32 $0x0;
	s6 =	sand.u32 $0x1, s1;
	s31 =	sshll.u32 s0, $0x1;
	v0 =	vmul.u32 $0x18, v0  }
0x4: {  	[smem:$0x7FF] =	sst s5;
	s1 =	sor.u32 s6, s31  }
0x5: {  	s4 =	smul.u32 $0x2710, s1;
	s1 =	rddreg [dreg:$0x2];
	_ =	strace $0x80000047;
	[tilespmem:$0x1FF00] =	vst v0;
	v1 =	vor.u32 $0x1, v0  }
0x6: {  	v51 =	vor.u32 $0x2, v0;
	[tilespmem:$0x1FF10] =	vst v1  }
0x7: {  	v52 =	vor.u32 $0x3, v0;
	[tilespmem:$0x1FF20] =	vst v51  }
0x8: {  	v53 =	vor.u32 $0x4, v0;
	[tilespmem:$0x1FF30] =	vst v52  }
0x9: {  	v54 =	vor.u32 $0x5, v0;
	[tilespmem:$0x1FF40] =	vst v53  }
0xa: {  	v55 =	vor.u32 $0x6, v0;
	[tilespmem:$0x1FF50] =	vst v54  }
0xb: {  	v56 =	vor.u32 $0x7, v0;
	[tilespmem:$0x1FF60] =	vst v55  }
0xc: {  	v57 =	vadd.s32 $0x8, v0;
	[tilespmem:$0x1FF70] =	vst v56  }
0xd: {  	s9 =	simm.s32 $0x7;
	s10 =	simm.s32 $0x2710;
	s11 =	simm.s32 $0x190;
	v58 =	vadd.s32 $0x9, v0;
	[tilespmem:$0x1FF80] =	vst v57  }
0xe: {  	s12 =	simm.s32 $0x4E20;
	s13 =	simm.s32 $0x11620;
	s14 =	simm.s32 $0x2;
	v59 =	vadd.s32 $0xA, v0;
	[tilespmem:$0x1FF90] =	vst v58  }
0xf: {  	s15 =	simm.s32 $0x4;
	s16 =	simm.s32 $0x1E140;
	s17 =	simm.s32 $0x1DFB0;
	v60 =	vadd.s32 $0xB, v0;
	[tilespmem:$0x1FFA0] =	vst v59  }
.Ltmp0:
0x10: {  	s18 =	simm.s32 $0x6;
	s19 =	simm.s32 $0x5;
	v61 =	vadd.s32 $0xC, v0;
	[tilespmem:$0x1FFB0] =	vst v60;
	(pc) =	sbr.rel .LBB2_1-.Ltmp0, $4  }
0x11: {  	s20 =	simm.s32 $0x1;
	s21 =	simm.s32 $0x3;
	s6 =	ssub.s32 $0x2, s6;
	v62 =	vadd.s32 $0xD, v0;
	[tilespmem:$0x1FFC0] =	vst v61  }
0x12: {  	s22 =	simm.s32 $0x1DE20;
	s8 =	sshrl.u32 s6, $0x1;
	v63 =	vadd.s32 $0xE, v0;
	[tilespmem:$0x1FFD0] =	vst v62;
	s7 =	sshrl.u32 s4, $0x3  }
0x13: {  	s23 =	simm.s32 $0x0;
	v0 =	vadd.s32 $0xF, v0;
	s8 =	ssub.s32 s6, s8;
	[tilespmem:$0x1FFE0] =	vst v63;
	s7 =	sadd.s32 s7, s2  }
0x14: {  	[tilespmem:$0x1FFF0] =	vst v0;
	s8 =	smax.u32 s8, $0x1;
	s6 =	sadd.s32 $0x1D800, s7;
	s7 =	sadd.s32 $0x13A00, s7  }
.LBB2_10:
0x15: {  	s23 =	sadd.s32 $0x1, s23  }
0x16: {  	_ =	swait.ge [sflag:s18], $0x190;
	p0 =	sne.s32 s23, s8  }
.Ltmp1:
0x17: {  	[sflag:s18] =	ssyncset.done $0x0;
	(pc) =	sbr.rel @!p0 .LBB2_11-.Ltmp1, $4  }
0x18: {  	[sflag:s18] =	ssyncadd.s32 $0xFFFFFE70  }
0x19: {  	_ =	swait.ge [sflag:s19], $0x190  }
0x1a: {  	[sflag:s19] =	ssyncset.done $0x0  }
0x1b: {  	[sflag:s19] =	ssyncadd.s32 $0xFFFFFE70  }
.LBB2_1:
0x1c: {  	[tilespmem:s5], [sflag:$0x7] =	stream.linear.gather [hbm4b:s6+s5], $0x2710, $0x38;
	[tilespmem:$0x1E2C0] =	vst v63  }
0x1d: {  	_ =	swait.ge [sflag:s9], $0x2710  }
0x1e: {  	[sflag:s9] =	ssyncset.done $0x0  }
0x1f: {  	[sflag:s9] =	ssyncadd.s32 $0xFFFFD8F0  }
0x20: {  	[tilespmem:s10], [sflag:$0x7] =	stream.linear.gather [hbm4b:s7+s5], $0x2710, $0x38;
	[tilespmem:$0x1E2C0] =	vst v63  }
0x21: {  	_ =	swait.ge [sflag:s9], $0x2710  }
.Ltmp2:
0x22: {  	[sflag:s9] =	ssyncset.done $0x0;
	(pc) =	sbr.rel .LBB2_2-.Ltmp2, $4  }
0x23: {  	[sflag:s9] =	ssyncadd.s32 $0xFFFFD8F0  }
0x24: {  	[tilespmem:s12], [sflag:$0x1] =	stream.indirect.gather [hbm4b:s2+s11], $0x40, s5, s11, $0xb8;
	[tilespmem:$0x1E2C0] =	vst v63  }
0x25: {  	s24 =	simm.s32 $0x0  }
0x26: {  	[tilespmem:s13], [sflag:$0x3] =	stream.indirect.gather [hbm4b:s2+s11], $0x40, s10, s11, $0xb8;
	[tilespmem:$0x1E2C0] =	vst v63  }
.LBB2_9:
0x27: {  	s24 =	sadd.s32 $0x1, s24  }
0x28: {  	p0 =	sne.s32 s24, $0x19  }
.Ltmp3:
0x29: {  	_ = 	snop;
	(pc) =	sbr.rel @!p0 .LBB2_10-.Ltmp3, $1  }
0x2a: {  	_ =	sdelay $0x3  }
.LBB2_2:
0x2b: {  	s25 =	sand.u32 $0x1, s24  }
0x2c: {  	p0 =	seq.s32 s25, $0x1  }
.Ltmp4:
0x2d: {  	_ = 	snop;
	(pc) =	sbr.rel @p0 .LBB2_6-.Ltmp4, $1  }
0x2e: {  	_ =	sdelay $0x3  }
0x2f: {  	p0 =	seq.s32 s24, $0x18  }
0x30: {  	s26 =	smul.u32 @!p0 $0x190, s24;
	_ =	sdelay $0x1  }
0x31: {  	s29 =	simm.s32 @!p0 $0x190;
	s30 =	simm.s32 @!p0 $0xB220;
	s28 =	sadd.s32 @!p0 $0x190, s26  }
0x32: {  	[tilespmem:s30], [sflag:$0x2] =	stream.indirect.gather @!p0 [hbm4b:s2+s29], $0x40, s28, s29, $0xb8;
	[tilespmem:$0x1E2C0] =	vst v63  }
0x33: {  	s26 =	sadd.s32 @!p0 $0x28A0, s26;
	s28 =	simm.s32 @!p0 $0x17A20  }
0x34: {  	[tilespmem:s28], [sflag:$0x4] =	stream.indirect.gather @!p0 [hbm4b:s2+s29], $0x40, s26, s29, $0xb8;
	[tilespmem:$0x1E2C0] =	vst v63  }
0x35: {  	_ =	swait.ge [sflag:s20], $0x6400  }
0x36: {  	[sflag:s20] =	ssyncset.done $0x0  }
0x37: {  	[sflag:s20] =	ssyncadd.s32 $0xFFFF9C00  }
0x38: {  	_ =	swait.ge [sflag:s21], $0x6400  }
0x39: {  	p0 =	slt.u32 s24, $0x2;
	[sflag:s21] =	ssyncset.done $0x0  }
0x3a: {  	s26 =	simm.s32 @!p0 $0x5;
	[sflag:s21] =	ssyncadd.s32 $0xFFFF9C00  }
0x3b: {  	_ =	swait.ge @!p0 [sflag:s26], $0x190  }
0x3c: {  	[sflag:s26] =	ssyncset.done @!p0 $0x0  }
0x3d: {  	s28 =	simm.s32 $0x1DE20;
	[sflag:s26] =	ssyncadd.s32 @!p0 $0xFFFFFE70;
	s26 =	simm.s32 $0xFC0  }
.LBB2_4:
0x3e: {  	s29 =	sshra.s32 s26, $0x2  }
0x3f: {  	v16 =	vld [tilespmem:s29+$0x4A30]  }
0x40: {  	v17 =	vld [tilespmem:s29+$0x11230]  }
0x41: {  	v18 =	vld [tilespmem:s29+$0x4A40]  }
0x42: {  	v19 =	vld [tilespmem:s29+$0x11240]  }
0x43: {  	v20 =	vld [tilespmem:s29+$0x4A50]  }
0x44: {  	v21 =	vld [tilespmem:s29+$0x11250]  }
0x45: {  	v22 =	vld [tilespmem:s29+$0x4A60]  }
0x46: {  	v23 =	vld [tilespmem:s29+$0x11260]  }
0x47: {  	v24 =	vld [tilespmem:s29+$0x4A70]  }
0x48: {  	v25 =	vld [tilespmem:s29+$0x11270]  }
0x49: {  	v26 =	vld [tilespmem:s29+$0x4A80]  }
0x4a: {  	v27 =	vld [tilespmem:s29+$0x11280]  }
0x4b: {  	v28 =	vld [tilespmem:s29+$0x4A90]  }
0x4c: {  	v29 =	vld [tilespmem:s29+$0x11290]  }
0x4d: {  	v30 =	vld [tilespmem:s29+$0x4AA0]  }
0x4e: {  	v31 =	vld [tilespmem:s29+$0x112A0]  }
0x4f: {  	v32 =	vld [tilespmem:s29+$0x4AB0]  }
0x50: {  	v33 =	vld [tilespmem:s29+$0x112B0]  }
0x51: {  	v34 =	vld [tilespmem:s29+$0x4AC0]  }
0x52: {  	v35 =	vld [tilespmem:s29+$0x112C0]  }
0x53: {  	v36 =	vld [tilespmem:s29+$0x4AD0]  }
0x54: {  	v37 =	vld [tilespmem:s29+$0x112D0]  }
0x55: {  	v38 =	vld [tilespmem:s29+$0x4AE0]  }
0x56: {  	v39 =	vld [tilespmem:s29+$0x112E0]  }
0x57: {  	v40 =	vld [tilespmem:s29+$0x4AF0]  }
0x58: {  	v41 =	vld [tilespmem:s29+$0x112F0]  }
0x59: {  	v42 =	vld [tilespmem:s29+$0x4B00]  }
0x5a: {  	v43 =	vld [tilespmem:s29+$0x11300]  }
0x5b: {  	v44 =	vld [tilespmem:s29+$0x4B10]  }
0x5c: {  	v45 =	vld [tilespmem:s29+$0x11310]  }
0x5d: {  	v46 =	vld [tilespmem:s29+$0x4B20]  }
0x5e: {  	v47 =	vld [tilespmem:s29+$0x11320]  }
0x5f: {  	v48 =	vld [tilespmem:s29+$0x4B30]  }
0x60: {  	v49 =	vld [tilespmem:s29+$0x11330]  }
0x61: {  	v50 =	vld [tilespmem:s29+$0x4B40]  }
0x62: {  	v51 =	vld [tilespmem:s29+$0x11340]  }
0x63: {  	v52 =	vld [tilespmem:s29+$0x4B50]  }
0x64: {  	v53 =	vld [tilespmem:s29+$0x11350]  }
0x65: {  	v54 =	vld [tilespmem:s29+$0x4B60]  }
0x66: {  	v55 =	vld [tilespmem:s29+$0x11360]  }
0x67: {  	v56 =	vld [tilespmem:s29+$0x4B70]  }
0x68: {  	v57 =	vld [tilespmem:s29+$0x11370]  }
0x69: {  	v58 =	vld [tilespmem:s29+$0x4B80]  }
0x6a: {  	v59 =	vld [tilespmem:s29+$0x11380]  }
0x6b: {  	v60 =	vld [tilespmem:s29+$0x4B90]  }
0x6c: {  	v61 =	vld [tilespmem:s29+$0x11390]  }
0x6d: {  	v62 =	vld [tilespmem:s29+$0x4BA0]  }
0x6e: {  	v63 =	vld [tilespmem:s29+$0x113A0]  }
0x6f: {  	v0 =	vld [tilespmem:s29+$0x4BB0]  }
0x70: {  	v1 =	vld [tilespmem:s29+$0x113B0]  }
0x71: {  	v2 =	vld [tilespmem:s29+$0x4BC0]  }
0x72: {  	v3 =	vld [tilespmem:s29+$0x113C0]  }
0x73: {  	v4 =	vld [tilespmem:s29+$0x4BD0]  }
0x74: {  	v5 =	vld [tilespmem:s29+$0x113D0]  }
0x75: {  	v6 =	vld [tilespmem:s29+$0x4BE0]  }
0x76: {  	v7 =	vld [tilespmem:s29+$0x113E0]  }
0x77: {  	v8 =	vld [tilespmem:s29+$0x4BF0]  }
0x78: {  	v9 =	vld [tilespmem:s29+$0x113F0]  }
0x79: {  	v10 =	vld [tilespmem:s29+$0x4C00]  }
0x7a: {  	v15 =	vld [tilespmem:s29+$0x4C10]  }
0x7b: {  	v12 =	vld [tilespmem:s29+$0x11410]  }
0x7c: {  	v13 =	vld [tilespmem:s29+$0x4C20]  }
0x7d: {  	v14 =	vld [tilespmem:s29+$0x4C30]  }
0x7e: {  	v11 =	vld [tilespmem:s29+$0x11400]  }
0x7f: {  	[tilespmem:$0x1FDD0] =	vst v15;
	v15 =	vld [tilespmem:s29+$0x11420]  }
0x80: {  	[tilespmem:$0x1FDE0] =	vst v12;
	v12 =	vld [tilespmem:s29+$0x11430]  }
0x81: {  	[tilespmem:$0x1FDF0] =	vst v13;
	v13 =	vld [tilespmem:s29+$0x4C40]  }
0x82: {  	[tilespmem:$0x1FE00] =	vst v14;
	v14 =	vld [tilespmem:s29+$0x11440]  }
0x83: {  	[tilespmem:$0x1FDC0] =	vst v10;
	v10 =	vld [tilespmem:s29+$0x4CB0]  }
0x84: {  	v16 =	vmul.bf16 v17, v16;
	v17 =	vmul.bf16 v19, v18;
	v18 =	vld [tilespmem:s29+$0x114C0]  }
0x85: {  	v19 =	vmul.bf16 v21, v20;
	v21 =	vld [tilespmem:s29+$0x4CD0]  }
0x86: {  	v20 =	vmul.bf16 v27, v26;
	v26 =	vld [tilespmem:s29+$0x114E0]  }
0x87: {  	v27 =	vld [tilespmem:s29+$0x4CF0]  }
0x88: {  	v39 =	vmul.bf16 v39, v38;
	v38 =	vld [tilespmem:s29+$0x11550]  }
0x89: {  	v0 =	vmul.bf16 v1, v0;
	v1 =	vld [tilespmem:s29+$0x4D60]  }
0x8a: {  	v2 =	vmul.bf16 v3, v2;
	v3 =	vld [tilespmem:s29+$0x11560]  }
0x8b: {  	v49 =	vmul.bf16 v49, v48;
	v48 =	vmul.bf16 v7, v6;
	v6 =	vld [tilespmem:s29+$0x4D70]  }
0x8c: {  	v8 =	vmul.bf16 v9, v8;
	v9 =	vld [tilespmem:s29+$0x11590]  }
0x8d: {  	v41 =	vmul.bf16 v41, v40;
	v40 =	vld [tilespmem:s29+$0x115A0]  }
0x8e: {  	v43 =	vmul.bf16 v43, v42;
	v42 =	vld [tilespmem:s29+$0x4DB0]  }
0x8f: {  	v45 =	vmul.bf16 v45, v44;
	v44 =	vld [tilespmem:s29+$0x115B0]  }
0x90: {  	v47 =	vmul.bf16 v47, v46;
	v46 =	vld [tilespmem:s29+$0x4DC0]  }
0x91: {  	v57 =	vmul.bf16 v57, v56;
	v4 =	vmul.bf16 v5, v4;
	v56 =	vld [tilespmem:$0x1FDD0]  }
0x92: {  	v59 =	vmul.bf16 v59, v58;
	v58 =	vld [tilespmem:$0x1FDF0]  }
0x93: {  	v51 =	vmul.bf16 v51, v50;
	v50 =	vadd.bf16 v48, v4;
	v4 =	vld [tilespmem:s29+$0x4D80]  }
0x94: {  	v0 =	vadd.bf16 v2, v0;
	v2 =	vld [tilespmem:s29+$0x4D90]  }
0x95: {  	[tilespmem:$0x1FE10] =	vst v12;
	v12 =	vld [tilespmem:s29+$0x4C50]  }
0x96: {  	[tilespmem:$0x1FE20] =	vst v13;
	v13 =	vld [tilespmem:s29+$0x4C60]  }
0x97: {  	v53 =	vmul.bf16 v53, v52;
	v55 =	vmul.bf16 v55, v54;
	[tilespmem:$0x1FE30] =	vst v14;
	v14 =	vld [tilespmem:s29+$0x11470]  }
0x98: {  	[tilespmem:$0x1FED0] =	vst v10;
	v10 =	vld [tilespmem:s29+$0x114B0]  }
0x99: {  	v37 =	vmul.bf16 v37, v36;
	v36 =	vadd.bf16 v55, v53;
	v55 =	vld [tilespmem:$0x1FDC0]  }
0x9a: {  	[tilespmem:$0x1FE40] =	vst v12;
	v12 =	vld [tilespmem:s29+$0x11450]  }
0x9b: {  	[tilespmem:$0x1FE60] =	vst v13;
	v13 =	vld [tilespmem:s29+$0x4C70]  }
0x9c: {  	[tilespmem:$0x1FE80] =	vst v14;
	v14 =	vld [tilespmem:s29+$0x4C90]  }
0x9d: {  	[tilespmem:$0x1FEE0] =	vst v10;
	v10 =	vld [tilespmem:s29+$0x4CC0]  }
0x9e: {  	v61 =	vmul.bf16 v61, v60;
	v60 =	vld [tilespmem:$0x1FE10]  }
0x9f: {  	[tilespmem:$0x1FE50] =	vst v12;
	v12 =	vld [tilespmem:s29+$0x11460]  }
0xa0: {  	[tilespmem:$0x1FE70] =	vst v13;
	v13 =	vld [tilespmem:s29+$0x4C80]  }
0xa1: {  	[tilespmem:$0x1FEA0] =	vst v14;
	v14 =	vld [tilespmem:s29+$0x11490]  }
0xa2: {  	[tilespmem:$0x1FEF0] =	vst v10;
	v10 =	vmul.bf16 v23, v22;
	v22 =	vld [tilespmem:s29+$0x114D0]  }
0xa3: {  	v23 =	vld [tilespmem:s29+$0x4CE0]  }
0xa4: {  	v48 =	vld [tilespmem:$0x1FE50]  }
0xa5: {  	v0 =	vadd.bf16 v50, v0;
	v50 =	vld [tilespmem:$0x1FE70]  }
0xa6: {  	v15 =	vmul.bf16 v15, v58;
	v58 =	vld [tilespmem:$0x1FEF0]  }
0xa7: {  	v16 =	vadd.bf16 v17, v16;
	v17 =	vadd.bf16 v10, v19;
	v19 =	vmul.bf16 v25, v24;
	v25 =	vld [tilespmem:s29+$0x11500]  }
0xa8: {  	v24 =	vmul.bf16 v29, v28;
	v10 =	vmul.bf16 v31, v30;
	v28 =	vld [tilespmem:s29+$0x4D10]  }
0xa9: {  	v29 =	vadd.bf16 v20, v19;
	v20 =	vld [tilespmem:s29+$0x114F0]  }
0xaa: {  	v30 =	vadd.bf16 v10, v24;
	v24 =	vld [tilespmem:s29+$0x4D00]  }
0xab: {  	v19 =	vmul.bf16 v33, v32;
	v33 =	vld [tilespmem:s29+$0x4D20]  }
0xac: {  	v32 =	vadd.bf16 v47, v45;
	v45 =	vld [tilespmem:s29+$0x4D50]  }
0xad: {  	[tilespmem:$0x1FE90] =	vst v13;
	v13 =	vld [tilespmem:s29+$0x11480]  }
0xae: {  	v16 =	vadd.bf16 v17, v16;
	[tilespmem:$0x1FEB0] =	vst v14;
	v14 =	vld [tilespmem:s29+$0x4CA0]  }
0xaf: {  	v17 =	vadd.bf16 v30, v29;
	v30 =	vadd.bf16 v39, v37;
	v37 =	vld [tilespmem:s29+$0x4D30]  }
0xb0: {  	v39 =	vld [tilespmem:s29+$0x11530]  }
0xb1: {  	v10 =	vmul.bf16 v35, v34;
	v34 =	vadd.bf16 v51, v49;
	v29 =	vadd.bf16 v43, v41;
	v41 =	vld [tilespmem:s29+$0x4D40]  }
0xb2: {  	v43 =	vld [tilespmem:s29+$0x11540]  }
0xb3: {  	v34 =	vadd.bf16 v36, v34;
	v36 =	vld [tilespmem:s29+$0x4DA0]  }
0xb4: {  	v19 =	vadd.bf16 v10, v19;
	v10 =	vmul.bf16 v63, v62;
	v62 =	vld [tilespmem:$0x1FE30]  }
0xb5: {  	v54 =	vunpack.i.u.bf16.f32 v0;
	v0 =	vunpack.i.l.bf16.f32 v0;
	v63 =	vld [tilespmem:$0x1FE40]  }
0xb6: {  	v0 =	vadd.f32 v0, v54;
	v31 =	vunpack.i.u.bf16.f32 v16;
	v16 =	vunpack.i.l.bf16.f32 v16;
	v54 =	vld [tilespmem:$0x1FEB0]  }
0xb7: {  	v16 =	vadd.f32 v16, v31;
	v31 =	vld [tilespmem:s29+$0x11510]  }
0xb8: {  	v51 =	vunpack.i.u.bf16.f32 v34;
	v52 =	vunpack.i.l.bf16.f32 v34;
	v34 =	vld [tilespmem:s29+$0x11580]  }
0xb9: {  	v19 =	vadd.bf16 v30, v19;
	v30 =	vadd.bf16 v59, v57;
	v57 =	vld [tilespmem:$0x1FDE0]  }
0xba: {  	v35 =	vunpack.i.u.bf16.f32 v17;
	v59 =	vld [tilespmem:$0x1FE00]  }
0xbb: {  	v17 =	vunpack.i.l.bf16.f32 v17;
	v29 =	vadd.bf16 v32, v29;
	v32 =	vadd.bf16 v10, v61;
	v61 =	vld [tilespmem:$0x1FE20]  }
0xbc: {  	v11 =	vmul.bf16 v11, v55;
	v17 =	vadd.f32 v17, v35;
	v35 =	vld [tilespmem:s29+$0x11520]  }
0xbd: {  	v1 =	vmul.bf16 v3, v1;
	v7 =	vadd.f32 v52, v51;
	v51 =	vld [tilespmem:$0x1FE80]  }
0xbe: {  	v2 =	vmul.bf16 v9, v2;
	v8 =	vadd.bf16 v11, v8;
	v18 =	vmul.bf16 v18, v58;
	v52 =	vld [tilespmem:$0x1FE90]  }
0xbf: {  	[tilespmem:$0x1FEC0] =	vst v14;
	v14 =	vld [tilespmem:s29+$0x114A0];
	v49 =	vunpack.i.u.bf16.f32 v29;
	v30 =	vadd.bf16 v32, v30;
	v29 =	vunpack.i.l.bf16.f32 v29  }
0xc0: {  	v47 =	vunpack.i.u.bf16.f32 v19;
	v19 =	vunpack.i.l.bf16.f32 v19;
	v32 =	vld [tilespmem:s29+$0x11570];
	v5 =	vadd.f32 v29, v49  }
0xc1: {  	v49 =	vld [tilespmem:$0x1FE60];
	v58 =	vmul.bf16 v39, v37;
	v53 =	vunpack.i.u.bf16.f32 v30;
	v30 =	vunpack.i.l.bf16.f32 v30  }
0xc2: {  	v55 =	vld [tilespmem:$0x1FEC0];
	v31 =	vmul.bf16 v31, v28;
	v29 =	vadd.f32 v30, v53;
	v30 =	vmul.bf16 v57, v56  }
0xc3: {  	v19 =	vadd.f32 v19, v47;
	v47 =	vld [tilespmem:s29+$0x115C0];
	v11 =	vmul.bf16 v60, v59;
	v10 =	vmul.bf16 v62, v61  }
0xc4: {  	v53 =	vld [tilespmem:$0x1FEA0];
	v59 =	vmul.bf16 v22, v21;
	v60 =	vmul.bf16 v26, v23  }
0xc5: {  	v56 =	vld [tilespmem:$0x1FED0];
	v62 =	vmul.bf16 v20, v27;
	v4 =	vmul.bf16 v34, v4  }
0xc6: {  	v57 =	vld [tilespmem:$0x1FEE0];
	v34 =	vmul.bf16 v44, v42;
	v13 =	vmul.bf16 v13, v52  }
0xc7: {  	v22 =	vld [tilespmem:s29+$0x115D0];
	v35 =	vmul.bf16 v35, v33;
	v33 =	vmul.bf16 v40, v36;
	v15 =	vadd.bf16 v15, v30  }
0xc8: {  	v20 =	vld [tilespmem:s29+$0x115E0];
	v30 =	vmul.bf16 v48, v63;
	v10 =	vadd.bf16 v10, v11;
	v11 =	vmul.bf16 v51, v50  }
0xc9: {  	v26 =	vld [tilespmem:s29+$0x115F0];
	v6 =	vmul.bf16 v32, v6;
	v12 =	vmul.bf16 v12, v49;
	v52 =	vadd.bf16 v35, v31  }
0xca: {  	v48 =	vld [tilespmem:s29+$0x4DD0];
	v14 =	vmul.bf16 v14, v55;
	v2 =	vadd.bf16 v33, v2;
	v8 =	vadd.bf16 v15, v8  }
0xcb: {  	v50 =	vld [tilespmem:s29+$0x4E00];
	v35 =	vmul.bf16 v47, v46;
	v11 =	vadd.bf16 v13, v11;
	v4 =	vadd.bf16 v4, v6  }
0xcc: {  	v55 =	vld [tilespmem:s29+$0x4E10];
	v12 =	vadd.bf16 v12, v30;
	v30 =	vmul.bf16 v54, v53;
	v15 =	vmul.bf16 v57, v56  }
0xcd: {  	v53 =	vld [tilespmem:s29+$0x11600];
	v6 =	vadd.bf16 v35, v34;
	v63 =	vunpack.i.u.bf16.f32 v8;
	v2 =	vadd.bf16 v2, v4  }
0xce: {  	v57 =	vld [tilespmem:s29+$0x11610];
	v8 =	vunpack.i.l.bf16.f32 v8;
	v10 =	vadd.bf16 v12, v10;
	v61 =	vadd.bf16 v14, v30  }
0xcf: {  	v14 =	vld [tilespmem:s29+$0x4DE0];
	v15 =	vadd.bf16 v18, v15;
	v12 =	vadd.bf16 v60, v59;
	v30 =	vmul.bf16 v25, v24  }
0xd0: {  	v24 =	vld [tilespmem:s29+$0x4DF0];
	v8 =	vadd.f32 v8, v63;
	v63 =	vmul.bf16 v38, v45;
	v36 =	vmul.bf16 v22, v48  }
0xd1: {  	v59 =	vld [tilespmem:s29+$0x4E20];
	v44 =	vunpack.i.u.bf16.f32 v2;
	v2 =	vunpack.i.l.bf16.f32 v2;
	v11 =	vadd.bf16 v61, v11  }
0xd2: {  	v49 =	vunpack.i.u.bf16.f32 v10;
	v12 =	vadd.bf16 v12, v15;
	v51 =	vadd.bf16 v30, v62;
	v62 =	vld [tilespmem:s29+$0x11620];
	[tilespmem:$0x1E140] =	vst v16  }
0xd3: {  	v10 =	vunpack.i.l.bf16.f32 v10;
	v61 =	vmul.bf16 v43, v41;
	[tilespmem:$0x1E158] =	vst v17;
	v1 =	vadd.bf16 v1, v63  }
0xd4: {  	[tilespmem:$0x1E170] =	vst v19;
	v2 =	vadd.f32 v2, v44;
	v10 =	vadd.f32 v10, v49;
	v39 =	vmul.bf16 v53, v50  }
0xd5: {  	[tilespmem:$0x1E188] =	vst v5;
	v40 =	vmul.bf16 v57, v55;
	v54 =	vunpack.i.u.bf16.f32 v11;
	v11 =	vunpack.i.l.bf16.f32 v11  }
0xd6: {  	[tilespmem:$0x1E1A0] =	vst v7;
	v56 =	vunpack.i.u.bf16.f32 v12;
	v12 =	vunpack.i.l.bf16.f32 v12;
	v15 =	vadd.bf16 v52, v51  }
0xd7: {  	[tilespmem:$0x1E1B8] =	vst v29;
	v30 =	vadd.bf16 v61, v58;
	v11 =	vadd.f32 v11, v54;
	v37 =	vmul.bf16 v20, v14  }
0xd8: {  	[tilespmem:$0x1E1D0] =	vst v0;
	v12 =	vadd.f32 v12, v56;
	v38 =	vmul.bf16 v26, v24;
	v41 =	vmul.bf16 v62, v59  }
0xd9: {  	[tilespmem:$0x1E1E8] =	vst v8;
	v60 =	vunpack.i.u.bf16.f32 v15;
	v1 =	vadd.bf16 v1, v30;
	v5 =	vadd.bf16 v37, v36  }
0xda: {  	v48 =	vld [tilespmem:$0x1FF00];
	[tilespmem:$0x1E278] =	vst v2;
	v15 =	vunpack.i.l.bf16.f32 v15;
	v3 =	vadd.bf16 v39, v38;
	v4 =	vadd.bf16 v41, v40  }
0xdb: {  	[tilespmem:$0x1E200] =	vst v10;
	v15 =	vadd.f32 v15, v60;
	v43 =	vadd.bf16 v5, v6  }
0xdc: {  	v49 =	vld [tilespmem:$0x1FF10];
	[tilespmem:$0x1E218] =	vst v11;
	v42 =	vunpack.i.u.bf16.f32 v1;
	v1 =	vunpack.i.l.bf16.f32 v1;
	v3 =	vadd.bf16 v4, v3  }
0xdd: {  	[tilespmem:$0x1E230] =	vst v12;
	v0 =	vadd.f32 v1, v42;
	v45 =	vunpack.i.u.bf16.f32 v43;
	v1 =	vunpack.i.l.bf16.f32 v43  }
0xde: {  	v50 =	vld [tilespmem:$0x1FF20];
	[tilespmem:$0x1E248] =	vst v15;
	v1 =	vadd.f32 v1, v45;
	v46 =	vunpack.i.u.bf16.f32 v3;
	v3 =	vunpack.i.l.bf16.f32 v3  }
0xdf: {  	[tilespmem:$0x1E260] =	vst v0;
	v47 =	vadd.f32 v3, v46  }
0xe0: {  	v51 =	vld [tilespmem:$0x1FF30];
	[tilespmem:$0x1E290] =	vst v1  }
0xe1: {  	v52 =	vld [tilespmem:$0x1FF40];
	[tilespmem:$0x1E2A8] =	vst v47  }
0xe2: {  	v0 =	vld.idx.msk [tilespmem:v48+s16+$0x0], $0xffff  }
0xe3: {  	v53 =	vld [tilespmem:$0x1FF50]  }
0xe4: {  	v1 =	vld.idx.msk [tilespmem:v49+s16+$0x0], $0xffff  }
0xe5: {  	v54 =	vld [tilespmem:$0x1FF60]  }
0xe6: {  	v2 =	vld.idx.msk [tilespmem:v50+s16+$0x0], $0xffff  }
0xe7: {  	v55 =	vld [tilespmem:$0x1FF70];
	v0 =	vadd.f32 $0.0e+00, v0  }
0xe8: {  	v3 =	vld.idx.msk [tilespmem:v51+s16+$0x0], $0xffff  }
0xe9: {  	v56 =	vld [tilespmem:$0x1FF80];
	v0 =	vadd.f32 v1, v0  }
0xea: {  	v1 =	vld.idx.msk [tilespmem:v52+s16+$0x0], $0xffff  }
0xeb: {  	v57 =	vld [tilespmem:$0x1FF90];
	v0 =	vadd.f32 v2, v0  }
0xec: {  	v2 =	vld.idx.msk [tilespmem:v53+s16+$0x0], $0xffff  }
0xed: {  	v58 =	vld [tilespmem:$0x1FFA0];
	v0 =	vadd.f32 v3, v0  }
0xee: {  	v3 =	vld.idx.msk [tilespmem:v54+s16+$0x0], $0xffff  }
0xef: {  	v59 =	vld [tilespmem:$0x1FFB0];
	v0 =	vadd.f32 v1, v0  }
0xf0: {  	v1 =	vld.idx.msk [tilespmem:v55+s16+$0x0], $0xffff  }
0xf1: {  	v60 =	vld [tilespmem:$0x1FFC0];
	v0 =	vadd.f32 v2, v0  }
0xf2: {  	v2 =	vld.idx.msk [tilespmem:v56+s16+$0x0], $0xffff  }
0xf3: {  	v61 =	vld [tilespmem:$0x1FFD0];
	v0 =	vadd.f32 v3, v0  }
0xf4: {  	v3 =	vld.idx.msk [tilespmem:v57+s16+$0x0], $0xffff  }
0xf5: {  	v62 =	vld [tilespmem:$0x1FFE0];
	v0 =	vadd.f32 v1, v0  }
0xf6: {  	v1 =	vld.idx.msk [tilespmem:v58+s16+$0x0], $0xffff  }
0xf7: {  	v63 =	vld [tilespmem:$0x1FFF0];
	v0 =	vadd.f32 v2, v0  }
0xf8: {  	v2 =	vld.idx.msk [tilespmem:v59+s16+$0x0], $0xffff  }
0xf9: {  	v0 =	vadd.f32 v3, v0  }
0xfa: {  	v3 =	vld.idx.msk [tilespmem:v60+s16+$0x0], $0xffff  }
0xfb: {  	v0 =	vadd.f32 v1, v0  }
0xfc: {  	v1 =	vld.idx.msk [tilespmem:v61+s16+$0x0], $0xffff  }
0xfd: {  	v0 =	vadd.f32 v2, v0  }
0xfe: {  	v2 =	vld.idx.msk [tilespmem:v62+s16+$0x0], $0xffff  }
0xff: {  	v0 =	vadd.f32 v3, v0  }
0x100: {  	v3 =	vld.idx.msk [tilespmem:v63+s16+$0x0], $0xffff  }
0x101: {  	v0 =	vadd.f32 v1, v0  }
0x102: {  	p0 =	sne.s32 s26, $0x18FC0  }
.Ltmp5:
0x103: {  	v0 =	vadd.f32 v2, v0;
	(pc) =	sbr.rel @p0 .LBB2_4-.Ltmp5, $3  }
0x104: {  	_ = 	snop  }
0x105: {  	v0 =	vadd.f32 v3, v0;
	_ =	sdelay $0x1  }
0x106: {  	s26 =	sadd.s32 $0x1000, s26;
	[tilespmem:s28+$0x0] =	vst v0;
	s28 =	sadd.s32 $0x10, s28  }
0x107: {  	s26 =	smul.u32 $0x190, s24;
	p0 =	seq.s32 s25, $0x0  }
.Ltmp6:
0x108: {  	_ = 	snop;
	(pc) =	sbr.rel @p0 .LBB2_9-.Ltmp6, $4  }
0x109: {  	s26 =	sadd.s32 s4, s26  }
0x10a: {  	s26 =	sshrl.u32 s26, $0x3  }
0x10b: {  	s26 =	sadd.s32 s3, s26  }
0x10c: {  	[hbm4b:s26+s5] =	stream.linear.scatter [tilespmem:s22], [sflag:$0x5], $0x190, $0x38;
	[tilespmem:$0x1E2C0] =	vst v63  }
.LBB2_6:
0x10d: {  	p0 =	seq.s32 s24, $0x18  }
0x10e: {  	s25 =	smul.u32 @!p0 $0x190, s24;
	_ =	sdelay $0x1  }
0x10f: {  	s28 =	simm.s32 @!p0 $0x190;
	s29 =	simm.s32 @!p0 $0x4E20;
	s26 =	sadd.s32 @!p0 $0x190, s25  }
0x110: {  	[tilespmem:s29], [sflag:$0x1] =	stream.indirect.gather @!p0 [hbm4b:s2+s28], $0x40, s26, s28, $0xb8;
	[tilespmem:$0x1E2C0] =	vst v63  }
0x111: {  	s25 =	sadd.s32 @!p0 $0x28A0, s25;
	s26 =	simm.s32 @!p0 $0x11620  }
0x112: {  	[tilespmem:s26], [sflag:$0x3] =	stream.indirect.gather @!p0 [hbm4b:s2+s28], $0x40, s25, s28, $0xb8;
	[tilespmem:$0x1E2C0] =	vst v63  }
0x113: {  	_ =	swait.ge [sflag:s14], $0x6400  }
0x114: {  	[sflag:s14] =	ssyncset.done $0x0  }
0x115: {  	[sflag:s14] =	ssyncadd.s32 $0xFFFF9C00  }
0x116: {  	_ =	swait.ge [sflag:s15], $0x6400  }
0x117: {  	p0 =	slt.u32 s24, $0x2;
	[sflag:s15] =	ssyncset.done $0x0  }
0x118: {  	s25 =	simm.s32 @!p0 $0x6;
	[sflag:s15] =	ssyncadd.s32 $0xFFFF9C00  }
0x119: {  	_ =	swait.ge @!p0 [sflag:s25], $0x190  }
0x11a: {  	[sflag:s25] =	ssyncset.done @!p0 $0x0  }
0x11b: {  	s26 =	simm.s32 $0x1DFB0;
	[sflag:s25] =	ssyncadd.s32 @!p0 $0xFFFFFE70;
	s25 =	simm.s32 $0xFC0  }
.LBB2_7:
0x11c: {  	s28 =	sshra.s32 s25, $0x2  }
0x11d: {  	v0 =	vld [tilespmem:s28+$0xAE30]  }
0x11e: {  	v1 =	vld [tilespmem:s28+$0x17630]  }
0x11f: {  	v2 =	vld [tilespmem:s28+$0xAE40]  }
0x120: {  	v3 =	vld [tilespmem:s28+$0x17640]  }
0x121: {  	v4 =	vld [tilespmem:s28+$0xAE50]  }
0x122: {  	v5 =	vld [tilespmem:s28+$0x17650]  }
0x123: {  	v6 =	vld [tilespmem:s28+$0xAE60]  }
0x124: {  	v7 =	vld [tilespmem:s28+$0x17660]  }
0x125: {  	v8 =	vld [tilespmem:s28+$0xAE70]  }
0x126: {  	v9 =	vld [tilespmem:s28+$0x17670]  }
0x127: {  	v10 =	vld [tilespmem:s28+$0xAE80]  }
0x128: {  	v11 =	vld [tilespmem:s28+$0x17680]  }
0x129: {  	v12 =	vld [tilespmem:s28+$0xAE90]  }
0x12a: {  	v13 =	vld [tilespmem:s28+$0x17690]  }
0x12b: {  	v14 =	vld [tilespmem:s28+$0xAEA0]  }
0x12c: {  	v15 =	vld [tilespmem:s28+$0x176A0]  }
0x12d: {  	v17 =	vld [tilespmem:s28+$0xAEB0]  }
0x12e: {  	v18 =	vld [tilespmem:s28+$0x176B0]  }
0x12f: {  	v19 =	vld [tilespmem:s28+$0xAEC0]  }
0x130: {  	v20 =	vld [tilespmem:s28+$0x176C0]  }
0x131: {  	v21 =	vld [tilespmem:s28+$0xAED0]  }
0x132: {  	v22 =	vld [tilespmem:s28+$0x176D0]  }
0x133: {  	v23 =	vld [tilespmem:s28+$0xAEE0]  }
0x134: {  	v24 =	vld [tilespmem:s28+$0x176E0]  }
0x135: {  	v25 =	vld [tilespmem:s28+$0xAEF0]  }
0x136: {  	v26 =	vld [tilespmem:s28+$0x176F0]  }
0x137: {  	v27 =	vld [tilespmem:s28+$0xAF00]  }
0x138: {  	v28 =	vld [tilespmem:s28+$0x17700]  }
0x139: {  	v29 =	vld [tilespmem:s28+$0xAF10]  }
0x13a: {  	v30 =	vld [tilespmem:s28+$0x17710]  }
0x13b: {  	v31 =	vld [tilespmem:s28+$0xAF20]  }
0x13c: {  	v32 =	vld [tilespmem:s28+$0x17720]  }
0x13d: {  	v33 =	vld [tilespmem:s28+$0xAF30]  }
0x13e: {  	v34 =	vld [tilespmem:s28+$0x17730]  }
0x13f: {  	v35 =	vld [tilespmem:s28+$0xAF40]  }
0x140: {  	v36 =	vld [tilespmem:s28+$0x17740]  }
0x141: {  	v37 =	vld [tilespmem:s28+$0xAF50]  }
0x142: {  	v38 =	vld [tilespmem:s28+$0x17750]  }
0x143: {  	v39 =	vld [tilespmem:s28+$0xAF60]  }
0x144: {  	v40 =	vld [tilespmem:s28+$0x17760]  }
0x145: {  	v41 =	vld [tilespmem:s28+$0xAF70]  }
0x146: {  	v42 =	vld [tilespmem:s28+$0x17770]  }
0x147: {  	v43 =	vld [tilespmem:s28+$0xAF80]  }
0x148: {  	v44 =	vld [tilespmem:s28+$0x17780]  }
0x149: {  	v45 =	vld [tilespmem:s28+$0xAF90]  }
0x14a: {  	v46 =	vld [tilespmem:s28+$0x17790]  }
0x14b: {  	v47 =	vld [tilespmem:s28+$0xAFA0]  }
0x14c: {  	v48 =	vld [tilespmem:s28+$0x177A0]  }
0x14d: {  	v49 =	vld [tilespmem:s28+$0xAFB0]  }
0x14e: {  	v50 =	vld [tilespmem:s28+$0x177B0]  }
0x14f: {  	v51 =	vld [tilespmem:s28+$0xAFC0]  }
0x150: {  	v52 =	vld [tilespmem:s28+$0x177C0]  }
0x151: {  	v53 =	vld [tilespmem:s28+$0xAFD0]  }
0x152: {  	v54 =	vld [tilespmem:s28+$0x177D0]  }
0x153: {  	v55 =	vld [tilespmem:s28+$0xAFE0]  }
0x154: {  	v56 =	vld [tilespmem:s28+$0x177E0]  }
0x155: {  	v57 =	vld [tilespmem:s28+$0xAFF0]  }
0x156: {  	v58 =	vld [tilespmem:s28+$0x177F0]  }
0x157: {  	v16 =	vld [tilespmem:s28+$0xB000]  }
0x158: {  	v59 =	vld [tilespmem:s28+$0x17810]  }
0x159: {  	v63 =	vld [tilespmem:s28+$0xB010]  }
0x15a: {  	v61 =	vld [tilespmem:s28+$0xB020]  }
0x15b: {  	v62 =	vld [tilespmem:s28+$0x17820]  }
0x15c: {  	v60 =	vld [tilespmem:s28+$0x17800]  }
0x15d: {  	[tilespmem:$0x1FCA0] =	vst v59;
	v59 =	vld [tilespmem:s28+$0xB030]  }
0x15e: {  	[tilespmem:$0x1FC90] =	vst v63;
	v63 =	vld [tilespmem:s28+$0x17830]  }
0x15f: {  	[tilespmem:$0x1FCB0] =	vst v61;
	v61 =	vld [tilespmem:s28+$0xB050]  }
0x160: {  	[tilespmem:$0x1FCC0] =	vst v62;
	v62 =	vld [tilespmem:s28+$0xB060]  }
0x161: {  	[tilespmem:$0x1FC80] =	vst v16;
	v16 =	vld [tilespmem:s28+$0xB0B0]  }
0x162: {  	v0 =	vmul.bf16 v1, v0;
	v1 =	vmul.bf16 v3, v2;
	v2 =	vld [tilespmem:s28+$0x178C0]  }
0x163: {  	v3 =	vmul.bf16 v5, v4;
	v5 =	vld [tilespmem:s28+$0xB0D0]  }
0x164: {  	v4 =	vmul.bf16 v9, v8;
	v8 =	vld [tilespmem:s28+$0x178F0]  }
0x165: {  	v9 =	vld [tilespmem:s28+$0xB100]  }
0x166: {  	v13 =	vmul.bf16 v13, v12;
	v12 =	vld [tilespmem:s28+$0xB110]  }
0x167: {  	v24 =	vmul.bf16 v24, v23;
	v23 =	vld [tilespmem:s28+$0x17950]  }
0x168: {  	v28 =	vmul.bf16 v28, v27;
	v27 =	vld [tilespmem:s28+$0xB160]  }
0x169: {  	v30 =	vmul.bf16 v30, v29;
	v29 =	vld [tilespmem:s28+$0xB180]  }
0x16a: {  	v14 =	vmul.bf16 v15, v14;
	v34 =	vmul.bf16 v34, v33;
	v33 =	vld [tilespmem:s28+$0x17980]  }
0x16b: {  	v26 =	vmul.bf16 v26, v25;
	v32 =	vmul.bf16 v32, v31;
	v25 =	vld [tilespmem:s28+$0xB190]  }
0x16c: {  	v36 =	vmul.bf16 v36, v35;
	v40 =	vmul.bf16 v40, v39;
	v35 =	vld [tilespmem:s28+$0x17990]  }
0x16d: {  	v42 =	vmul.bf16 v42, v41;
	v43 =	vmul.bf16 v44, v43;
	v39 =	vld [tilespmem:s28+$0x179A0]  }
0x16e: {  	v44 =	vmul.bf16 v46, v45;
	v46 =	vmul.bf16 v50, v49;
	v41 =	vld [tilespmem:s28+$0xB1B0]  }
0x16f: {  	v50 =	vmul.bf16 v56, v55;
	v56 =	vmul.bf16 v58, v57;
	v58 =	vld [tilespmem:$0x1FC80]  }
0x170: {  	v0 =	vadd.bf16 v1, v0;
	v1 =	vld [tilespmem:s28+$0x178D0]  }
0x171: {  	v15 =	vadd.bf16 v14, v13;
	v14 =	vadd.bf16 v32, v30;
	v30 =	vld [tilespmem:s28+$0xB150]  }
0x172: {  	v32 =	vld [tilespmem:s28+$0x17960]  }
0x173: {  	v13 =	vmul.bf16 v20, v19;
	v19 =	vadd.bf16 v36, v34;
	v34 =	vld [tilespmem:s28+$0xB170]  }
0x174: {  	[tilespmem:$0x1FCD0] =	vst v59;
	v59 =	vld [tilespmem:s28+$0xB040]  }
0x175: {  	[tilespmem:$0x1FD00] =	vst v61;
	v61 =	vld [tilespmem:s28+$0x17850]  }
0x176: {  	[tilespmem:$0x1FD20] =	vst v62;
	v62 =	vld [tilespmem:s28+$0xB070]  }
0x177: {  	v45 =	vmul.bf16 v48, v47;
	v48 =	vmul.bf16 v52, v51;
	[tilespmem:$0x1FCE0] =	vst v63;
	v63 =	vld [tilespmem:s28+$0x17870]  }
0x178: {  	v49 =	vmul.bf16 v54, v53;
	[tilespmem:$0x1FD90] =	vst v16;
	v16 =	vld [tilespmem:s28+$0x178B0]  }
0x179: {  	v52 =	vadd.bf16 v48, v46;
	v46 =	vld [tilespmem:$0x1FCD0]  }
0x17a: {  	v53 =	vadd.bf16 v50, v49;
	v49 =	vld [tilespmem:$0x1FD00]  }
0x17b: {  	v60 =	vmul.bf16 v60, v58;
	v58 =	vld [tilespmem:$0x1FD90]  }
0x17c: {  	v1 =	vmul.bf16 v1, v5;
	v5 =	vld [tilespmem:s28+$0x179E0]  }
0x17d: {  	[tilespmem:$0x1FCF0] =	vst v59;
	v59 =	vld [tilespmem:s28+$0x17840]  }
0x17e: {  	[tilespmem:$0x1FD10] =	vst v61;
	v61 =	vld [tilespmem:s28+$0x17860]  }
0x17f: {  	[tilespmem:$0x1FD30] =	vst v62;
	v62 =	vld [tilespmem:s28+$0xB080]  }
0x180: {  	[tilespmem:$0x1FD40] =	vst v63;
	v63 =	vld [tilespmem:s28+$0xB090]  }
0x181: {  	[tilespmem:$0x1FDA0] =	vst v16;
	v16 =	vld [tilespmem:s28+$0xB0C0]  }
0x182: {  	v48 =	vld [tilespmem:$0x1FCF0]  }
0x183: {  	v50 =	vld [tilespmem:$0x1FD10]  }
0x184: {  	[tilespmem:$0x1FD50] =	vst v62;
	v62 =	vld [tilespmem:s28+$0x17880]  }
0x185: {  	[tilespmem:$0x1FD60] =	vst v63;
	v63 =	vld [tilespmem:s28+$0x17890]  }
0x186: {  	[tilespmem:$0x1FDB0] =	vst v16;
	v16 =	vmul.bf16 v7, v6;
	v7 =	vld [tilespmem:s28+$0xB0E0]  }
0x187: {  	v6 =	vmul.bf16 v18, v17;
	v18 =	vld [tilespmem:s28+$0xB120]  }
0x188: {  	v31 =	vadd.bf16 v60, v56;
	v60 =	vld [tilespmem:$0x1FDB0]  }
0x189: {  	v3 =	vadd.bf16 v16, v3;
	v16 =	vmul.bf16 v11, v10;
	v10 =	vld [tilespmem:s28+$0x178E0]  }
0x18a: {  	v11 =	vld [tilespmem:s28+$0x17900]  }
0x18b: {  	v6 =	vadd.bf16 v13, v6;
	v13 =	vadd.bf16 v28, v26;
	v26 =	vld [tilespmem:s28+$0xB140]  }
0x18c: {  	v28 =	vld [tilespmem:s28+$0x17940]  }
0x18d: {  	v0 =	vadd.bf16 v3, v0;
	v3 =	vld [tilespmem:s28+$0xB0F0]  }
0x18e: {  	v13 =	vadd.bf16 v14, v13;
	v14 =	vadd.bf16 v45, v44;
	v44 =	vld [tilespmem:$0x1FCB0]  }
0x18f: {  	v4 =	vadd.bf16 v16, v4;
	v45 =	vld [tilespmem:$0x1FCC0]  }
0x190: {  	[tilespmem:$0x1FD70] =	vst v63;
	v63 =	vld [tilespmem:s28+$0xB0A0]  }
0x191: {  	v4 =	vadd.bf16 v15, v4;
	v15 =	vld [tilespmem:s28+$0x17910]  }
0x192: {  	v51 =	vunpack.i.u.bf16.f32 v13;
	v13 =	vunpack.i.l.bf16.f32 v13;
	v56 =	vld [tilespmem:$0x1FD70]  }
0x193: {  	v13 =	vadd.f32 v13, v51;
	v51 =	vld [tilespmem:$0x1FD20];
	v20 =	vunpack.i.u.bf16.f32 v4;
	v4 =	vunpack.i.l.bf16.f32 v4  }
0x194: {  	v38 =	vmul.bf16 v38, v37;
	v17 =	vadd.f32 v4, v20;
	v20 =	vld [tilespmem:s28+$0x17920]  }
0x195: {  	v4 =	vmul.bf16 v22, v21;
	v22 =	vld [tilespmem:s28+$0xB130]  }
0x196: {  	v16 =	vunpack.i.u.bf16.f32 v0;
	v0 =	vunpack.i.l.bf16.f32 v0;
	v21 =	vadd.bf16 v40, v38;
	v38 =	vld [tilespmem:s28+$0xB1A0]  }
0x197: {  	v0 =	vadd.f32 v0, v16;
	v16 =	vmul.bf16 v45, v44;
	v45 =	vld [tilespmem:s28+$0xB1C0]  }
0x198: {  	v40 =	vmul.bf16 v59, v48;
	v59 =	vld [tilespmem:$0x1FDA0]  }
0x199: {  	v48 =	vld [tilespmem:s28+$0xB1D0]  }
0x19a: {  	[tilespmem:$0x1FD80] =	vst v63;
	v63 =	vld [tilespmem:s28+$0x178A0]  }
0x19b: {  	v23 =	vmul.bf16 v23, v30;
	v4 =	vadd.bf16 v24, v4;
	v24 =	vld [tilespmem:s28+$0x17930]  }
0x19c: {  	v30 =	vmul.bf16 v33, v29;
	v19 =	vadd.bf16 v21, v19;
	v21 =	vadd.bf16 v53, v52;
	v52 =	vld [tilespmem:$0x1FD30]  }
0x19d: {  	v2 =	vmul.bf16 v2, v60;
	v4 =	vadd.bf16 v4, v6;
	v6 =	vadd.bf16 v43, v42;
	v42 =	vld [tilespmem:$0x1FC90]  }
0x19e: {  	v9 =	vmul.bf16 v11, v9;
	v54 =	vunpack.i.u.bf16.f32 v19;
	v19 =	vunpack.i.l.bf16.f32 v19;
	v43 =	vld [tilespmem:$0x1FCA0]  }
0x19f: {  	v57 =	vunpack.i.u.bf16.f32 v21;
	v21 =	vunpack.i.l.bf16.f32 v21;
	v19 =	vadd.f32 v19, v54;
	v54 =	vld [tilespmem:$0x1FD50]  }
0x1a0: {  	v26 =	vmul.bf16 v28, v26;
	v3 =	vmul.bf16 v8, v3;
	v21 =	vadd.f32 v21, v57;
	v57 =	vld [tilespmem:$0x1FD80]  }
0x1a1: {  	v47 =	vunpack.i.u.bf16.f32 v4;
	v4 =	vunpack.i.l.bf16.f32 v4;
	v6 =	vadd.bf16 v14, v6;
	v14 =	vld [tilespmem:s28+$0x17970]  }
0x1a2: {  	v12 =	vmul.bf16 v15, v12;
	v3 =	vadd.bf16 v9, v3;
	v4 =	vadd.f32 v4, v47;
	v47 =	vld [tilespmem:$0x1FCE0]  }
0x1a3: {  	v53 =	vld [tilespmem:$0x1FD40];
	v33 =	vmul.bf16 v39, v38;
	v55 =	vunpack.i.u.bf16.f32 v6;
	v36 =	vmul.bf16 v43, v42  }
0x1a4: {  	v6 =	vunpack.i.l.bf16.f32 v6;
	v42 =	vmul.bf16 v61, v51;
	v43 =	vld [tilespmem:s28+$0x179B0];
	v61 =	vmul.bf16 v10, v7  }
0x1a5: {  	v6 =	vadd.f32 v6, v55;
	v55 =	vld [tilespmem:$0x1FD60];
	v16 =	vadd.bf16 v16, v36;
	v36 =	vmul.bf16 v50, v49  }
0x1a6: {  	v7 =	vld [tilespmem:s28+$0x179D0];
	v44 =	vmul.bf16 v62, v54;
	v1 =	vadd.bf16 v61, v1;
	v14 =	vmul.bf16 v14, v34  }
0x1a7: {  	v49 =	vld [tilespmem:s28+$0xB200];
	v37 =	vmul.bf16 v47, v46;
	v46 =	vmul.bf16 v63, v57;
	v36 =	vadd.bf16 v42, v36  }
0x1a8: {  	v61 =	vld [tilespmem:s28+$0x17A20];
	v16 =	vadd.bf16 v16, v31;
	v31 =	vmul.bf16 v59, v58;
	v58 =	vmul.bf16 v24, v22  }
0x1a9: {  	v47 =	vld [tilespmem:s28+$0x179C0];
	v34 =	vadd.bf16 v30, v14;
	v37 =	vadd.bf16 v40, v37;
	v40 =	vmul.bf16 v53, v52  }
0x1aa: {  	v57 =	vld [tilespmem:s28+$0x17A10];
	v42 =	vmul.bf16 v56, v55;
	v2 =	vadd.bf16 v2, v31;
	v31 =	vunpack.i.u.bf16.f32 v16  }
0x1ab: {  	v59 =	vld [tilespmem:s28+$0xB220];
	v16 =	vunpack.i.l.bf16.f32 v16;
	v36 =	vadd.bf16 v36, v37;
	v62 =	vadd.bf16 v44, v40  }
0x1ac: {  	v52 =	vld [tilespmem:s28+$0x17A00];
	v7 =	vmul.bf16 v7, v48;
	v63 =	vadd.bf16 v46, v42;
	v8 =	vadd.f32 v16, v31  }
0x1ad: {  	v55 =	vld [tilespmem:s28+$0xB210];
	v42 =	vmul.bf16 v20, v18;
	v1 =	vadd.bf16 v1, v2;
	v46 =	vunpack.i.u.bf16.f32 v36  }
0x1ae: {  	v11 =	vld [tilespmem:s28+$0xB1F0];
	v10 =	vadd.bf16 v63, v62;
	v50 =	vunpack.i.l.bf16.f32 v36;
	v62 =	vmul.bf16 v32, v27  }
0x1af: {  	v40 =	vld [tilespmem:s28+$0xB1E0];
	v51 =	vadd.bf16 v42, v12;
	v32 =	vmul.bf16 v35, v25;
	v35 =	vmul.bf16 v43, v41  }
0x1b0: {  	v44 =	vld [tilespmem:s28+$0x179F0];
	[tilespmem:$0x1E140] =	vst v0;
	v63 =	vadd.bf16 v26, v58;
	v36 =	vmul.bf16 v47, v45;
	v39 =	vmul.bf16 v61, v59  }
0x1b1: {  	[tilespmem:$0x1E158] =	vst v17;
	v53 =	vadd.f32 v50, v46;
	v56 =	vunpack.i.u.bf16.f32 v1;
	v1 =	vunpack.i.l.bf16.f32 v1  }
0x1b2: {  	[tilespmem:$0x1E170] =	vst v4;
	v2 =	vmul.bf16 v52, v49;
	v38 =	vmul.bf16 v57, v55;
	v3 =	vadd.bf16 v51, v3  }
0x1b3: {  	[tilespmem:$0x1E188] =	vst v13;
	v54 =	vunpack.i.u.bf16.f32 v10;
	v1 =	vadd.f32 v1, v56;
	v31 =	vadd.bf16 v62, v23  }
0x1b4: {  	[tilespmem:$0x1E1A0] =	vst v19;
	v10 =	vunpack.i.l.bf16.f32 v10;
	v37 =	vadd.bf16 v33, v32;
	v41 =	vadd.bf16 v36, v35  }
0x1b5: {  	[tilespmem:$0x1E1B8] =	vst v6;
	v10 =	vadd.f32 v10, v54;
	v5 =	vmul.bf16 v5, v40;
	v11 =	vmul.bf16 v44, v11  }
0x1b6: {  	[tilespmem:$0x1E1D0] =	vst v21;
	v6 =	vadd.bf16 v39, v38;
	v60 =	vunpack.i.u.bf16.f32 v3;
	v0 =	vadd.bf16 v31, v63  }
0x1b7: {  	[tilespmem:$0x1E1E8] =	vst v8;
	v3 =	vunpack.i.l.bf16.f32 v3;
	v4 =	vadd.bf16 v37, v34;
	v5 =	vadd.bf16 v5, v7  }
0x1b8: {  	v48 =	vld [tilespmem:$0x1FF00];
	[tilespmem:$0x1E200] =	vst v53;
	v3 =	vadd.f32 v3, v60;
	v2 =	vadd.bf16 v2, v11;
	v40 =	vunpack.i.u.bf16.f32 v0  }
0x1b9: {  	[tilespmem:$0x1E230] =	vst v1;
	v0 =	vunpack.i.l.bf16.f32 v0;
	v42 =	vunpack.i.u.bf16.f32 v4;
	v5 =	vadd.bf16 v5, v41  }
0x1ba: {  	v49 =	vld [tilespmem:$0x1FF10];
	[tilespmem:$0x1E218] =	vst v10;
	v4 =	vunpack.i.l.bf16.f32 v4;
	v0 =	vadd.f32 v0, v40;
	v2 =	vadd.bf16 v6, v2  }
0x1bb: {  	v43 =	vadd.f32 v4, v42;
	[tilespmem:$0x1E248] =	vst v3;
	v44 =	vunpack.i.u.bf16.f32 v5;
	v5 =	vunpack.i.l.bf16.f32 v5  }
0x1bc: {  	v50 =	vld [tilespmem:$0x1FF20];
	v46 =	vunpack.i.u.bf16.f32 v2;
	v2 =	vunpack.i.l.bf16.f32 v2;
	[tilespmem:$0x1E260] =	vst v0;
	v45 =	vadd.f32 v5, v44  }
0x1bd: {  	[tilespmem:$0x1E278] =	vst v43;
	v47 =	vadd.f32 v2, v46  }
0x1be: {  	v51 =	vld [tilespmem:$0x1FF30];
	[tilespmem:$0x1E290] =	vst v45  }
0x1bf: {  	v52 =	vld [tilespmem:$0x1FF40];
	[tilespmem:$0x1E2A8] =	vst v47  }
0x1c0: {  	v0 =	vld.idx.msk [tilespmem:v48+s16+$0x0], $0xffff  }
0x1c1: {  	v53 =	vld [tilespmem:$0x1FF50]  }
0x1c2: {  	v1 =	vld.idx.msk [tilespmem:v49+s16+$0x0], $0xffff  }
0x1c3: {  	v54 =	vld [tilespmem:$0x1FF60]  }
0x1c4: {  	v2 =	vld.idx.msk [tilespmem:v50+s16+$0x0], $0xffff  }
0x1c5: {  	v55 =	vld [tilespmem:$0x1FF70];
	v0 =	vadd.f32 $0.0e+00, v0  }
0x1c6: {  	v3 =	vld.idx.msk [tilespmem:v51+s16+$0x0], $0xffff  }
0x1c7: {  	v56 =	vld [tilespmem:$0x1FF80];
	v0 =	vadd.f32 v1, v0  }
0x1c8: {  	v1 =	vld.idx.msk [tilespmem:v52+s16+$0x0], $0xffff  }
0x1c9: {  	v57 =	vld [tilespmem:$0x1FF90];
	v0 =	vadd.f32 v2, v0  }
0x1ca: {  	v2 =	vld.idx.msk [tilespmem:v53+s16+$0x0], $0xffff  }
0x1cb: {  	v58 =	vld [tilespmem:$0x1FFA0];
	v0 =	vadd.f32 v3, v0  }
0x1cc: {  	v3 =	vld.idx.msk [tilespmem:v54+s16+$0x0], $0xffff  }
0x1cd: {  	v59 =	vld [tilespmem:$0x1FFB0];
	v0 =	vadd.f32 v1, v0  }
0x1ce: {  	v1 =	vld.idx.msk [tilespmem:v55+s16+$0x0], $0xffff  }
0x1cf: {  	v60 =	vld [tilespmem:$0x1FFC0];
	v0 =	vadd.f32 v2, v0  }
0x1d0: {  	v2 =	vld.idx.msk [tilespmem:v56+s16+$0x0], $0xffff  }
0x1d1: {  	v61 =	vld [tilespmem:$0x1FFD0];
	v0 =	vadd.f32 v3, v0  }
0x1d2: {  	v3 =	vld.idx.msk [tilespmem:v57+s16+$0x0], $0xffff  }
0x1d3: {  	v62 =	vld [tilespmem:$0x1FFE0];
	v0 =	vadd.f32 v1, v0  }
0x1d4: {  	v1 =	vld.idx.msk [tilespmem:v58+s16+$0x0], $0xffff  }
0x1d5: {  	v63 =	vld [tilespmem:$0x1FFF0];
	v0 =	vadd.f32 v2, v0  }
0x1d6: {  	v2 =	vld.idx.msk [tilespmem:v59+s16+$0x0], $0xffff  }
0x1d7: {  	v0 =	vadd.f32 v3, v0  }
0x1d8: {  	v3 =	vld.idx.msk [tilespmem:v60+s16+$0x0], $0xffff  }
0x1d9: {  	v0 =	vadd.f32 v1, v0  }
0x1da: {  	v1 =	vld.idx.msk [tilespmem:v61+s16+$0x0], $0xffff  }
0x1db: {  	v0 =	vadd.f32 v2, v0  }
0x1dc: {  	v2 =	vld.idx.msk [tilespmem:v62+s16+$0x0], $0xffff  }
0x1dd: {  	v0 =	vadd.f32 v3, v0  }
0x1de: {  	v3 =	vld.idx.msk [tilespmem:v63+s16+$0x0], $0xffff  }
0x1df: {  	v0 =	vadd.f32 v1, v0  }
0x1e0: {  	p0 =	sne.s32 s25, $0x18FC0  }
.Ltmp7:
0x1e1: {  	v0 =	vadd.f32 v2, v0;
	(pc) =	sbr.rel @p0 .LBB2_7-.Ltmp7, $3  }
0x1e2: {  	_ = 	snop  }
0x1e3: {  	v0 =	vadd.f32 v3, v0;
	_ =	sdelay $0x1  }
0x1e4: {  	s25 =	sadd.s32 $0x1000, s25;
	[tilespmem:s26+$0x0] =	vst v0;
	s26 =	sadd.s32 $0x10, s26  }
0x1e5: {  	s25 =	smul.u32 $0x190, s24  }
.Ltmp8:
0x1e6: {  	_ = 	snop;
	(pc) =	sbr.rel .LBB2_9-.Ltmp8, $4  }
0x1e7: {  	s25 =	sadd.s32 s4, s25  }
0x1e8: {  	s25 =	sshrl.u32 s25, $0x3  }
0x1e9: {  	s25 =	sadd.s32 s3, s25  }
0x1ea: {  	[hbm4b:s25+s5] =	stream.linear.scatter [tilespmem:s17], [sflag:$0x6], $0x190, $0x38;
	[tilespmem:$0x1E2C0] =	vst v63  }
.LBB2_11:
0x1eb: {  	_ =	sfence.sel $0x180000  }
0x1ec: {  	[bflag:$0x0] =	sbarrier.arrive $0xFFFF  }
0x1ed: {  	p0 =	sne.s32 s0, $0x0;
	_ =	strace $0x90000047  }
0x1ee: {  	s0 =	sadd.s32 @!p0 $0x100000, s1;
	[bflag:$0x2] =	sbarrier.arrive $0xFFFF  }
0x1ef: {  	[sflag:s0] =	ssyncadd.tile.s32 @!p0 $0x1;
	_ =	shalt  }
.Lfunc_end2:
_tile_overlayer_lowered:
.L_overlay_start_2:
0x1f0: {  	(tag) =	ssettag $0x2  }
0x1f1: {  	s0 =	rddreg [dreg:$0x0];
	s2 =	stileid.u32  }
0x1f2: {  	s1 =	rddreg [dreg:$0x1];
	p0 =	sne.s32 s2, $0x0  }
0x1f3: {  	s3 =	rddreg [dreg:$0x2];
	[bflag:$0x3] =	sbarrier.arrive $0xFFFF;
	s2 =	simm.s32 @!p0 $0x1C07  }
0x1f4: {  	[timem:s3], [sflag:s2] =	dma.local @!p0 [hbm:s0], s1  }
0x1f5: {  	s0 =	simm.s32 @!p0 $0x7  }
0x1f6: {  	_ =	swait.ge @!p0 [sflag:s0], s1  }
0x1f7: {  	s1 =	ssub.s32 @!p0 $0x0, s1;
	[sflag:s0] =	ssyncset.done @!p0 $0x0  }
0x1f8: {  	[sflag:s0] =	ssyncadd.s32 @!p0 s1  }
0x1f9: {  	[bflag:$0x3] =	sbarrier.arrive $0xFFFF  }
0x1fa: {  	_ =	shalt  }

</sc_bundles>
